<compile_context>
chip_gen: v7x
topology: tpu7x:2x2x1
jax: 0.10.2.dev20260603
libtpu: 0.0.44.dev20260713+nightly
codegen_flags: <defaults>
</compile_context>

<pallas_src>
import jax
import jax.numpy as jnp
from jax import lax
from jax.experimental import pallas as pl
from jax.experimental.pallas import tpu as pltpu
from jax.experimental.pallas import tpu_sc as plsc

_K = 5
_LABEL_SMOOTHING = 0.5
_SMOOTH_LOSS_WEIGHT = 0.5
_BR = 8
_LOG2E = 1.4426950408889634
_NSTREAMS = 4
_UNROLL = 8

_V = 100000
_V_TC = 91776
_SC_CORES = 2
_SC_SUBCORES = 16
_NW = _SC_CORES * _SC_SUBCORES
_SC_CHUNK = 8192


def _row_kernel(lbl_ref, x_ref, v5_ref, c5_ref, ssum_ref, amax_ref, lblv_ref):
    br = x_ref.shape[0]
    v = x_ref.shape[1]
    neg = jnp.float32(-jnp.inf)

    nfull = v // 128
    tail_w = v - nfull * 128

    def fresh_state():
        return (
            jnp.full((br, 128), neg, jnp.float32),
            jnp.full((br, 128), neg, jnp.float32),
            jnp.full((br, 128), neg, jnp.float32),
            jnp.full((br, 128), neg, jnp.float32),
            jnp.full((br, 128), neg, jnp.float32),
            jnp.full((br, 128), jnp.int32(nfull), jnp.int32),
            jnp.zeros((br, 128), jnp.float32),
        )

    states = [fresh_state() for _ in range(_NSTREAMS)]

    if tail_w:
        xt = x_ref[:, nfull * 128 :]
        padf = jnp.full((br, 128 - tail_w), neg, jnp.float32)
        t1 = jnp.concatenate([xt, padf], axis=1)
        s = jnp.concatenate(
            [jnp.exp2(xt * _LOG2E), jnp.zeros((br, 128 - tail_w), jnp.float32)],
            axis=1,
        )
        st = states[0]
        states[0] = (t1, st[1], st[2], st[3], st[4], st[5], s)

    def insert(state, j):
        t1, t2, t3, t4, t5, i1, s = state
        xj = x_ref[:, pl.ds(pl.multiple_of(j * 128, 128), 128)]
        upd = xj >= t1
        i1 = jnp.where(upd, jnp.int32(j) if isinstance(j, int) else j, i1)
        d = jnp.minimum(t1, xj)
        t1 = jnp.maximum(t1, xj)
        d2 = jnp.minimum(t2, d)
        t2 = jnp.maximum(t2, d)
        d3 = jnp.minimum(t3, d2)
        t3 = jnp.maximum(t3, d2)
        d4 = jnp.minimum(t4, d3)
        t4 = jnp.maximum(t4, d3)
        t5 = jnp.maximum(t5, d4)
        s = s + jnp.exp2(xj * _LOG2E)
        return t1, t2, t3, t4, t5, i1, s

    iters = nfull // _UNROLL
    rem = nfull - iters * _UNROLL

    for j in range(nfull - 1, nfull - rem - 1, -1):
        states[j % _NSTREAMS] = insert(states[j % _NSTREAMS], j)

    def body(it, carry):
        states = [tuple(c) for c in carry]
        base = (iters - 1 - it) * _UNROLL
        for u in range(_UNROLL - 1, -1, -1):
            sid = u % _NSTREAMS
            states[sid] = insert(states[sid], base + u)
        return tuple(states)

    if iters:
        states = list(
            jax.lax.fori_loop(0, iters, body, tuple(tuple(s) for s in states))
        )

    t1s = [st[0] for st in states]
    t1m = t1s[0]
    for t in t1s[1:]:
        t1m = jnp.maximum(t1m, t)
    m = jnp.max(t1m, axis=1, keepdims=True)

    ssum_l = states[0][6]
    for st in states[1:]:
        ssum_l = ssum_l + st[6]
    ssum_ref[...] = jnp.sum(ssum_l, axis=1, keepdims=True)

    lanes = jax.lax.broadcasted_iota(jnp.int32, (br, 128), 1)
    big = jnp.int32(2**30)
    amax = jnp.full((br, 1), big, jnp.int32)
    for st in states:
        gidx = st[5] * 128 + lanes
        cand_idx = jnp.where(st[0] == m, gidx, big)
        amax = jnp.minimum(amax, jnp.min(cand_idx, axis=1, keepdims=True))
    amax_ref[...] = amax

    cand = jnp.concatenate(
        [st[i] for st in states for i in range(5)], axis=1
    )
    t = m
    for k in range(_K):
        c = jnp.sum(jnp.where(cand == t, 1.0, 0.0), axis=1, keepdims=True)
        v5_ref[:, k : k + 1] = t
        c5_ref[:, k : k + 1] = c
        t = jnp.max(jnp.where(cand < t, cand, neg), axis=1, keepdims=True)

    lane128 = jax.lax.broadcasted_iota(jnp.int32, (1, 128), 1)
    if tail_w:
        lane_t = jax.lax.broadcasted_iota(jnp.int32, (1, tail_w), 1)
    lvals = []
    for r in range(br):
        idx = lbl_ref[r, 0]
        jl = jnp.minimum(idx // 128, jnp.int32(nfull - 1))
        v0 = x_ref[pl.ds(r, 1), pl.ds(pl.multiple_of(jl * 128, 128), 128)]
        off = idx - jl * 128
        val = jnp.sum(jnp.where(lane128 == off, v0, 0.0), axis=1, keepdims=True)
        if tail_w:
            off_t = idx - jnp.int32(nfull * 128)
            val = val + jnp.sum(
                jnp.where(lane_t == off_t, xt[r : r + 1, :], 0.0),
                axis=1,
                keepdims=True,
            )
        lvals.append(val)
    lblv_ref[...] = jnp.concatenate(lvals, axis=0)


def _sc_worker(x1_ref, lbl_hbm, out_hbm, lblout_hbm, buf, lblbuf, resbuf, lblres, gbuf, sem):
    wid = lax.axis_index("s") * _SC_CORES + lax.axis_index("c")
    rows_per_w = 1024 // _NW
    base = wid * rows_per_w
    lanes = lax.iota(jnp.int32, 16)
    neg = jnp.float32(-jnp.inf)
    v_sc = _V - _V_TC

    chunks = []
    off = 0
    while off < v_sc:
        c = min(_SC_CHUNK, v_sc - off)
        chunks.append((off, c))
        off += c

    def row_body(r, carry_dummy):
        row = base + r
        rowstart = row * _V + _V_TC
        st = (
            jnp.full((16,), neg, jnp.float32),
            jnp.full((16,), neg, jnp.float32),
            jnp.full((16,), neg, jnp.float32),
            jnp.full((16,), neg, jnp.float32),
            jnp.full((16,), neg, jnp.float32),
            jnp.zeros((16,), jnp.float32),
            jnp.zeros((16,), jnp.float32),
        )
        for coff, csz in chunks:
            pltpu.sync_copy(
                x1_ref.at[pl.ds(rowstart + coff, csz)], buf.at[pl.ds(0, csz)]
            )
            gbase = jnp.int32(coff // 16)

            def inner(g, st):
                t1, t2, t3, t4, t5, i1, s = st
                xv = buf[pl.ds(g * 16, 16)]
                i1 = jnp.where(xv > t1, (g + gbase).astype(jnp.float32), i1)
                d = jnp.minimum(t1, xv)
                t1 = jnp.maximum(t1, xv)
                d2 = jnp.minimum(t2, d)
                t2 = jnp.maximum(t2, d)
                d3 = jnp.minimum(t3, d2)
                t3 = jnp.maximum(t3, d2)
                d4 = jnp.minimum(t4, d3)
                t4 = jnp.maximum(t4, d3)
                t5 = jnp.maximum(t5, d4)
                s = s + jnp.exp(xv)
                return (t1, t2, t3, t4, t5, i1, s)

            st = lax.fori_loop(0, csz // 16, inner, st)

        t1, t2, t3, t4, t5, i1, s = st
        m = jnp.max(t1)
        gidxf = i1 * 16.0 + lanes.astype(jnp.float32) + jnp.float32(_V_TC)
        amaxf = -jnp.max(jnp.where(t1 == m, -gidxf, jnp.float32(-1e9)))
        ssum = jnp.sum(s)

        ts = [t1, t2, t3, t4, t5]
        t = m
        p = jnp.zeros((16,), jnp.float32)
        for k in range(_K):
            c = jnp.float32(0.0)
            nt = neg
            for tj in ts:
                c = c + jnp.sum(jnp.where(tj == t, 1.0, 0.0))
                nt = jnp.maximum(nt, jnp.max(jnp.where(tj < t, tj, neg)))
            p = jnp.where(lanes == k, t, p)
            p = jnp.where(lanes == _K + k, c, p)
            t = nt
        p = jnp.where(lanes == 10, ssum, p)
        p = jnp.where(lanes == 11, amaxf, p)
        resbuf[pl.ds(r * 16, 16)] = p
        return carry_dummy

    lax.fori_loop(0, rows_per_w, row_body, jnp.int32(0))
    pltpu.sync_copy(resbuf, out_hbm.at[pl.ds(base * 16, rows_per_w * 16)])

    pltpu.sync_copy(lbl_hbm.at[pl.ds(base, rows_per_w)], lblbuf)
    for k in range(rows_per_w // 16):
        lv = lblbuf[pl.ds(k * 16, 16)]
        rows = (base + k * 16 + lanes) * jnp.int32(_V) + lv
        pltpu.async_copy(x1_ref.at[rows], gbuf, sem).wait()
        vals = jnp.where(lv >= jnp.int32(_V_TC), gbuf[...], jnp.float32(0.0))
        lblres[pl.ds(k * 16, 16)] = vals
    pltpu.sync_copy(lblres, lblout_hbm.at[pl.ds(base, rows_per_w)])


def _sc_call(x1d, labels):
    b = labels.shape[0]
    rows_per_w = b // _NW
    mesh = plsc.VectorSubcoreMesh(
        core_axis_name="c",
        subcore_axis_name="s",
        num_cores=_SC_CORES,
        num_subcores=_SC_SUBCORES,
    )
    return pl.kernel(
        _sc_worker,
        out_type=[
            jax.ShapeDtypeStruct((b * 16,), jnp.float32),
            jax.ShapeDtypeStruct((b,), jnp.float32),
        ],
        mesh=mesh,
        compiler_params=pltpu.CompilerParams(needs_layout_passes=False),
        scratch_types=[
            pltpu.VMEM((_SC_CHUNK,), jnp.float32),
            pltpu.VMEM((rows_per_w,), jnp.int32),
            pltpu.VMEM((rows_per_w * 16,), jnp.float32),
            pltpu.VMEM((rows_per_w,), jnp.float32),
            pltpu.VMEM((16,), jnp.float32),
            pltpu.SemaphoreType.DMA,
        ],
    )(x1d, labels)


def _combine_kernel(
    lbl_ref, v5t_ref, c5t_ref, ssumt_ref, amaxt_ref, lblvt_ref, scp_ref, sclbl_ref, out_ref
):
    neg = jnp.float32(-jnp.inf)
    v5t = v5t_ref[...]
    c5t = c5t_ref[...]
    scp = scp_ref[...]
    v_sc = scp[:, 0:5]
    c_sc = scp[:, 5:10]
    ssum = ssumt_ref[...] + scp[:, 10:11]
    amax_sc = scp[:, 11:12].astype(jnp.int32)
    lse = jnp.log(ssum)
    m_tc = v5t[:, 0:1]
    m_sc = scp[:, 0:1]
    amax = jnp.where(m_tc >= m_sc, amaxt_ref[...], amax_sc)
    lblv = lblvt_ref[...] + sclbl_ref[...]

    vall = jnp.concatenate([v5t, v_sc], axis=1)
    call = jnp.concatenate([c5t, c_sc], axis=1)
    t = jnp.maximum(m_tc, m_sc)
    rem = jnp.full_like(t, jnp.float32(_K))
    acc = jnp.zeros_like(t)
    for _ in range(_K):
        cnt = jnp.sum(jnp.where(vall == t, call, 0.0), axis=1, keepdims=True)
        take = jnp.minimum(cnt, rem)
        acc = acc + jnp.where(take > 0.0, t * take, 0.0)
        rem = rem - take
        t = jnp.max(jnp.where(vall < t, vall, neg), axis=1, keepdims=True)

    hard = lse - lblv
    uniform = (lse - acc / _K) * _LABEL_SMOOTHING
    smooth = uniform + (1.0 - _LABEL_SMOOTHING) * hard
    corr = (amax == lbl_ref[...]).astype(jnp.float32)

    n = jnp.float32(corr.shape[0])
    nc = jnp.sum(corr)
    ni = n - nc
    sw = _SMOOTH_LOSS_WEIGHT * (nc / n)
    hw = (1.0 - _SMOOTH_LOSS_WEIGHT) * (ni / n)
    tot = sw + hw
    sw = sw / tot
    hw = hw / tot
    hard_loss = jnp.sum(corr * hard) * hw / jnp.maximum(nc, 1.0)
    smooth_loss = jnp.sum((1.0 - corr) * smooth) * sw / jnp.maximum(ni, 1.0)
    out_ref[...] = jnp.reshape(hard_loss + smooth_loss, (1, 1))


def kernel(logits, labels):
    b, v = logits.shape
    lbl2 = labels.reshape(b, 1)
    x1d = logits.reshape(-1)
    nb = b // _BR

    scp, sclbl = _sc_call(x1d, labels)
    scp = scp.reshape(b, 16)
    sclbl = sclbl.reshape(b, 1)

    v5, c5, ssum, amax, lblv = pl.pallas_call(
        _row_kernel,
        grid=(nb,),
        in_specs=[
            pl.BlockSpec((_BR, 1), lambda i: (i, 0), memory_space=pltpu.SMEM),
            pl.BlockSpec((_BR, _V_TC), lambda i: (i, 0)),
        ],
        out_specs=[
            pl.BlockSpec((_BR, _K), lambda i: (i, 0)),
            pl.BlockSpec((_BR, _K), lambda i: (i, 0)),
            pl.BlockSpec((_BR, 1), lambda i: (i, 0)),
            pl.BlockSpec((_BR, 1), lambda i: (i, 0)),
            pl.BlockSpec((_BR, 1), lambda i: (i, 0)),
        ],
        out_shape=[
            jax.ShapeDtypeStruct((b, _K), jnp.float32),
            jax.ShapeDtypeStruct((b, _K), jnp.float32),
            jax.ShapeDtypeStruct((b, 1), jnp.float32),
            jax.ShapeDtypeStruct((b, 1), jnp.int32),
            jax.ShapeDtypeStruct((b, 1), jnp.float32),
        ],
    )(lbl2, logits)

    out = pl.pallas_call(
        _combine_kernel,
        out_shape=jax.ShapeDtypeStruct((1, 1), jnp.float32),
    )(lbl2, v5, c5, ssum, amax, lblv, scp, sclbl)
    return out[0, 0]

# --- scband reference (transcript-rebuilt; emitter-appended) ---
"""Pipeline reference for scband-selective-smoothing-loss-82660940579517 (READ-ONLY COPY).

The authoritative reference and input builder live on the scoring server;
editing this copy changes nothing except your own understanding.
"""

import jax, jax.numpy as jnp
import numpy as np

B = 1024
V = 100000
K = 5
LABEL_SMOOTHING = 0.5
SMOOTH_LOSS_WEIGHT = 0.5


def setup_inputs(seed: int = 0):
    key = jax.random.key(seed)
    k1, k2 = jax.random.split(key)
    logits = jax.random.normal(k1, (B, V), dtype=jnp.float32)
    labels = jax.random.randint(k2, (B,), 0, V, dtype=jnp.int32)
    # make roughly half the predictions 'correct' so both loss branches are exercised
    preds = jnp.argmax(logits, axis=-1).astype(jnp.int32)
    labels = labels.at[: B // 2].set(preds[: B // 2])
    return {"logits": logits, "labels": labels}


def _ce_hard(logits, labels):
    # per-sample cross-entropy with integer targets (reduction='none')
    logp = jax.nn.log_softmax(logits, axis=-1)
    return -jnp.take_along_axis(logp, labels[:, None], axis=-1)[:, 0]


def _ce_soft(logits, targets):
    # per-sample cross-entropy with soft (probability) targets
    logp = jax.nn.log_softmax(logits, axis=-1)
    return -jnp.sum(targets * logp, axis=-1)


def _topk_smoothing(logits, labels):
    # TopKSmoothingLoss with reduction='none'
    idx = jax.lax.top_k(logits, K)[1]
    rows = jnp.arange(logits.shape[0])[:, None]
    uniform = jnp.zeros_like(logits).at[rows, idx].set(1.0 / K)
    uniform_loss = _ce_soft(logits, uniform) * LABEL_SMOOTHING
    hard_loss = _ce_hard(logits, labels) * (1.0 - LABEL_SMOOTHING)
    return uniform_loss + hard_loss


def reference(logits, labels):
    correct = jnp.argmax(logits, axis=-1) == labels
    n = correct.shape[0]
    nc = jnp.sum(correct.astype(jnp.float32))
    ni = n - nc
    hard = _ce_hard(logits, labels)
    smooth = _topk_smoothing(logits, labels)
    # weighted_average=True branch
    sw = SMOOTH_LOSS_WEIGHT * (nc / n)
    hw = (1.0 - SMOOTH_LOSS_WEIGHT) * (ni / n)
    tot = sw + hw
    sw = sw / tot
    hw = hw / tot
    hard_loss = jnp.sum(jnp.where(correct, hard * hw, 0.0)) / jnp.maximum(nc, 1.0)
    smooth_loss = jnp.sum(jnp.where(correct, 0.0, smooth * sw)) / jnp.maximum(ni, 1.0)
    return hard_loss + smooth_loss

if __name__ == "__main__":
    import jax
    _d = setup_inputs()
    print(jax.jit(kernel)(*tuple(_d.values())))

</pallas_src>

<mosaic_0001>
#map = affine_map<(d0, d1) -> (0)>
module attributes {stable_mosaic.version = 14 : i64} {
  func.func @_sc_worker(%arg0: i32, %arg1: i32, %arg2: memref<102400000xf32, #tpu.memory_space<hbm>>, %arg3: memref<1024xi32, #tpu.memory_space<hbm>>, %arg4: memref<16384xf32, #tpu.memory_space<hbm>>, %arg5: memref<1024xf32, #tpu.memory_space<hbm>>, %arg6: memref<8192xf32, #tpu.memory_space<vmem>>, %arg7: memref<32xi32, #tpu.memory_space<vmem>>, %arg8: memref<512xf32, #tpu.memory_space<vmem>>, %arg9: memref<32xf32, #tpu.memory_space<vmem>>, %arg10: memref<16xf32, #tpu.memory_space<vmem>>, %arg11: memref<!tpu.dma_semaphore, #tpu.memory_space<semaphore_mem>>) attributes {dimension_semantics = [#tpu.dimension_semantics<core_parallel>, #tpu.dimension_semantics<subcore_parallel>], iteration_bounds = array<i64: 2, 16>, scalar_prefetch = 0 : i64, scratch_operands = 6 : i64, tpu.core_type = #tpu.core_type<sc_vector_subcore>, window_params = [{transform_indices = #map}, {transform_indices = #map}, {transform_indices = #map}, {transform_indices = #map}]} {
    %mul3A = arith.constant 2 : i32
    %mul3A_0 = arith.muli %arg1, %mul3A : i32
    %add3A = arith.addi %mul3A_0, %arg0 : i32
    %mul3A_1 = arith.constant 32 : i32
    %mul3A_2 = arith.muli %add3A, %mul3A_1 : i32
    %iota3A = tpu.iota {dimensions = array<i32: 0>} : vector<16xi32>
    %scan3A = arith.constant 0 : i32
    %scan3A_3 = arith.constant 0xFF800000 : f32
    %scan3A_4 = arith.constant 0 : i32
    %scan3A_5 = arith.constant 32 : i32
    %scan3A_6 = arith.addi %scan3A_4, %scan3A_5 : i32
    %scan3A_7 = arith.constant 1 : i32
    scf.for %scan3A_51 = %scan3A_4 to %scan3A_6 step %scan3A_7  : i32 {
      %add3A_52 = arith.addi %mul3A_2, %scan3A_51 : i32
      %mul3A_53 = arith.constant 100000 : i32
      %mul3A_54 = arith.muli %add3A_52, %mul3A_53 : i32
      %add3A_55 = arith.constant 91776 : i32
      %add3A_56 = arith.addi %mul3A_54, %add3A_55 : i32
      %broadcast_in_dim3A_57 = vector.broadcast %scan3A_3 : f32 to vector<16xf32>
      %broadcast_in_dim3A_58 = vector.broadcast %scan3A_3 : f32 to vector<16xf32>
      %broadcast_in_dim3A_59 = vector.broadcast %scan3A_3 : f32 to vector<16xf32>
      %broadcast_in_dim3A_60 = vector.broadcast %scan3A_3 : f32 to vector<16xf32>
      %broadcast_in_dim3A_61 = vector.broadcast %scan3A_3 : f32 to vector<16xf32>
      %broadcast_in_dim3A_62 = arith.constant 0.000000e+00 : f32
      %broadcast_in_dim3A_63 = vector.broadcast %broadcast_in_dim3A_62 : f32 to vector<16xf32>
      %broadcast_in_dim3A_64 = arith.constant 0.000000e+00 : f32
      %broadcast_in_dim3A_65 = vector.broadcast %broadcast_in_dim3A_64 : f32 to vector<16xf32>
      %add3A_66 = arith.constant 0 : i32
      %add3A_67 = arith.addi %add3A_56, %add3A_66 : i32
      "tpu.region"() ({
        %run_scoped3A = tpu.sem_alloc : memref<!tpu.dma_semaphore, #tpu.memory_space<semaphore_mem>>
        %dma_start3A_703 = arith.constant 0 : i32
        %dma_start3A_704 = tpu.memref_slice %arg6[%dma_start3A_703] : memref<8192xf32, #tpu.memory_space<vmem>> -> memref<8192xf32, #tpu.memory_space<vmem>>
        %dma_start3A_705 = tpu.memref_slice %arg2[%add3A_67] : memref<102400000xf32, #tpu.memory_space<hbm>> -> memref<8192xf32, #tpu.memory_space<hbm>>
        %dma_start3A_706 = arith.constant 0 : i32
        %dma_start3A_707 = tpu.memref_slice %arg6[%dma_start3A_706] : memref<8192xf32, #tpu.memory_space<vmem>> -> memref<8192xf32, #tpu.memory_space<vmem>>
        %dma_start3A_708 = tpu.memref_slice %arg2[%add3A_67] : memref<102400000xf32, #tpu.memory_space<hbm>> -> memref<8192xf32, #tpu.memory_space<hbm>>
        tpu.enqueue_dma source(%dma_start3A_708 : memref<8192xf32, #tpu.memory_space<hbm>>) target(%dma_start3A_707 : memref<8192xf32, #tpu.memory_space<vmem>>) target_semaphore(%run_scoped3A : memref<!tpu.dma_semaphore, #tpu.memory_space<semaphore_mem>>)
        %dma_wait3A_709 = arith.constant 0 : i32
        %dma_wait3A_710 = tpu.memref_slice %arg6[%dma_wait3A_709] : memref<8192xf32, #tpu.memory_space<vmem>> -> memref<8192xf32, #tpu.memory_space<vmem>>
        %dma_wait3A_711 = tpu.memref_slice %arg2[%add3A_67] : memref<102400000xf32, #tpu.memory_space<hbm>> -> memref<8192xf32, #tpu.memory_space<hbm>>
        %dma_wait3A_712 = arith.constant 0 : i32
        %dma_wait3A_713 = tpu.memref_slice %arg6[%dma_wait3A_712] : memref<8192xf32, #tpu.memory_space<vmem>> -> memref<8192xf32, #tpu.memory_space<vmem>>
        %dma_wait3A_714 = tpu.memref_slice %arg2[%add3A_67] : memref<102400000xf32, #tpu.memory_space<hbm>> -> memref<8192xf32, #tpu.memory_space<hbm>>
        tpu.wait_dma2 semaphore(%run_scoped3A : memref<!tpu.dma_semaphore, #tpu.memory_space<semaphore_mem>>) src(%dma_wait3A_714 : memref<8192xf32, #tpu.memory_space<hbm>>) dst(%dma_wait3A_713 : memref<8192xf32, #tpu.memory_space<vmem>>)
        tpu.yield
      }) : () -> ()
      %scan3A_68 = arith.constant 0 : i32
      %scan3A_69 = arith.constant 0 : i32
      %scan3A_70 = arith.constant 512 : i32
      %scan3A_71 = arith.addi %scan3A_69, %scan3A_70 : i32
      %scan3A_72 = arith.constant 1 : i32
      %scan3A_73:7 = scf.for %scan3A_703 = %scan3A_69 to %scan3A_71 step %scan3A_72 iter_args(%scan3A_704 = %broadcast_in_dim3A_57, %scan3A_705 = %broadcast_in_dim3A_58, %scan3A_706 = %broadcast_in_dim3A_59, %scan3A_707 = %broadcast_in_dim3A_60, %scan3A_708 = %broadcast_in_dim3A_61, %scan3A_709 = %broadcast_in_dim3A_63, %scan3A_710 = %broadcast_in_dim3A_65) -> (vector<16xf32>, vector<16xf32>, vector<16xf32>, vector<16xf32>, vector<16xf32>, vector<16xf32>, vector<16xf32>)  : i32 {
        %mul3A_711 = arith.constant 16 : i32
        %mul3A_712 = arith.muli %scan3A_703, %mul3A_711 : i32
        %get3A_713 = arith.index_cast %mul3A_712 : i32 to index
        %get3A_714 = tpu.vector_load %arg6[%get3A_713] {strides = array<i32>} : memref<8192xf32, #tpu.memory_space<vmem>>, vector<16xf32>,
        %gt3A = arith.cmpf ogt, %get3A_714, %scan3A_704 : vector<16xf32>
        %add3A_715 = arith.addi %scan3A_703, %scan3A_68 : i32
        %convert_element_type3A_716 = arith.sitofp %add3A_715 : i32 to f32
        %broadcast_in_dim3A_717 = vector.broadcast %convert_element_type3A_716 : f32 to vector<16xf32>
        %select_n3A_718 = arith.select %gt3A, %broadcast_in_dim3A_717, %scan3A_709 : vector<16xi1>, vector<16xf32>
        %min3A = arith.minimumf %scan3A_704, %get3A_714 : vector<16xf32>
        %max3A_719 = arith.maximumf %scan3A_704, %get3A_714 : vector<16xf32>
        %min3A_720 = arith.minimumf %scan3A_705, %min3A : vector<16xf32>
        %max3A_721 = arith.maximumf %scan3A_705, %min3A : vector<16xf32>
        %min3A_722 = arith.minimumf %scan3A_706, %min3A_720 : vector<16xf32>
        %max3A_723 = arith.maximumf %scan3A_706, %min3A_720 : vector<16xf32>
        %min3A_724 = arith.minimumf %scan3A_707, %min3A_722 : vector<16xf32>
        %max3A_725 = arith.maximumf %scan3A_707, %min3A_722 : vector<16xf32>
        %max3A_726 = arith.maximumf %scan3A_708, %min3A_724 : vector<16xf32>
        %exp3A = math.exp %get3A_714 : vector<16xf32>
        %add3A_727 = arith.addf %scan3A_710, %exp3A : vector<16xf32>
        scf.yield %max3A_719, %max3A_721, %max3A_723, %max3A_725, %max3A_726, %select_n3A_718, %add3A_727 : vector<16xf32>, vector<16xf32>, vector<16xf32>, vector<16xf32>, vector<16xf32>, vector<16xf32>, vector<16xf32>
      }
      %scan3A_74 = arith.constant 512 : i32
      %add3A_75 = arith.constant 8192 : i32
      %add3A_76 = arith.addi %add3A_56, %add3A_75 : i32
      "tpu.region"() ({
        %run_scoped3A = tpu.sem_alloc : memref<!tpu.dma_semaphore, #tpu.memory_space<semaphore_mem>>
        %dma_start3A_703 = arith.constant 0 : i32
        %dma_start3A_704 = tpu.memref_slice %arg6[%dma_start3A_703] : memref<8192xf32, #tpu.memory_space<vmem>> -> memref<32xf32, #tpu.memory_space<vmem>>
        %dma_start3A_705 = tpu.memref_slice %arg2[%add3A_76] : memref<102400000xf32, #tpu.memory_space<hbm>> -> memref<32xf32, #tpu.memory_space<hbm>>
        %dma_start3A_706 = arith.constant 0 : i32
        %dma_start3A_707 = tpu.memref_slice %arg6[%dma_start3A_706] : memref<8192xf32, #tpu.memory_space<vmem>> -> memref<32xf32, #tpu.memory_space<vmem>>
        %dma_start3A_708 = tpu.memref_slice %arg2[%add3A_76] : memref<102400000xf32, #tpu.memory_space<hbm>> -> memref<32xf32, #tpu.memory_space<hbm>>
        tpu.enqueue_dma source(%dma_start3A_708 : memref<32xf32, #tpu.memory_space<hbm>>) target(%dma_start3A_707 : memref<32xf32, #tpu.memory_space<vmem>>) target_semaphore(%run_scoped3A : memref<!tpu.dma_semaphore, #tpu.memory_space<semaphore_mem>>)
        %dma_wait3A_709 = arith.constant 0 : i32
        %dma_wait3A_710 = tpu.memref_slice %arg6[%dma_wait3A_709] : memref<8192xf32, #tpu.memory_space<vmem>> -> memref<32xf32, #tpu.memory_space<vmem>>
        %dma_wait3A_711 = tpu.memref_slice %arg2[%add3A_76] : memref<102400000xf32, #tpu.memory_space<hbm>> -> memref<32xf32, #tpu.memory_space<hbm>>
        %dma_wait3A_712 = arith.constant 0 : i32
        %dma_wait3A_713 = tpu.memref_slice %arg6[%dma_wait3A_712] : memref<8192xf32, #tpu.memory_space<vmem>> -> memref<32xf32, #tpu.memory_space<vmem>>
        %dma_wait3A_714 = tpu.memref_slice %arg2[%add3A_76] : memref<102400000xf32, #tpu.memory_space<hbm>> -> memref<32xf32, #tpu.memory_space<hbm>>
        tpu.wait_dma2 semaphore(%run_scoped3A : memref<!tpu.dma_semaphore, #tpu.memory_space<semaphore_mem>>) src(%dma_wait3A_714 : memref<32xf32, #tpu.memory_space<hbm>>) dst(%dma_wait3A_713 : memref<32xf32, #tpu.memory_space<vmem>>)
        tpu.yield
      }) : () -> ()
      %scan3A_77 = arith.constant 512 : i32
      %scan3A_78 = arith.constant 0 : i32
      %scan3A_79 = arith.constant 2 : i32
      %scan3A_80 = arith.addi %scan3A_78, %scan3A_79 : i32
      %scan3A_81 = arith.constant 1 : i32
      %scan3A_82:7 = scf.for %scan3A_703 = %scan3A_78 to %scan3A_80 step %scan3A_81 iter_args(%scan3A_704 = %scan3A_73#0, %scan3A_705 = %scan3A_73#1, %scan3A_706 = %scan3A_73#2, %scan3A_707 = %scan3A_73#3, %scan3A_708 = %scan3A_73#4, %scan3A_709 = %scan3A_73#5, %scan3A_710 = %scan3A_73#6) -> (vector<16xf32>, vector<16xf32>, vector<16xf32>, vector<16xf32>, vector<16xf32>, vector<16xf32>, vector<16xf32>)  : i32 {
        %mul3A_711 = arith.constant 16 : i32
        %mul3A_712 = arith.muli %scan3A_703, %mul3A_711 : i32
        %get3A_713 = arith.index_cast %mul3A_712 : i32 to index
        %get3A_714 = tpu.vector_load %arg6[%get3A_713] {strides = array<i32>} : memref<8192xf32, #tpu.memory_space<vmem>>, vector<16xf32>,
        %gt3A = arith.cmpf ogt, %get3A_714, %scan3A_704 : vector<16xf32>
        %add3A_715 = arith.addi %scan3A_703, %scan3A_77 : i32
        %convert_element_type3A_716 = arith.sitofp %add3A_715 : i32 to f32
        %broadcast_in_dim3A_717 = vector.broadcast %convert_element_type3A_716 : f32 to vector<16xf32>
        %select_n3A_718 = arith.select %gt3A, %broadcast_in_dim3A_717, %scan3A_709 : vector<16xi1>, vector<16xf32>
        %min3A = arith.minimumf %scan3A_704, %get3A_714 : vector<16xf32>
        %max3A_719 = arith.maximumf %scan3A_704, %get3A_714 : vector<16xf32>
        %min3A_720 = arith.minimumf %scan3A_705, %min3A : vector<16xf32>
        %max3A_721 = arith.maximumf %scan3A_705, %min3A : vector<16xf32>
        %min3A_722 = arith.minimumf %scan3A_706, %min3A_720 : vector<16xf32>
        %max3A_723 = arith.maximumf %scan3A_706, %min3A_720 : vector<16xf32>
        %min3A_724 = arith.minimumf %scan3A_707, %min3A_722 : vector<16xf32>
        %max3A_725 = arith.maximumf %scan3A_707, %min3A_722 : vector<16xf32>
        %max3A_726 = arith.maximumf %scan3A_708, %min3A_724 : vector<16xf32>
        %exp3A = math.exp %get3A_714 : vector<16xf32>
        %add3A_727 = arith.addf %scan3A_710, %exp3A : vector<16xf32>
        scf.yield %max3A_719, %max3A_721, %max3A_723, %max3A_725, %max3A_726, %select_n3A_718, %add3A_727 : vector<16xf32>, vector<16xf32>, vector<16xf32>, vector<16xf32>, vector<16xf32>, vector<16xf32>, vector<16xf32>
      }
      %scan3A_83 = arith.constant 2 : i32
      %reduce_max3A = arith.constant true
      %reduce_max3A_84 = vector.broadcast %reduce_max3A : i1 to vector<16xi1>
      %reduce_max3A_85 = tpu.scan <max>, %scan3A_82#0 masked %reduce_max3A_84 : vector<16xf32>, vector<16xi1> -> vector<16xf32>
      %reduce_max3A_86 = vector.extract %reduce_max3A_85[15] : f32 from vector<16xf32>
      %mul3A_87 = arith.constant 1.600000e+01 : f32
      %mul3A_88 = vector.broadcast %mul3A_87 : f32 to vector<16xf32>
      %mul3A_89 = arith.mulf %scan3A_82#5, %mul3A_88 : vector<16xf32>
      %convert_element_type3A = arith.sitofp %iota3A : vector<16xi32> to vector<16xf32>
      %add3A_90 = arith.addf %mul3A_89, %convert_element_type3A : vector<16xf32>
      %add3A_91 = arith.constant 9.177600e+04 : f32
      %add3A_92 = vector.broadcast %add3A_91 : f32 to vector<16xf32>
      %add3A_93 = arith.addf %add3A_90, %add3A_92 : vector<16xf32>
      %eq3A = vector.broadcast %reduce_max3A_86 : f32 to vector<16xf32>
      %eq3A_94 = arith.cmpf oeq, %scan3A_82#0, %eq3A : vector<16xf32>
      %neg3A = arith.constant 0.000000e+00 : f32
      %neg3A_95 = vector.broadcast %neg3A : f32 to vector<16xf32>
      %neg3A_96 = arith.subf %neg3A_95, %add3A_93 : vector<16xf32>
      %jit3A_97 = arith.constant -1.000000e+09 : f32
      %broadcast_in_dim3A_98 = vector.broadcast %jit3A_97 : f32 to vector<16xf32>
      %select_n3A_99 = arith.select %eq3A_94, %neg3A_96, %broadcast_in_dim3A_98 : vector<16xi1>, vector<16xf32>
      %reduce_max3A_100 = arith.constant true
      %reduce_max3A_101 = vector.broadcast %reduce_max3A_100 : i1 to vector<16xi1>
      %reduce_max3A_102 = tpu.scan <max>, %select_n3A_99 masked %reduce_max3A_101 : vector<16xf32>, vector<16xi1> -> vector<16xf32>
      %reduce_max3A_103 = vector.extract %reduce_max3A_102[15] : f32 from vector<16xf32>
      %neg3A_104 = arith.constant 0.000000e+00 : f32
      %neg3A_105 = arith.subf %neg3A_104, %reduce_max3A_103 : f32
      %reduce_sum3A = arith.constant true
      %reduce_sum3A_106 = vector.broadcast %reduce_sum3A : i1 to vector<16xi1>
      %reduce_sum3A_107 = tpu.scan <sum>, %scan3A_82#6 masked %reduce_sum3A_106 : vector<16xf32>, vector<16xi1> -> vector<16xf32>
      %reduce_sum3A_108 = vector.extract %reduce_sum3A_107[15] : f32 from vector<16xf32>
      %broadcast_in_dim3A_109 = arith.constant 0.000000e+00 : f32
      %broadcast_in_dim3A_110 = vector.broadcast %broadcast_in_dim3A_109 : f32 to vector<16xf32>
      %eq3A_111 = vector.broadcast %reduce_max3A_86 : f32 to vector<16xf32>
      %eq3A_112 = arith.cmpf oeq, %scan3A_82#0, %eq3A_111 : vector<16xf32>
      %jit3A_113 = arith.constant 1.000000e+00 : f32
      %jit3A_114 = arith.constant 0.000000e+00 : f32
      %broadcast_in_dim3A_115 = vector.broadcast %jit3A_113 : f32 to vector<16xf32>
      %broadcast_in_dim3A_116 = vector.broadcast %jit3A_114 : f32 to vector<16xf32>
      %select_n3A_117 = arith.select %eq3A_112, %broadcast_in_dim3A_115, %broadcast_in_dim3A_116 : vector<16xi1>, vector<16xf32>
      %reduce_sum3A_118 = arith.constant true
      %reduce_sum3A_119 = vector.broadcast %reduce_sum3A_118 : i1 to vector<16xi1>
      %reduce_sum3A_120 = tpu.scan <sum>, %select_n3A_117 masked %reduce_sum3A_119 : vector<16xf32>, vector<16xi1> -> vector<16xf32>
      %reduce_sum3A_121 = vector.extract %reduce_sum3A_120[15] : f32 from vector<16xf32>
      %add3A_122 = arith.constant 0.000000e+00 : f32
      %add3A_123 = arith.addf %add3A_122, %reduce_sum3A_121 : f32
      %lt3A = vector.broadcast %reduce_max3A_86 : f32 to vector<16xf32>
      %lt3A_124 = arith.cmpf olt, %scan3A_82#0, %lt3A : vector<16xf32>
      %broadcast_in_dim3A_125 = vector.broadcast %scan3A_3 : f32 to vector<16xf32>
      %select_n3A_126 = arith.select %lt3A_124, %scan3A_82#0, %broadcast_in_dim3A_125 : vector<16xi1>, vector<16xf32>
      %reduce_max3A_127 = arith.constant true
      %reduce_max3A_128 = vector.broadcast %reduce_max3A_127 : i1 to vector<16xi1>
      %reduce_max3A_129 = tpu.scan <max>, %select_n3A_126 masked %reduce_max3A_128 : vector<16xf32>, vector<16xi1> -> vector<16xf32>
      %reduce_max3A_130 = vector.extract %reduce_max3A_129[15] : f32 from vector<16xf32>
      %max3A = arith.maximumf %scan3A_3, %reduce_max3A_130 : f32
      %eq3A_131 = vector.broadcast %reduce_max3A_86 : f32 to vector<16xf32>
      %eq3A_132 = arith.cmpf oeq, %scan3A_82#1, %eq3A_131 : vector<16xf32>
      %jit3A_133 = arith.constant 1.000000e+00 : f32
      %jit3A_134 = arith.constant 0.000000e+00 : f32
      %broadcast_in_dim3A_135 = vector.broadcast %jit3A_133 : f32 to vector<16xf32>
      %broadcast_in_dim3A_136 = vector.broadcast %jit3A_134 : f32 to vector<16xf32>
      %select_n3A_137 = arith.select %eq3A_132, %broadcast_in_dim3A_135, %broadcast_in_dim3A_136 : vector<16xi1>, vector<16xf32>
      %reduce_sum3A_138 = arith.constant true
      %reduce_sum3A_139 = vector.broadcast %reduce_sum3A_138 : i1 to vector<16xi1>
      %reduce_sum3A_140 = tpu.scan <sum>, %select_n3A_137 masked %reduce_sum3A_139 : vector<16xf32>, vector<16xi1> -> vector<16xf32>
      %reduce_sum3A_141 = vector.extract %reduce_sum3A_140[15] : f32 from vector<16xf32>
      %add3A_142 = arith.addf %add3A_123, %reduce_sum3A_141 : f32
      %lt3A_143 = vector.broadcast %reduce_max3A_86 : f32 to vector<16xf32>
      %lt3A_144 = arith.cmpf olt, %scan3A_82#1, %lt3A_143 : vector<16xf32>
      %broadcast_in_dim3A_145 = vector.broadcast %scan3A_3 : f32 to vector<16xf32>
      %select_n3A_146 = arith.select %lt3A_144, %scan3A_82#1, %broadcast_in_dim3A_145 : vector<16xi1>, vector<16xf32>
      %reduce_max3A_147 = arith.constant true
      %reduce_max3A_148 = vector.broadcast %reduce_max3A_147 : i1 to vector<16xi1>
      %reduce_max3A_149 = tpu.scan <max>, %select_n3A_146 masked %reduce_max3A_148 : vector<16xf32>, vector<16xi1> -> vector<16xf32>
      %reduce_max3A_150 = vector.extract %reduce_max3A_149[15] : f32 from vector<16xf32>
      %max3A_151 = arith.maximumf %max3A, %reduce_max3A_150 : f32
      %eq3A_152 = vector.broadcast %reduce_max3A_86 : f32 to vector<16xf32>
      %eq3A_153 = arith.cmpf oeq, %scan3A_82#2, %eq3A_152 : vector<16xf32>
      %jit3A_154 = arith.constant 1.000000e+00 : f32
      %jit3A_155 = arith.constant 0.000000e+00 : f32
      %broadcast_in_dim3A_156 = vector.broadcast %jit3A_154 : f32 to vector<16xf32>
      %broadcast_in_dim3A_157 = vector.broadcast %jit3A_155 : f32 to vector<16xf32>
      %select_n3A_158 = arith.select %eq3A_153, %broadcast_in_dim3A_156, %broadcast_in_dim3A_157 : vector<16xi1>, vector<16xf32>
      %reduce_sum3A_159 = arith.constant true
      %reduce_sum3A_160 = vector.broadcast %reduce_sum3A_159 : i1 to vector<16xi1>
      %reduce_sum3A_161 = tpu.scan <sum>, %select_n3A_158 masked %reduce_sum3A_160 : vector<16xf32>, vector<16xi1> -> vector<16xf32>
      %reduce_sum3A_162 = vector.extract %reduce_sum3A_161[15] : f32 from vector<16xf32>
      %add3A_163 = arith.addf %add3A_142, %reduce_sum3A_162 : f32
      %lt3A_164 = vector.broadcast %reduce_max3A_86 : f32 to vector<16xf32>
      %lt3A_165 = arith.cmpf olt, %scan3A_82#2, %lt3A_164 : vector<16xf32>
      %broadcast_in_dim3A_166 = vector.broadcast %scan3A_3 : f32 to vector<16xf32>
      %select_n3A_167 = arith.select %lt3A_165, %scan3A_82#2, %broadcast_in_dim3A_166 : vector<16xi1>, vector<16xf32>
      %reduce_max3A_168 = arith.constant true
      %reduce_max3A_169 = vector.broadcast %reduce_max3A_168 : i1 to vector<16xi1>
      %reduce_max3A_170 = tpu.scan <max>, %select_n3A_167 masked %reduce_max3A_169 : vector<16xf32>, vector<16xi1> -> vector<16xf32>
      %reduce_max3A_171 = vector.extract %reduce_max3A_170[15] : f32 from vector<16xf32>
      %max3A_172 = arith.maximumf %max3A_151, %reduce_max3A_171 : f32
      %eq3A_173 = vector.broadcast %reduce_max3A_86 : f32 to vector<16xf32>
      %eq3A_174 = arith.cmpf oeq, %scan3A_82#3, %eq3A_173 : vector<16xf32>
      %jit3A_175 = arith.constant 1.000000e+00 : f32
      %jit3A_176 = arith.constant 0.000000e+00 : f32
      %broadcast_in_dim3A_177 = vector.broadcast %jit3A_175 : f32 to vector<16xf32>
      %broadcast_in_dim3A_178 = vector.broadcast %jit3A_176 : f32 to vector<16xf32>
      %select_n3A_179 = arith.select %eq3A_174, %broadcast_in_dim3A_177, %broadcast_in_dim3A_178 : vector<16xi1>, vector<16xf32>
      %reduce_sum3A_180 = arith.constant true
      %reduce_sum3A_181 = vector.broadcast %reduce_sum3A_180 : i1 to vector<16xi1>
      %reduce_sum3A_182 = tpu.scan <sum>, %select_n3A_179 masked %reduce_sum3A_181 : vector<16xf32>, vector<16xi1> -> vector<16xf32>
      %reduce_sum3A_183 = vector.extract %reduce_sum3A_182[15] : f32 from vector<16xf32>
      %add3A_184 = arith.addf %add3A_163, %reduce_sum3A_183 : f32
      %lt3A_185 = vector.broadcast %reduce_max3A_86 : f32 to vector<16xf32>
      %lt3A_186 = arith.cmpf olt, %scan3A_82#3, %lt3A_185 : vector<16xf32>
      %broadcast_in_dim3A_187 = vector.broadcast %scan3A_3 : f32 to vector<16xf32>
      %select_n3A_188 = arith.select %lt3A_186, %scan3A_82#3, %broadcast_in_dim3A_187 : vector<16xi1>, vector<16xf32>
      %reduce_max3A_189 = arith.constant true
      %reduce_max3A_190 = vector.broadcast %reduce_max3A_189 : i1 to vector<16xi1>
      %reduce_max3A_191 = tpu.scan <max>, %select_n3A_188 masked %reduce_max3A_190 : vector<16xf32>, vector<16xi1> -> vector<16xf32>
      %reduce_max3A_192 = vector.extract %reduce_max3A_191[15] : f32 from vector<16xf32>
      %max3A_193 = arith.maximumf %max3A_172, %reduce_max3A_192 : f32
      %eq3A_194 = vector.broadcast %reduce_max3A_86 : f32 to vector<16xf32>
      %eq3A_195 = arith.cmpf oeq, %scan3A_82#4, %eq3A_194 : vector<16xf32>
      %jit3A_196 = arith.constant 1.000000e+00 : f32
      %jit3A_197 = arith.constant 0.000000e+00 : f32
      %broadcast_in_dim3A_198 = vector.broadcast %jit3A_196 : f32 to vector<16xf32>
      %broadcast_in_dim3A_199 = vector.broadcast %jit3A_197 : f32 to vector<16xf32>
      %select_n3A_200 = arith.select %eq3A_195, %broadcast_in_dim3A_198, %broadcast_in_dim3A_199 : vector<16xi1>, vector<16xf32>
      %reduce_sum3A_201 = arith.constant true
      %reduce_sum3A_202 = vector.broadcast %reduce_sum3A_201 : i1 to vector<16xi1>
      %reduce_sum3A_203 = tpu.scan <sum>, %select_n3A_200 masked %reduce_sum3A_202 : vector<16xf32>, vector<16xi1> -> vector<16xf32>
      %reduce_sum3A_204 = vector.extract %reduce_sum3A_203[15] : f32 from vector<16xf32>
      %add3A_205 = arith.addf %add3A_184, %reduce_sum3A_204 : f32
      %lt3A_206 = vector.broadcast %reduce_max3A_86 : f32 to vector<16xf32>
      %lt3A_207 = arith.cmpf olt, %scan3A_82#4, %lt3A_206 : vector<16xf32>
      %broadcast_in_dim3A_208 = vector.broadcast %scan3A_3 : f32 to vector<16xf32>
      %select_n3A_209 = arith.select %lt3A_207, %scan3A_82#4, %broadcast_in_dim3A_208 : vector<16xi1>, vector<16xf32>
      %reduce_max3A_210 = arith.constant true
      %reduce_max3A_211 = vector.broadcast %reduce_max3A_210 : i1 to vector<16xi1>
      %reduce_max3A_212 = tpu.scan <max>, %select_n3A_209 masked %reduce_max3A_211 : vector<16xf32>, vector<16xi1> -> vector<16xf32>
      %reduce_max3A_213 = vector.extract %reduce_max3A_212[15] : f32 from vector<16xf32>
      %max3A_214 = arith.maximumf %max3A_193, %reduce_max3A_213 : f32
      %eq3A_215 = arith.constant 0 : i32
      %eq3A_216 = vector.broadcast %eq3A_215 : i32 to vector<16xi32>
      %eq3A_217 = arith.cmpi eq, %iota3A, %eq3A_216 : vector<16xi32>
      %broadcast_in_dim3A_218 = vector.broadcast %reduce_max3A_86 : f32 to vector<16xf32>
      %select_n3A_219 = arith.select %eq3A_217, %broadcast_in_dim3A_218, %broadcast_in_dim3A_110 : vector<16xi1>, vector<16xf32>
      %eq3A_220 = arith.constant 5 : i32
      %eq3A_221 = vector.broadcast %eq3A_220 : i32 to vector<16xi32>
      %eq3A_222 = arith.cmpi eq, %iota3A, %eq3A_221 : vector<16xi32>
      %broadcast_in_dim3A_223 = vector.broadcast %add3A_205 : f32 to vector<16xf32>
      %select_n3A_224 = arith.select %eq3A_222, %broadcast_in_dim3A_223, %select_n3A_219 : vector<16xi1>, vector<16xf32>
      %eq3A_225 = vector.broadcast %max3A_214 : f32 to vector<16xf32>
      %eq3A_226 = arith.cmpf oeq, %scan3A_82#0, %eq3A_225 : vector<16xf32>
      %jit3A_227 = arith.constant 1.000000e+00 : f32
      %jit3A_228 = arith.constant 0.000000e+00 : f32
      %broadcast_in_dim3A_229 = vector.broadcast %jit3A_227 : f32 to vector<16xf32>
      %broadcast_in_dim3A_230 = vector.broadcast %jit3A_228 : f32 to vector<16xf32>
      %select_n3A_231 = arith.select %eq3A_226, %broadcast_in_dim3A_229, %broadcast_in_dim3A_230 : vector<16xi1>, vector<16xf32>
      %reduce_sum3A_232 = arith.constant true
      %reduce_sum3A_233 = vector.broadcast %reduce_sum3A_232 : i1 to vector<16xi1>
      %reduce_sum3A_234 = tpu.scan <sum>, %select_n3A_231 masked %reduce_sum3A_233 : vector<16xf32>, vector<16xi1> -> vector<16xf32>
      %reduce_sum3A_235 = vector.extract %reduce_sum3A_234[15] : f32 from vector<16xf32>
      %add3A_236 = arith.constant 0.000000e+00 : f32
      %add3A_237 = arith.addf %add3A_236, %reduce_sum3A_235 : f32
      %lt3A_238 = vector.broadcast %max3A_214 : f32 to vector<16xf32>
      %lt3A_239 = arith.cmpf olt, %scan3A_82#0, %lt3A_238 : vector<16xf32>
      %broadcast_in_dim3A_240 = vector.broadcast %scan3A_3 : f32 to vector<16xf32>
      %select_n3A_241 = arith.select %lt3A_239, %scan3A_82#0, %broadcast_in_dim3A_240 : vector<16xi1>, vector<16xf32>
      %reduce_max3A_242 = arith.constant true
      %reduce_max3A_243 = vector.broadcast %reduce_max3A_242 : i1 to vector<16xi1>
      %reduce_max3A_244 = tpu.scan <max>, %select_n3A_241 masked %reduce_max3A_243 : vector<16xf32>, vector<16xi1> -> vector<16xf32>
      %reduce_max3A_245 = vector.extract %reduce_max3A_244[15] : f32 from vector<16xf32>
      %max3A_246 = arith.maximumf %scan3A_3, %reduce_max3A_245 : f32
      %eq3A_247 = vector.broadcast %max3A_214 : f32 to vector<16xf32>
      %eq3A_248 = arith.cmpf oeq, %scan3A_82#1, %eq3A_247 : vector<16xf32>
      %jit3A_249 = arith.constant 1.000000e+00 : f32
      %jit3A_250 = arith.constant 0.000000e+00 : f32
      %broadcast_in_dim3A_251 = vector.broadcast %jit3A_249 : f32 to vector<16xf32>
      %broadcast_in_dim3A_252 = vector.broadcast %jit3A_250 : f32 to vector<16xf32>
      %select_n3A_253 = arith.select %eq3A_248, %broadcast_in_dim3A_251, %broadcast_in_dim3A_252 : vector<16xi1>, vector<16xf32>
      %reduce_sum3A_254 = arith.constant true
      %reduce_sum3A_255 = vector.broadcast %reduce_sum3A_254 : i1 to vector<16xi1>
      %reduce_sum3A_256 = tpu.scan <sum>, %select_n3A_253 masked %reduce_sum3A_255 : vector<16xf32>, vector<16xi1> -> vector<16xf32>
      %reduce_sum3A_257 = vector.extract %reduce_sum3A_256[15] : f32 from vector<16xf32>
      %add3A_258 = arith.addf %add3A_237, %reduce_sum3A_257 : f32
      %lt3A_259 = vector.broadcast %max3A_214 : f32 to vector<16xf32>
      %lt3A_260 = arith.cmpf olt, %scan3A_82#1, %lt3A_259 : vector<16xf32>
      %broadcast_in_dim3A_261 = vector.broadcast %scan3A_3 : f32 to vector<16xf32>
      %select_n3A_262 = arith.select %lt3A_260, %scan3A_82#1, %broadcast_in_dim3A_261 : vector<16xi1>, vector<16xf32>
      %reduce_max3A_263 = arith.constant true
      %reduce_max3A_264 = vector.broadcast %reduce_max3A_263 : i1 to vector<16xi1>
      %reduce_max3A_265 = tpu.scan <max>, %select_n3A_262 masked %reduce_max3A_264 : vector<16xf32>, vector<16xi1> -> vector<16xf32>
      %reduce_max3A_266 = vector.extract %reduce_max3A_265[15] : f32 from vector<16xf32>
      %max3A_267 = arith.maximumf %max3A_246, %reduce_max3A_266 : f32
      %eq3A_268 = vector.broadcast %max3A_214 : f32 to vector<16xf32>
      %eq3A_269 = arith.cmpf oeq, %scan3A_82#2, %eq3A_268 : vector<16xf32>
      %jit3A_270 = arith.constant 1.000000e+00 : f32
      %jit3A_271 = arith.constant 0.000000e+00 : f32
      %broadcast_in_dim3A_272 = vector.broadcast %jit3A_270 : f32 to vector<16xf32>
      %broadcast_in_dim3A_273 = vector.broadcast %jit3A_271 : f32 to vector<16xf32>
      %select_n3A_274 = arith.select %eq3A_269, %broadcast_in_dim3A_272, %broadcast_in_dim3A_273 : vector<16xi1>, vector<16xf32>
      %reduce_sum3A_275 = arith.constant true
      %reduce_sum3A_276 = vector.broadcast %reduce_sum3A_275 : i1 to vector<16xi1>
      %reduce_sum3A_277 = tpu.scan <sum>, %select_n3A_274 masked %reduce_sum3A_276 : vector<16xf32>, vector<16xi1> -> vector<16xf32>
      %reduce_sum3A_278 = vector.extract %reduce_sum3A_277[15] : f32 from vector<16xf32>
      %add3A_279 = arith.addf %add3A_258, %reduce_sum3A_278 : f32
      %lt3A_280 = vector.broadcast %max3A_214 : f32 to vector<16xf32>
      %lt3A_281 = arith.cmpf olt, %scan3A_82#2, %lt3A_280 : vector<16xf32>
      %broadcast_in_dim3A_282 = vector.broadcast %scan3A_3 : f32 to vector<16xf32>
      %select_n3A_283 = arith.select %lt3A_281, %scan3A_82#2, %broadcast_in_dim3A_282 : vector<16xi1>, vector<16xf32>
      %reduce_max3A_284 = arith.constant true
      %reduce_max3A_285 = vector.broadcast %reduce_max3A_284 : i1 to vector<16xi1>
      %reduce_max3A_286 = tpu.scan <max>, %select_n3A_283 masked %reduce_max3A_285 : vector<16xf32>, vector<16xi1> -> vector<16xf32>
      %reduce_max3A_287 = vector.extract %reduce_max3A_286[15] : f32 from vector<16xf32>
      %max3A_288 = arith.maximumf %max3A_267, %reduce_max3A_287 : f32
      %eq3A_289 = vector.broadcast %max3A_214 : f32 to vector<16xf32>
      %eq3A_290 = arith.cmpf oeq, %scan3A_82#3, %eq3A_289 : vector<16xf32>
      %jit3A_291 = arith.constant 1.000000e+00 : f32
      %jit3A_292 = arith.constant 0.000000e+00 : f32
      %broadcast_in_dim3A_293 = vector.broadcast %jit3A_291 : f32 to vector<16xf32>
      %broadcast_in_dim3A_294 = vector.broadcast %jit3A_292 : f32 to vector<16xf32>
      %select_n3A_295 = arith.select %eq3A_290, %broadcast_in_dim3A_293, %broadcast_in_dim3A_294 : vector<16xi1>, vector<16xf32>
      %reduce_sum3A_296 = arith.constant true
      %reduce_sum3A_297 = vector.broadcast %reduce_sum3A_296 : i1 to vector<16xi1>
      %reduce_sum3A_298 = tpu.scan <sum>, %select_n3A_295 masked %reduce_sum3A_297 : vector<16xf32>, vector<16xi1> -> vector<16xf32>
      %reduce_sum3A_299 = vector.extract %reduce_sum3A_298[15] : f32 from vector<16xf32>
      %add3A_300 = arith.addf %add3A_279, %reduce_sum3A_299 : f32
      %lt3A_301 = vector.broadcast %max3A_214 : f32 to vector<16xf32>
      %lt3A_302 = arith.cmpf olt, %scan3A_82#3, %lt3A_301 : vector<16xf32>
      %broadcast_in_dim3A_303 = vector.broadcast %scan3A_3 : f32 to vector<16xf32>
      %select_n3A_304 = arith.select %lt3A_302, %scan3A_82#3, %broadcast_in_dim3A_303 : vector<16xi1>, vector<16xf32>
      %reduce_max3A_305 = arith.constant true
      %reduce_max3A_306 = vector.broadcast %reduce_max3A_305 : i1 to vector<16xi1>
      %reduce_max3A_307 = tpu.scan <max>, %select_n3A_304 masked %reduce_max3A_306 : vector<16xf32>, vector<16xi1> -> vector<16xf32>
      %reduce_max3A_308 = vector.extract %reduce_max3A_307[15] : f32 from vector<16xf32>
      %max3A_309 = arith.maximumf %max3A_288, %reduce_max3A_308 : f32
      %eq3A_310 = vector.broadcast %max3A_214 : f32 to vector<16xf32>
      %eq3A_311 = arith.cmpf oeq, %scan3A_82#4, %eq3A_310 : vector<16xf32>
      %jit3A_312 = arith.constant 1.000000e+00 : f32
      %jit3A_313 = arith.constant 0.000000e+00 : f32
      %broadcast_in_dim3A_314 = vector.broadcast %jit3A_312 : f32 to vector<16xf32>
      %broadcast_in_dim3A_315 = vector.broadcast %jit3A_313 : f32 to vector<16xf32>
      %select_n3A_316 = arith.select %eq3A_311, %broadcast_in_dim3A_314, %broadcast_in_dim3A_315 : vector<16xi1>, vector<16xf32>
      %reduce_sum3A_317 = arith.constant true
      %reduce_sum3A_318 = vector.broadcast %reduce_sum3A_317 : i1 to vector<16xi1>
      %reduce_sum3A_319 = tpu.scan <sum>, %select_n3A_316 masked %reduce_sum3A_318 : vector<16xf32>, vector<16xi1> -> vector<16xf32>
      %reduce_sum3A_320 = vector.extract %reduce_sum3A_319[15] : f32 from vector<16xf32>
      %add3A_321 = arith.addf %add3A_300, %reduce_sum3A_320 : f32
      %lt3A_322 = vector.broadcast %max3A_214 : f32 to vector<16xf32>
      %lt3A_323 = arith.cmpf olt, %scan3A_82#4, %lt3A_322 : vector<16xf32>
      %broadcast_in_dim3A_324 = vector.broadcast %scan3A_3 : f32 to vector<16xf32>
      %select_n3A_325 = arith.select %lt3A_323, %scan3A_82#4, %broadcast_in_dim3A_324 : vector<16xi1>, vector<16xf32>
      %reduce_max3A_326 = arith.constant true
      %reduce_max3A_327 = vector.broadcast %reduce_max3A_326 : i1 to vector<16xi1>
      %reduce_max3A_328 = tpu.scan <max>, %select_n3A_325 masked %reduce_max3A_327 : vector<16xf32>, vector<16xi1> -> vector<16xf32>
      %reduce_max3A_329 = vector.extract %reduce_max3A_328[15] : f32 from vector<16xf32>
      %max3A_330 = arith.maximumf %max3A_309, %reduce_max3A_329 : f32
      %eq3A_331 = arith.constant 1 : i32
      %eq3A_332 = vector.broadcast %eq3A_331 : i32 to vector<16xi32>
      %eq3A_333 = arith.cmpi eq, %iota3A, %eq3A_332 : vector<16xi32>
      %broadcast_in_dim3A_334 = vector.broadcast %max3A_214 : f32 to vector<16xf32>
      %select_n3A_335 = arith.select %eq3A_333, %broadcast_in_dim3A_334, %select_n3A_224 : vector<16xi1>, vector<16xf32>
      %eq3A_336 = arith.constant 6 : i32
      %eq3A_337 = vector.broadcast %eq3A_336 : i32 to vector<16xi32>
      %eq3A_338 = arith.cmpi eq, %iota3A, %eq3A_337 : vector<16xi32>
      %broadcast_in_dim3A_339 = vector.broadcast %add3A_321 : f32 to vector<16xf32>
      %select_n3A_340 = arith.select %eq3A_338, %broadcast_in_dim3A_339, %select_n3A_335 : vector<16xi1>, vector<16xf32>
      %eq3A_341 = vector.broadcast %max3A_330 : f32 to vector<16xf32>
      %eq3A_342 = arith.cmpf oeq, %scan3A_82#0, %eq3A_341 : vector<16xf32>
      %jit3A_343 = arith.constant 1.000000e+00 : f32
      %jit3A_344 = arith.constant 0.000000e+00 : f32
      %broadcast_in_dim3A_345 = vector.broadcast %jit3A_343 : f32 to vector<16xf32>
      %broadcast_in_dim3A_346 = vector.broadcast %jit3A_344 : f32 to vector<16xf32>
      %select_n3A_347 = arith.select %eq3A_342, %broadcast_in_dim3A_345, %broadcast_in_dim3A_346 : vector<16xi1>, vector<16xf32>
      %reduce_sum3A_348 = arith.constant true
      %reduce_sum3A_349 = vector.broadcast %reduce_sum3A_348 : i1 to vector<16xi1>
      %reduce_sum3A_350 = tpu.scan <sum>, %select_n3A_347 masked %reduce_sum3A_349 : vector<16xf32>, vector<16xi1> -> vector<16xf32>
      %reduce_sum3A_351 = vector.extract %reduce_sum3A_350[15] : f32 from vector<16xf32>
      %add3A_352 = arith.constant 0.000000e+00 : f32
      %add3A_353 = arith.addf %add3A_352, %reduce_sum3A_351 : f32
      %lt3A_354 = vector.broadcast %max3A_330 : f32 to vector<16xf32>
      %lt3A_355 = arith.cmpf olt, %scan3A_82#0, %lt3A_354 : vector<16xf32>
      %broadcast_in_dim3A_356 = vector.broadcast %scan3A_3 : f32 to vector<16xf32>
      %select_n3A_357 = arith.select %lt3A_355, %scan3A_82#0, %broadcast_in_dim3A_356 : vector<16xi1>, vector<16xf32>
      %reduce_max3A_358 = arith.constant true
      %reduce_max3A_359 = vector.broadcast %reduce_max3A_358 : i1 to vector<16xi1>
      %reduce_max3A_360 = tpu.scan <max>, %select_n3A_357 masked %reduce_max3A_359 : vector<16xf32>, vector<16xi1> -> vector<16xf32>
      %reduce_max3A_361 = vector.extract %reduce_max3A_360[15] : f32 from vector<16xf32>
      %max3A_362 = arith.maximumf %scan3A_3, %reduce_max3A_361 : f32
      %eq3A_363 = vector.broadcast %max3A_330 : f32 to vector<16xf32>
      %eq3A_364 = arith.cmpf oeq, %scan3A_82#1, %eq3A_363 : vector<16xf32>
      %jit3A_365 = arith.constant 1.000000e+00 : f32
      %jit3A_366 = arith.constant 0.000000e+00 : f32
      %broadcast_in_dim3A_367 = vector.broadcast %jit3A_365 : f32 to vector<16xf32>
      %broadcast_in_dim3A_368 = vector.broadcast %jit3A_366 : f32 to vector<16xf32>
      %select_n3A_369 = arith.select %eq3A_364, %broadcast_in_dim3A_367, %broadcast_in_dim3A_368 : vector<16xi1>, vector<16xf32>
      %reduce_sum3A_370 = arith.constant true
      %reduce_sum3A_371 = vector.broadcast %reduce_sum3A_370 : i1 to vector<16xi1>
      %reduce_sum3A_372 = tpu.scan <sum>, %select_n3A_369 masked %reduce_sum3A_371 : vector<16xf32>, vector<16xi1> -> vector<16xf32>
      %reduce_sum3A_373 = vector.extract %reduce_sum3A_372[15] : f32 from vector<16xf32>
      %add3A_374 = arith.addf %add3A_353, %reduce_sum3A_373 : f32
      %lt3A_375 = vector.broadcast %max3A_330 : f32 to vector<16xf32>
      %lt3A_376 = arith.cmpf olt, %scan3A_82#1, %lt3A_375 : vector<16xf32>
      %broadcast_in_dim3A_377 = vector.broadcast %scan3A_3 : f32 to vector<16xf32>
      %select_n3A_378 = arith.select %lt3A_376, %scan3A_82#1, %broadcast_in_dim3A_377 : vector<16xi1>, vector<16xf32>
      %reduce_max3A_379 = arith.constant true
      %reduce_max3A_380 = vector.broadcast %reduce_max3A_379 : i1 to vector<16xi1>
      %reduce_max3A_381 = tpu.scan <max>, %select_n3A_378 masked %reduce_max3A_380 : vector<16xf32>, vector<16xi1> -> vector<16xf32>
      %reduce_max3A_382 = vector.extract %reduce_max3A_381[15] : f32 from vector<16xf32>
      %max3A_383 = arith.maximumf %max3A_362, %reduce_max3A_382 : f32
      %eq3A_384 = vector.broadcast %max3A_330 : f32 to vector<16xf32>
      %eq3A_385 = arith.cmpf oeq, %scan3A_82#2, %eq3A_384 : vector<16xf32>
      %jit3A_386 = arith.constant 1.000000e+00 : f32
      %jit3A_387 = arith.constant 0.000000e+00 : f32
      %broadcast_in_dim3A_388 = vector.broadcast %jit3A_386 : f32 to vector<16xf32>
      %broadcast_in_dim3A_389 = vector.broadcast %jit3A_387 : f32 to vector<16xf32>
      %select_n3A_390 = arith.select %eq3A_385, %broadcast_in_dim3A_388, %broadcast_in_dim3A_389 : vector<16xi1>, vector<16xf32>
      %reduce_sum3A_391 = arith.constant true
      %reduce_sum3A_392 = vector.broadcast %reduce_sum3A_391 : i1 to vector<16xi1>
      %reduce_sum3A_393 = tpu.scan <sum>, %select_n3A_390 masked %reduce_sum3A_392 : vector<16xf32>, vector<16xi1> -> vector<16xf32>
      %reduce_sum3A_394 = vector.extract %reduce_sum3A_393[15] : f32 from vector<16xf32>
      %add3A_395 = arith.addf %add3A_374, %reduce_sum3A_394 : f32
      %lt3A_396 = vector.broadcast %max3A_330 : f32 to vector<16xf32>
      %lt3A_397 = arith.cmpf olt, %scan3A_82#2, %lt3A_396 : vector<16xf32>
      %broadcast_in_dim3A_398 = vector.broadcast %scan3A_3 : f32 to vector<16xf32>
      %select_n3A_399 = arith.select %lt3A_397, %scan3A_82#2, %broadcast_in_dim3A_398 : vector<16xi1>, vector<16xf32>
      %reduce_max3A_400 = arith.constant true
      %reduce_max3A_401 = vector.broadcast %reduce_max3A_400 : i1 to vector<16xi1>
      %reduce_max3A_402 = tpu.scan <max>, %select_n3A_399 masked %reduce_max3A_401 : vector<16xf32>, vector<16xi1> -> vector<16xf32>
      %reduce_max3A_403 = vector.extract %reduce_max3A_402[15] : f32 from vector<16xf32>
      %max3A_404 = arith.maximumf %max3A_383, %reduce_max3A_403 : f32
      %eq3A_405 = vector.broadcast %max3A_330 : f32 to vector<16xf32>
      %eq3A_406 = arith.cmpf oeq, %scan3A_82#3, %eq3A_405 : vector<16xf32>
      %jit3A_407 = arith.constant 1.000000e+00 : f32
      %jit3A_408 = arith.constant 0.000000e+00 : f32
      %broadcast_in_dim3A_409 = vector.broadcast %jit3A_407 : f32 to vector<16xf32>
      %broadcast_in_dim3A_410 = vector.broadcast %jit3A_408 : f32 to vector<16xf32>
      %select_n3A_411 = arith.select %eq3A_406, %broadcast_in_dim3A_409, %broadcast_in_dim3A_410 : vector<16xi1>, vector<16xf32>
      %reduce_sum3A_412 = arith.constant true
      %reduce_sum3A_413 = vector.broadcast %reduce_sum3A_412 : i1 to vector<16xi1>
      %reduce_sum3A_414 = tpu.scan <sum>, %select_n3A_411 masked %reduce_sum3A_413 : vector<16xf32>, vector<16xi1> -> vector<16xf32>
      %reduce_sum3A_415 = vector.extract %reduce_sum3A_414[15] : f32 from vector<16xf32>
      %add3A_416 = arith.addf %add3A_395, %reduce_sum3A_415 : f32
      %lt3A_417 = vector.broadcast %max3A_330 : f32 to vector<16xf32>
      %lt3A_418 = arith.cmpf olt, %scan3A_82#3, %lt3A_417 : vector<16xf32>
      %broadcast_in_dim3A_419 = vector.broadcast %scan3A_3 : f32 to vector<16xf32>
      %select_n3A_420 = arith.select %lt3A_418, %scan3A_82#3, %broadcast_in_dim3A_419 : vector<16xi1>, vector<16xf32>
      %reduce_max3A_421 = arith.constant true
      %reduce_max3A_422 = vector.broadcast %reduce_max3A_421 : i1 to vector<16xi1>
      %reduce_max3A_423 = tpu.scan <max>, %select_n3A_420 masked %reduce_max3A_422 : vector<16xf32>, vector<16xi1> -> vector<16xf32>
      %reduce_max3A_424 = vector.extract %reduce_max3A_423[15] : f32 from vector<16xf32>
      %max3A_425 = arith.maximumf %max3A_404, %reduce_max3A_424 : f32
      %eq3A_426 = vector.broadcast %max3A_330 : f32 to vector<16xf32>
      %eq3A_427 = arith.cmpf oeq, %scan3A_82#4, %eq3A_426 : vector<16xf32>
      %jit3A_428 = arith.constant 1.000000e+00 : f32
      %jit3A_429 = arith.constant 0.000000e+00 : f32
      %broadcast_in_dim3A_430 = vector.broadcast %jit3A_428 : f32 to vector<16xf32>
      %broadcast_in_dim3A_431 = vector.broadcast %jit3A_429 : f32 to vector<16xf32>
      %select_n3A_432 = arith.select %eq3A_427, %broadcast_in_dim3A_430, %broadcast_in_dim3A_431 : vector<16xi1>, vector<16xf32>
      %reduce_sum3A_433 = arith.constant true
      %reduce_sum3A_434 = vector.broadcast %reduce_sum3A_433 : i1 to vector<16xi1>
      %reduce_sum3A_435 = tpu.scan <sum>, %select_n3A_432 masked %reduce_sum3A_434 : vector<16xf32>, vector<16xi1> -> vector<16xf32>
      %reduce_sum3A_436 = vector.extract %reduce_sum3A_435[15] : f32 from vector<16xf32>
      %add3A_437 = arith.addf %add3A_416, %reduce_sum3A_436 : f32
      %lt3A_438 = vector.broadcast %max3A_330 : f32 to vector<16xf32>
      %lt3A_439 = arith.cmpf olt, %scan3A_82#4, %lt3A_438 : vector<16xf32>
      %broadcast_in_dim3A_440 = vector.broadcast %scan3A_3 : f32 to vector<16xf32>
      %select_n3A_441 = arith.select %lt3A_439, %scan3A_82#4, %broadcast_in_dim3A_440 : vector<16xi1>, vector<16xf32>
      %reduce_max3A_442 = arith.constant true
      %reduce_max3A_443 = vector.broadcast %reduce_max3A_442 : i1 to vector<16xi1>
      %reduce_max3A_444 = tpu.scan <max>, %select_n3A_441 masked %reduce_max3A_443 : vector<16xf32>, vector<16xi1> -> vector<16xf32>
      %reduce_max3A_445 = vector.extract %reduce_max3A_444[15] : f32 from vector<16xf32>
      %max3A_446 = arith.maximumf %max3A_425, %reduce_max3A_445 : f32
      %eq3A_447 = arith.constant 2 : i32
      %eq3A_448 = vector.broadcast %eq3A_447 : i32 to vector<16xi32>
      %eq3A_449 = arith.cmpi eq, %iota3A, %eq3A_448 : vector<16xi32>
      %broadcast_in_dim3A_450 = vector.broadcast %max3A_330 : f32 to vector<16xf32>
      %select_n3A_451 = arith.select %eq3A_449, %broadcast_in_dim3A_450, %select_n3A_340 : vector<16xi1>, vector<16xf32>
      %eq3A_452 = arith.constant 7 : i32
      %eq3A_453 = vector.broadcast %eq3A_452 : i32 to vector<16xi32>
      %eq3A_454 = arith.cmpi eq, %iota3A, %eq3A_453 : vector<16xi32>
      %broadcast_in_dim3A_455 = vector.broadcast %add3A_437 : f32 to vector<16xf32>
      %select_n3A_456 = arith.select %eq3A_454, %broadcast_in_dim3A_455, %select_n3A_451 : vector<16xi1>, vector<16xf32>
      %eq3A_457 = vector.broadcast %max3A_446 : f32 to vector<16xf32>
      %eq3A_458 = arith.cmpf oeq, %scan3A_82#0, %eq3A_457 : vector<16xf32>
      %jit3A_459 = arith.constant 1.000000e+00 : f32
      %jit3A_460 = arith.constant 0.000000e+00 : f32
      %broadcast_in_dim3A_461 = vector.broadcast %jit3A_459 : f32 to vector<16xf32>
      %broadcast_in_dim3A_462 = vector.broadcast %jit3A_460 : f32 to vector<16xf32>
      %select_n3A_463 = arith.select %eq3A_458, %broadcast_in_dim3A_461, %broadcast_in_dim3A_462 : vector<16xi1>, vector<16xf32>
      %reduce_sum3A_464 = arith.constant true
      %reduce_sum3A_465 = vector.broadcast %reduce_sum3A_464 : i1 to vector<16xi1>
      %reduce_sum3A_466 = tpu.scan <sum>, %select_n3A_463 masked %reduce_sum3A_465 : vector<16xf32>, vector<16xi1> -> vector<16xf32>
      %reduce_sum3A_467 = vector.extract %reduce_sum3A_466[15] : f32 from vector<16xf32>
      %add3A_468 = arith.constant 0.000000e+00 : f32
      %add3A_469 = arith.addf %add3A_468, %reduce_sum3A_467 : f32
      %lt3A_470 = vector.broadcast %max3A_446 : f32 to vector<16xf32>
      %lt3A_471 = arith.cmpf olt, %scan3A_82#0, %lt3A_470 : vector<16xf32>
      %broadcast_in_dim3A_472 = vector.broadcast %scan3A_3 : f32 to vector<16xf32>
      %select_n3A_473 = arith.select %lt3A_471, %scan3A_82#0, %broadcast_in_dim3A_472 : vector<16xi1>, vector<16xf32>
      %reduce_max3A_474 = arith.constant true
      %reduce_max3A_475 = vector.broadcast %reduce_max3A_474 : i1 to vector<16xi1>
      %reduce_max3A_476 = tpu.scan <max>, %select_n3A_473 masked %reduce_max3A_475 : vector<16xf32>, vector<16xi1> -> vector<16xf32>
      %reduce_max3A_477 = vector.extract %reduce_max3A_476[15] : f32 from vector<16xf32>
      %max3A_478 = arith.maximumf %scan3A_3, %reduce_max3A_477 : f32
      %eq3A_479 = vector.broadcast %max3A_446 : f32 to vector<16xf32>
      %eq3A_480 = arith.cmpf oeq, %scan3A_82#1, %eq3A_479 : vector<16xf32>
      %jit3A_481 = arith.constant 1.000000e+00 : f32
      %jit3A_482 = arith.constant 0.000000e+00 : f32
      %broadcast_in_dim3A_483 = vector.broadcast %jit3A_481 : f32 to vector<16xf32>
      %broadcast_in_dim3A_484 = vector.broadcast %jit3A_482 : f32 to vector<16xf32>
      %select_n3A_485 = arith.select %eq3A_480, %broadcast_in_dim3A_483, %broadcast_in_dim3A_484 : vector<16xi1>, vector<16xf32>
      %reduce_sum3A_486 = arith.constant true
      %reduce_sum3A_487 = vector.broadcast %reduce_sum3A_486 : i1 to vector<16xi1>
      %reduce_sum3A_488 = tpu.scan <sum>, %select_n3A_485 masked %reduce_sum3A_487 : vector<16xf32>, vector<16xi1> -> vector<16xf32>
      %reduce_sum3A_489 = vector.extract %reduce_sum3A_488[15] : f32 from vector<16xf32>
      %add3A_490 = arith.addf %add3A_469, %reduce_sum3A_489 : f32
      %lt3A_491 = vector.broadcast %max3A_446 : f32 to vector<16xf32>
      %lt3A_492 = arith.cmpf olt, %scan3A_82#1, %lt3A_491 : vector<16xf32>
      %broadcast_in_dim3A_493 = vector.broadcast %scan3A_3 : f32 to vector<16xf32>
      %select_n3A_494 = arith.select %lt3A_492, %scan3A_82#1, %broadcast_in_dim3A_493 : vector<16xi1>, vector<16xf32>
      %reduce_max3A_495 = arith.constant true
      %reduce_max3A_496 = vector.broadcast %reduce_max3A_495 : i1 to vector<16xi1>
      %reduce_max3A_497 = tpu.scan <max>, %select_n3A_494 masked %reduce_max3A_496 : vector<16xf32>, vector<16xi1> -> vector<16xf32>
      %reduce_max3A_498 = vector.extract %reduce_max3A_497[15] : f32 from vector<16xf32>
      %max3A_499 = arith.maximumf %max3A_478, %reduce_max3A_498 : f32
      %eq3A_500 = vector.broadcast %max3A_446 : f32 to vector<16xf32>
      %eq3A_501 = arith.cmpf oeq, %scan3A_82#2, %eq3A_500 : vector<16xf32>
      %jit3A_502 = arith.constant 1.000000e+00 : f32
      %jit3A_503 = arith.constant 0.000000e+00 : f32
      %broadcast_in_dim3A_504 = vector.broadcast %jit3A_502 : f32 to vector<16xf32>
      %broadcast_in_dim3A_505 = vector.broadcast %jit3A_503 : f32 to vector<16xf32>
      %select_n3A_506 = arith.select %eq3A_501, %broadcast_in_dim3A_504, %broadcast_in_dim3A_505 : vector<16xi1>, vector<16xf32>
      %reduce_sum3A_507 = arith.constant true
      %reduce_sum3A_508 = vector.broadcast %reduce_sum3A_507 : i1 to vector<16xi1>
      %reduce_sum3A_509 = tpu.scan <sum>, %select_n3A_506 masked %reduce_sum3A_508 : vector<16xf32>, vector<16xi1> -> vector<16xf32>
      %reduce_sum3A_510 = vector.extract %reduce_sum3A_509[15] : f32 from vector<16xf32>
      %add3A_511 = arith.addf %add3A_490, %reduce_sum3A_510 : f32
      %lt3A_512 = vector.broadcast %max3A_446 : f32 to vector<16xf32>
      %lt3A_513 = arith.cmpf olt, %scan3A_82#2, %lt3A_512 : vector<16xf32>
      %broadcast_in_dim3A_514 = vector.broadcast %scan3A_3 : f32 to vector<16xf32>
      %select_n3A_515 = arith.select %lt3A_513, %scan3A_82#2, %broadcast_in_dim3A_514 : vector<16xi1>, vector<16xf32>
      %reduce_max3A_516 = arith.constant true
      %reduce_max3A_517 = vector.broadcast %reduce_max3A_516 : i1 to vector<16xi1>
      %reduce_max3A_518 = tpu.scan <max>, %select_n3A_515 masked %reduce_max3A_517 : vector<16xf32>, vector<16xi1> -> vector<16xf32>
      %reduce_max3A_519 = vector.extract %reduce_max3A_518[15] : f32 from vector<16xf32>
      %max3A_520 = arith.maximumf %max3A_499, %reduce_max3A_519 : f32
      %eq3A_521 = vector.broadcast %max3A_446 : f32 to vector<16xf32>
      %eq3A_522 = arith.cmpf oeq, %scan3A_82#3, %eq3A_521 : vector<16xf32>
      %jit3A_523 = arith.constant 1.000000e+00 : f32
      %jit3A_524 = arith.constant 0.000000e+00 : f32
      %broadcast_in_dim3A_525 = vector.broadcast %jit3A_523 : f32 to vector<16xf32>
      %broadcast_in_dim3A_526 = vector.broadcast %jit3A_524 : f32 to vector<16xf32>
      %select_n3A_527 = arith.select %eq3A_522, %broadcast_in_dim3A_525, %broadcast_in_dim3A_526 : vector<16xi1>, vector<16xf32>
      %reduce_sum3A_528 = arith.constant true
      %reduce_sum3A_529 = vector.broadcast %reduce_sum3A_528 : i1 to vector<16xi1>
      %reduce_sum3A_530 = tpu.scan <sum>, %select_n3A_527 masked %reduce_sum3A_529 : vector<16xf32>, vector<16xi1> -> vector<16xf32>
      %reduce_sum3A_531 = vector.extract %reduce_sum3A_530[15] : f32 from vector<16xf32>
      %add3A_532 = arith.addf %add3A_511, %reduce_sum3A_531 : f32
      %lt3A_533 = vector.broadcast %max3A_446 : f32 to vector<16xf32>
      %lt3A_534 = arith.cmpf olt, %scan3A_82#3, %lt3A_533 : vector<16xf32>
      %broadcast_in_dim3A_535 = vector.broadcast %scan3A_3 : f32 to vector<16xf32>
      %select_n3A_536 = arith.select %lt3A_534, %scan3A_82#3, %broadcast_in_dim3A_535 : vector<16xi1>, vector<16xf32>
      %reduce_max3A_537 = arith.constant true
      %reduce_max3A_538 = vector.broadcast %reduce_max3A_537 : i1 to vector<16xi1>
      %reduce_max3A_539 = tpu.scan <max>, %select_n3A_536 masked %reduce_max3A_538 : vector<16xf32>, vector<16xi1> -> vector<16xf32>
      %reduce_max3A_540 = vector.extract %reduce_max3A_539[15] : f32 from vector<16xf32>
      %max3A_541 = arith.maximumf %max3A_520, %reduce_max3A_540 : f32
      %eq3A_542 = vector.broadcast %max3A_446 : f32 to vector<16xf32>
      %eq3A_543 = arith.cmpf oeq, %scan3A_82#4, %eq3A_542 : vector<16xf32>
      %jit3A_544 = arith.constant 1.000000e+00 : f32
      %jit3A_545 = arith.constant 0.000000e+00 : f32
      %broadcast_in_dim3A_546 = vector.broadcast %jit3A_544 : f32 to vector<16xf32>
      %broadcast_in_dim3A_547 = vector.broadcast %jit3A_545 : f32 to vector<16xf32>
      %select_n3A_548 = arith.select %eq3A_543, %broadcast_in_dim3A_546, %broadcast_in_dim3A_547 : vector<16xi1>, vector<16xf32>
      %reduce_sum3A_549 = arith.constant true
      %reduce_sum3A_550 = vector.broadcast %reduce_sum3A_549 : i1 to vector<16xi1>
      %reduce_sum3A_551 = tpu.scan <sum>, %select_n3A_548 masked %reduce_sum3A_550 : vector<16xf32>, vector<16xi1> -> vector<16xf32>
      %reduce_sum3A_552 = vector.extract %reduce_sum3A_551[15] : f32 from vector<16xf32>
      %add3A_553 = arith.addf %add3A_532, %reduce_sum3A_552 : f32
      %lt3A_554 = vector.broadcast %max3A_446 : f32 to vector<16xf32>
      %lt3A_555 = arith.cmpf olt, %scan3A_82#4, %lt3A_554 : vector<16xf32>
      %broadcast_in_dim3A_556 = vector.broadcast %scan3A_3 : f32 to vector<16xf32>
      %select_n3A_557 = arith.select %lt3A_555, %scan3A_82#4, %broadcast_in_dim3A_556 : vector<16xi1>, vector<16xf32>
      %reduce_max3A_558 = arith.constant true
      %reduce_max3A_559 = vector.broadcast %reduce_max3A_558 : i1 to vector<16xi1>
      %reduce_max3A_560 = tpu.scan <max>, %select_n3A_557 masked %reduce_max3A_559 : vector<16xf32>, vector<16xi1> -> vector<16xf32>
      %reduce_max3A_561 = vector.extract %reduce_max3A_560[15] : f32 from vector<16xf32>
      %max3A_562 = arith.maximumf %max3A_541, %reduce_max3A_561 : f32
      %eq3A_563 = arith.constant 3 : i32
      %eq3A_564 = vector.broadcast %eq3A_563 : i32 to vector<16xi32>
      %eq3A_565 = arith.cmpi eq, %iota3A, %eq3A_564 : vector<16xi32>
      %broadcast_in_dim3A_566 = vector.broadcast %max3A_446 : f32 to vector<16xf32>
      %select_n3A_567 = arith.select %eq3A_565, %broadcast_in_dim3A_566, %select_n3A_456 : vector<16xi1>, vector<16xf32>
      %eq3A_568 = arith.constant 8 : i32
      %eq3A_569 = vector.broadcast %eq3A_568 : i32 to vector<16xi32>
      %eq3A_570 = arith.cmpi eq, %iota3A, %eq3A_569 : vector<16xi32>
      %broadcast_in_dim3A_571 = vector.broadcast %add3A_553 : f32 to vector<16xf32>
      %select_n3A_572 = arith.select %eq3A_570, %broadcast_in_dim3A_571, %select_n3A_567 : vector<16xi1>, vector<16xf32>
      %eq3A_573 = vector.broadcast %max3A_562 : f32 to vector<16xf32>
      %eq3A_574 = arith.cmpf oeq, %scan3A_82#0, %eq3A_573 : vector<16xf32>
      %jit3A_575 = arith.constant 1.000000e+00 : f32
      %jit3A_576 = arith.constant 0.000000e+00 : f32
      %broadcast_in_dim3A_577 = vector.broadcast %jit3A_575 : f32 to vector<16xf32>
      %broadcast_in_dim3A_578 = vector.broadcast %jit3A_576 : f32 to vector<16xf32>
      %select_n3A_579 = arith.select %eq3A_574, %broadcast_in_dim3A_577, %broadcast_in_dim3A_578 : vector<16xi1>, vector<16xf32>
      %reduce_sum3A_580 = arith.constant true
      %reduce_sum3A_581 = vector.broadcast %reduce_sum3A_580 : i1 to vector<16xi1>
      %reduce_sum3A_582 = tpu.scan <sum>, %select_n3A_579 masked %reduce_sum3A_581 : vector<16xf32>, vector<16xi1> -> vector<16xf32>
      %reduce_sum3A_583 = vector.extract %reduce_sum3A_582[15] : f32 from vector<16xf32>
      %add3A_584 = arith.constant 0.000000e+00 : f32
      %add3A_585 = arith.addf %add3A_584, %reduce_sum3A_583 : f32
      %lt3A_586 = vector.broadcast %max3A_562 : f32 to vector<16xf32>
      %lt3A_587 = arith.cmpf olt, %scan3A_82#0, %lt3A_586 : vector<16xf32>
      %broadcast_in_dim3A_588 = vector.broadcast %scan3A_3 : f32 to vector<16xf32>
      %select_n3A_589 = arith.select %lt3A_587, %scan3A_82#0, %broadcast_in_dim3A_588 : vector<16xi1>, vector<16xf32>
      %reduce_max3A_590 = arith.constant true
      %reduce_max3A_591 = vector.broadcast %reduce_max3A_590 : i1 to vector<16xi1>
      %reduce_max3A_592 = tpu.scan <max>, %select_n3A_589 masked %reduce_max3A_591 : vector<16xf32>, vector<16xi1> -> vector<16xf32>
      %reduce_max3A_593 = vector.extract %reduce_max3A_592[15] : f32 from vector<16xf32>
      %max3A_594 = arith.maximumf %scan3A_3, %reduce_max3A_593 : f32
      %eq3A_595 = vector.broadcast %max3A_562 : f32 to vector<16xf32>
      %eq3A_596 = arith.cmpf oeq, %scan3A_82#1, %eq3A_595 : vector<16xf32>
      %jit3A_597 = arith.constant 1.000000e+00 : f32
      %jit3A_598 = arith.constant 0.000000e+00 : f32
      %broadcast_in_dim3A_599 = vector.broadcast %jit3A_597 : f32 to vector<16xf32>
      %broadcast_in_dim3A_600 = vector.broadcast %jit3A_598 : f32 to vector<16xf32>
      %select_n3A_601 = arith.select %eq3A_596, %broadcast_in_dim3A_599, %broadcast_in_dim3A_600 : vector<16xi1>, vector<16xf32>
      %reduce_sum3A_602 = arith.constant true
      %reduce_sum3A_603 = vector.broadcast %reduce_sum3A_602 : i1 to vector<16xi1>
      %reduce_sum3A_604 = tpu.scan <sum>, %select_n3A_601 masked %reduce_sum3A_603 : vector<16xf32>, vector<16xi1> -> vector<16xf32>
      %reduce_sum3A_605 = vector.extract %reduce_sum3A_604[15] : f32 from vector<16xf32>
      %add3A_606 = arith.addf %add3A_585, %reduce_sum3A_605 : f32
      %lt3A_607 = vector.broadcast %max3A_562 : f32 to vector<16xf32>
      %lt3A_608 = arith.cmpf olt, %scan3A_82#1, %lt3A_607 : vector<16xf32>
      %broadcast_in_dim3A_609 = vector.broadcast %scan3A_3 : f32 to vector<16xf32>
      %select_n3A_610 = arith.select %lt3A_608, %scan3A_82#1, %broadcast_in_dim3A_609 : vector<16xi1>, vector<16xf32>
      %reduce_max3A_611 = arith.constant true
      %reduce_max3A_612 = vector.broadcast %reduce_max3A_611 : i1 to vector<16xi1>
      %reduce_max3A_613 = tpu.scan <max>, %select_n3A_610 masked %reduce_max3A_612 : vector<16xf32>, vector<16xi1> -> vector<16xf32>
      %reduce_max3A_614 = vector.extract %reduce_max3A_613[15] : f32 from vector<16xf32>
      %max3A_615 = arith.maximumf %max3A_594, %reduce_max3A_614 : f32
      %eq3A_616 = vector.broadcast %max3A_562 : f32 to vector<16xf32>
      %eq3A_617 = arith.cmpf oeq, %scan3A_82#2, %eq3A_616 : vector<16xf32>
      %jit3A_618 = arith.constant 1.000000e+00 : f32
      %jit3A_619 = arith.constant 0.000000e+00 : f32
      %broadcast_in_dim3A_620 = vector.broadcast %jit3A_618 : f32 to vector<16xf32>
      %broadcast_in_dim3A_621 = vector.broadcast %jit3A_619 : f32 to vector<16xf32>
      %select_n3A_622 = arith.select %eq3A_617, %broadcast_in_dim3A_620, %broadcast_in_dim3A_621 : vector<16xi1>, vector<16xf32>
      %reduce_sum3A_623 = arith.constant true
      %reduce_sum3A_624 = vector.broadcast %reduce_sum3A_623 : i1 to vector<16xi1>
      %reduce_sum3A_625 = tpu.scan <sum>, %select_n3A_622 masked %reduce_sum3A_624 : vector<16xf32>, vector<16xi1> -> vector<16xf32>
      %reduce_sum3A_626 = vector.extract %reduce_sum3A_625[15] : f32 from vector<16xf32>
      %add3A_627 = arith.addf %add3A_606, %reduce_sum3A_626 : f32
      %lt3A_628 = vector.broadcast %max3A_562 : f32 to vector<16xf32>
      %lt3A_629 = arith.cmpf olt, %scan3A_82#2, %lt3A_628 : vector<16xf32>
      %broadcast_in_dim3A_630 = vector.broadcast %scan3A_3 : f32 to vector<16xf32>
      %select_n3A_631 = arith.select %lt3A_629, %scan3A_82#2, %broadcast_in_dim3A_630 : vector<16xi1>, vector<16xf32>
      %reduce_max3A_632 = arith.constant true
      %reduce_max3A_633 = vector.broadcast %reduce_max3A_632 : i1 to vector<16xi1>
      %reduce_max3A_634 = tpu.scan <max>, %select_n3A_631 masked %reduce_max3A_633 : vector<16xf32>, vector<16xi1> -> vector<16xf32>
      %reduce_max3A_635 = vector.extract %reduce_max3A_634[15] : f32 from vector<16xf32>
      %max3A_636 = arith.maximumf %max3A_615, %reduce_max3A_635 : f32
      %eq3A_637 = vector.broadcast %max3A_562 : f32 to vector<16xf32>
      %eq3A_638 = arith.cmpf oeq, %scan3A_82#3, %eq3A_637 : vector<16xf32>
      %jit3A_639 = arith.constant 1.000000e+00 : f32
      %jit3A_640 = arith.constant 0.000000e+00 : f32
      %broadcast_in_dim3A_641 = vector.broadcast %jit3A_639 : f32 to vector<16xf32>
      %broadcast_in_dim3A_642 = vector.broadcast %jit3A_640 : f32 to vector<16xf32>
      %select_n3A_643 = arith.select %eq3A_638, %broadcast_in_dim3A_641, %broadcast_in_dim3A_642 : vector<16xi1>, vector<16xf32>
      %reduce_sum3A_644 = arith.constant true
      %reduce_sum3A_645 = vector.broadcast %reduce_sum3A_644 : i1 to vector<16xi1>
      %reduce_sum3A_646 = tpu.scan <sum>, %select_n3A_643 masked %reduce_sum3A_645 : vector<16xf32>, vector<16xi1> -> vector<16xf32>
      %reduce_sum3A_647 = vector.extract %reduce_sum3A_646[15] : f32 from vector<16xf32>
      %add3A_648 = arith.addf %add3A_627, %reduce_sum3A_647 : f32
      %lt3A_649 = vector.broadcast %max3A_562 : f32 to vector<16xf32>
      %lt3A_650 = arith.cmpf olt, %scan3A_82#3, %lt3A_649 : vector<16xf32>
      %broadcast_in_dim3A_651 = vector.broadcast %scan3A_3 : f32 to vector<16xf32>
      %select_n3A_652 = arith.select %lt3A_650, %scan3A_82#3, %broadcast_in_dim3A_651 : vector<16xi1>, vector<16xf32>
      %reduce_max3A_653 = arith.constant true
      %reduce_max3A_654 = vector.broadcast %reduce_max3A_653 : i1 to vector<16xi1>
      %reduce_max3A_655 = tpu.scan <max>, %select_n3A_652 masked %reduce_max3A_654 : vector<16xf32>, vector<16xi1> -> vector<16xf32>
      %reduce_max3A_656 = vector.extract %reduce_max3A_655[15] : f32 from vector<16xf32>
      %max3A_657 = arith.maximumf %max3A_636, %reduce_max3A_656 : f32
      %eq3A_658 = vector.broadcast %max3A_562 : f32 to vector<16xf32>
      %eq3A_659 = arith.cmpf oeq, %scan3A_82#4, %eq3A_658 : vector<16xf32>
      %jit3A_660 = arith.constant 1.000000e+00 : f32
      %jit3A_661 = arith.constant 0.000000e+00 : f32
      %broadcast_in_dim3A_662 = vector.broadcast %jit3A_660 : f32 to vector<16xf32>
      %broadcast_in_dim3A_663 = vector.broadcast %jit3A_661 : f32 to vector<16xf32>
      %select_n3A_664 = arith.select %eq3A_659, %broadcast_in_dim3A_662, %broadcast_in_dim3A_663 : vector<16xi1>, vector<16xf32>
      %reduce_sum3A_665 = arith.constant true
      %reduce_sum3A_666 = vector.broadcast %reduce_sum3A_665 : i1 to vector<16xi1>
      %reduce_sum3A_667 = tpu.scan <sum>, %select_n3A_664 masked %reduce_sum3A_666 : vector<16xf32>, vector<16xi1> -> vector<16xf32>
      %reduce_sum3A_668 = vector.extract %reduce_sum3A_667[15] : f32 from vector<16xf32>
      %add3A_669 = arith.addf %add3A_648, %reduce_sum3A_668 : f32
      %lt3A_670 = vector.broadcast %max3A_562 : f32 to vector<16xf32>
      %lt3A_671 = arith.cmpf olt, %scan3A_82#4, %lt3A_670 : vector<16xf32>
      %broadcast_in_dim3A_672 = vector.broadcast %scan3A_3 : f32 to vector<16xf32>
      %select_n3A_673 = arith.select %lt3A_671, %scan3A_82#4, %broadcast_in_dim3A_672 : vector<16xi1>, vector<16xf32>
      %reduce_max3A_674 = arith.constant true
      %reduce_max3A_675 = vector.broadcast %reduce_max3A_674 : i1 to vector<16xi1>
      %reduce_max3A_676 = tpu.scan <max>, %select_n3A_673 masked %reduce_max3A_675 : vector<16xf32>, vector<16xi1> -> vector<16xf32>
      %reduce_max3A_677 = vector.extract %reduce_max3A_676[15] : f32 from vector<16xf32>
      %max3A_678 = arith.maximumf %max3A_657, %reduce_max3A_677 : f32
      %eq3A_679 = arith.constant 4 : i32
      %eq3A_680 = vector.broadcast %eq3A_679 : i32 to vector<16xi32>
      %eq3A_681 = arith.cmpi eq, %iota3A, %eq3A_680 : vector<16xi32>
      %broadcast_in_dim3A_682 = vector.broadcast %max3A_562 : f32 to vector<16xf32>
      %select_n3A_683 = arith.select %eq3A_681, %broadcast_in_dim3A_682, %select_n3A_572 : vector<16xi1>, vector<16xf32>
      %eq3A_684 = arith.constant 9 : i32
      %eq3A_685 = vector.broadcast %eq3A_684 : i32 to vector<16xi32>
      %eq3A_686 = arith.cmpi eq, %iota3A, %eq3A_685 : vector<16xi32>
      %broadcast_in_dim3A_687 = vector.broadcast %add3A_669 : f32 to vector<16xf32>
      %select_n3A_688 = arith.select %eq3A_686, %broadcast_in_dim3A_687, %select_n3A_683 : vector<16xi1>, vector<16xf32>
      %eq3A_689 = arith.constant 10 : i32
      %eq3A_690 = vector.broadcast %eq3A_689 : i32 to vector<16xi32>
      %eq3A_691 = arith.cmpi eq, %iota3A, %eq3A_690 : vector<16xi32>
      %broadcast_in_dim3A_692 = vector.broadcast %reduce_sum3A_108 : f32 to vector<16xf32>
      %select_n3A_693 = arith.select %eq3A_691, %broadcast_in_dim3A_692, %select_n3A_688 : vector<16xi1>, vector<16xf32>
      %eq3A_694 = arith.constant 11 : i32
      %eq3A_695 = vector.broadcast %eq3A_694 : i32 to vector<16xi32>
      %eq3A_696 = arith.cmpi eq, %iota3A, %eq3A_695 : vector<16xi32>
      %broadcast_in_dim3A_697 = vector.broadcast %neg3A_105 : f32 to vector<16xf32>
      %select_n3A_698 = arith.select %eq3A_696, %broadcast_in_dim3A_697, %select_n3A_693 : vector<16xi1>, vector<16xf32>
      %mul3A_699 = arith.constant 16 : i32
      %mul3A_700 = arith.muli %scan3A_51, %mul3A_699 : i32
      %swap3A_701 = arith.index_cast %mul3A_700 : i32 to index
      %swap3A_702 = tpu.vector_load %arg8[%swap3A_701] {strides = array<i32>} : memref<512xf32, #tpu.memory_space<vmem>>, vector<16xf32>,
      tpu.vector_store %arg8[%swap3A_701], %select_n3A_698 {strides = array<i32>} : memref<512xf32, #tpu.memory_space<vmem>>, vector<16xf32>,
    }
    %scan3A_8 = arith.constant 32 : i32
    %mul3A_9 = arith.constant 16 : i32
    %mul3A_10 = arith.muli %mul3A_2, %mul3A_9 : i32
    "tpu.region"() ({
      %run_scoped3A = tpu.sem_alloc : memref<!tpu.dma_semaphore, #tpu.memory_space<semaphore_mem>>
      %dma_start3A_51 = tpu.memref_slice %arg4[%mul3A_10] : memref<16384xf32, #tpu.memory_space<hbm>> -> memref<512xf32, #tpu.memory_space<hbm>>
      %dma_start3A_52 = tpu.memref_slice %arg4[%mul3A_10] : memref<16384xf32, #tpu.memory_space<hbm>> -> memref<512xf32, #tpu.memory_space<hbm>>
      tpu.enqueue_dma source(%arg8 : memref<512xf32, #tpu.memory_space<vmem>>) target(%dma_start3A_52 : memref<512xf32, #tpu.memory_space<hbm>>) target_semaphore(%run_scoped3A : memref<!tpu.dma_semaphore, #tpu.memory_space<semaphore_mem>>)
      %dma_wait3A_53 = tpu.memref_slice %arg4[%mul3A_10] : memref<16384xf32, #tpu.memory_space<hbm>> -> memref<512xf32, #tpu.memory_space<hbm>>
      %dma_wait3A_54 = tpu.memref_slice %arg4[%mul3A_10] : memref<16384xf32, #tpu.memory_space<hbm>> -> memref<512xf32, #tpu.memory_space<hbm>>
      tpu.wait_dma2 semaphore(%run_scoped3A : memref<!tpu.dma_semaphore, #tpu.memory_space<semaphore_mem>>) src(%arg8 : memref<512xf32, #tpu.memory_space<vmem>>) dst(%dma_wait3A_54 : memref<512xf32, #tpu.memory_space<hbm>>)
      tpu.yield
    }) : () -> ()
    "tpu.region"() ({
      %run_scoped3A = tpu.sem_alloc : memref<!tpu.dma_semaphore, #tpu.memory_space<semaphore_mem>>
      %dma_start3A_51 = tpu.memref_slice %arg3[%mul3A_2] : memref<1024xi32, #tpu.memory_space<hbm>> -> memref<32xi32, #tpu.memory_space<hbm>>
      %dma_start3A_52 = tpu.memref_slice %arg3[%mul3A_2] : memref<1024xi32, #tpu.memory_space<hbm>> -> memref<32xi32, #tpu.memory_space<hbm>>
      tpu.enqueue_dma source(%dma_start3A_52 : memref<32xi32, #tpu.memory_space<hbm>>) target(%arg7 : memref<32xi32, #tpu.memory_space<vmem>>) target_semaphore(%run_scoped3A : memref<!tpu.dma_semaphore, #tpu.memory_space<semaphore_mem>>)
      %dma_wait3A_53 = tpu.memref_slice %arg3[%mul3A_2] : memref<1024xi32, #tpu.memory_space<hbm>> -> memref<32xi32, #tpu.memory_space<hbm>>
      %dma_wait3A_54 = tpu.memref_slice %arg3[%mul3A_2] : memref<1024xi32, #tpu.memory_space<hbm>> -> memref<32xi32, #tpu.memory_space<hbm>>
      tpu.wait_dma2 semaphore(%run_scoped3A : memref<!tpu.dma_semaphore, #tpu.memory_space<semaphore_mem>>) src(%dma_wait3A_54 : memref<32xi32, #tpu.memory_space<hbm>>) dst(%arg7 : memref<32xi32, #tpu.memory_space<vmem>>)
      tpu.yield
    }) : () -> ()
    %get3A = arith.constant 0 : index
    %get3A_11 = tpu.vector_load %arg7[%get3A] {strides = array<i32>} : memref<32xi32, #tpu.memory_space<vmem>>, vector<16xi32>,
    %add3A_12 = arith.constant 0 : i32
    %add3A_13 = arith.addi %mul3A_2, %add3A_12 : i32
    %add3A_14 = vector.broadcast %add3A_13 : i32 to vector<16xi32>
    %add3A_15 = arith.addi %add3A_14, %iota3A : vector<16xi32>
    %mul3A_16 = arith.constant 100000 : i32
    %mul3A_17 = vector.broadcast %mul3A_16 : i32 to vector<16xi32>
    %mul3A_18 = arith.muli %add3A_15, %mul3A_17 : vector<16xi32>
    %add3A_19 = arith.addi %mul3A_18, %get3A_11 : vector<16xi32>
    %dma_start3A = arith.constant 0 : i32
    %dma_start3A_20 = tpu.memref_slice %arg2[%dma_start3A] : memref<102400000xf32, #tpu.memory_space<hbm>> -> memref<102400000xf32, #tpu.memory_space<hbm>>
    tpu.enqueue_indirect_dma source(%dma_start3A_20 : memref<102400000xf32, #tpu.memory_space<hbm>>) target(%arg10 : memref<16xf32, #tpu.memory_space<vmem>>) offsets(%add3A_19 : vector<16xi32>) semaphore(%arg11 : memref<!tpu.dma_semaphore, #tpu.memory_space<semaphore_mem>>)
    %dma_wait3A = arith.constant 0 : i32
    %dma_wait3A_21 = tpu.memref_slice %arg2[%dma_wait3A] : memref<102400000xf32, #tpu.memory_space<hbm>> -> memref<102400000xf32, #tpu.memory_space<hbm>>
    tpu.wait_indirect_dma semaphore(%arg11 : memref<!tpu.dma_semaphore, #tpu.memory_space<semaphore_mem>>) src(%dma_wait3A_21 : memref<102400000xf32, #tpu.memory_space<hbm>>) dst(%arg10 : memref<16xf32, #tpu.memory_space<vmem>>)
    %ge3A = arith.constant 91776 : i32
    %ge3A_22 = vector.broadcast %ge3A : i32 to vector<16xi32>
    %ge3A_23 = arith.cmpi sge, %get3A_11, %ge3A_22 : vector<16xi32>
    %get3A_24 = arith.constant 0 : index
    %get3A_25 = tpu.vector_load %arg10[%get3A_24] {strides = array<i32>} : memref<16xf32, #tpu.memory_space<vmem>>, vector<16xf32>,
    %jit3A = arith.constant 0.000000e+00 : f32
    %broadcast_in_dim3A = vector.broadcast %jit3A : f32 to vector<16xf32>
    %select_n3A = arith.select %ge3A_23, %get3A_25, %broadcast_in_dim3A : vector<16xi1>, vector<16xf32>
    %swap3A = arith.constant 0 : index
    %swap3A_26 = tpu.vector_load %arg9[%swap3A] {strides = array<i32>} : memref<32xf32, #tpu.memory_space<vmem>>, vector<16xf32>,
    tpu.vector_store %arg9[%swap3A], %select_n3A {strides = array<i32>} : memref<32xf32, #tpu.memory_space<vmem>>, vector<16xf32>,
    %get3A_27 = arith.constant 16 : index
    %get3A_28 = tpu.vector_load %arg7[%get3A_27] {strides = array<i32>} : memref<32xi32, #tpu.memory_space<vmem>>, vector<16xi32>,
    %add3A_29 = arith.constant 16 : i32
    %add3A_30 = arith.addi %mul3A_2, %add3A_29 : i32
    %add3A_31 = vector.broadcast %add3A_30 : i32 to vector<16xi32>
    %add3A_32 = arith.addi %add3A_31, %iota3A : vector<16xi32>
    %mul3A_33 = arith.constant 100000 : i32
    %mul3A_34 = vector.broadcast %mul3A_33 : i32 to vector<16xi32>
    %mul3A_35 = arith.muli %add3A_32, %mul3A_34 : vector<16xi32>
    %add3A_36 = arith.addi %mul3A_35, %get3A_28 : vector<16xi32>
    %dma_start3A_37 = arith.constant 0 : i32
    %dma_start3A_38 = tpu.memref_slice %arg2[%dma_start3A_37] : memref<102400000xf32, #tpu.memory_space<hbm>> -> memref<102400000xf32, #tpu.memory_space<hbm>>
    tpu.enqueue_indirect_dma source(%dma_start3A_38 : memref<102400000xf32, #tpu.memory_space<hbm>>) target(%arg10 : memref<16xf32, #tpu.memory_space<vmem>>) offsets(%add3A_36 : vector<16xi32>) semaphore(%arg11 : memref<!tpu.dma_semaphore, #tpu.memory_space<semaphore_mem>>)
    %dma_wait3A_39 = arith.constant 0 : i32
    %dma_wait3A_40 = tpu.memref_slice %arg2[%dma_wait3A_39] : memref<102400000xf32, #tpu.memory_space<hbm>> -> memref<102400000xf32, #tpu.memory_space<hbm>>
    tpu.wait_indirect_dma semaphore(%arg11 : memref<!tpu.dma_semaphore, #tpu.memory_space<semaphore_mem>>) src(%dma_wait3A_40 : memref<102400000xf32, #tpu.memory_space<hbm>>) dst(%arg10 : memref<16xf32, #tpu.memory_space<vmem>>)
    %ge3A_41 = arith.constant 91776 : i32
    %ge3A_42 = vector.broadcast %ge3A_41 : i32 to vector<16xi32>
    %ge3A_43 = arith.cmpi sge, %get3A_28, %ge3A_42 : vector<16xi32>
    %get3A_44 = arith.constant 0 : index
    %get3A_45 = tpu.vector_load %arg10[%get3A_44] {strides = array<i32>} : memref<16xf32, #tpu.memory_space<vmem>>, vector<16xf32>,
    %jit3A_46 = arith.constant 0.000000e+00 : f32
    %broadcast_in_dim3A_47 = vector.broadcast %jit3A_46 : f32 to vector<16xf32>
    %select_n3A_48 = arith.select %ge3A_43, %get3A_45, %broadcast_in_dim3A_47 : vector<16xi1>, vector<16xf32>
    %swap3A_49 = arith.constant 16 : index
    %swap3A_50 = tpu.vector_load %arg9[%swap3A_49] {strides = array<i32>} : memref<32xf32, #tpu.memory_space<vmem>>, vector<16xf32>,
    tpu.vector_store %arg9[%swap3A_49], %select_n3A_48 {strides = array<i32>} : memref<32xf32, #tpu.memory_space<vmem>>, vector<16xf32>,
    "tpu.region"() ({
      %run_scoped3A = tpu.sem_alloc : memref<!tpu.dma_semaphore, #tpu.memory_space<semaphore_mem>>
      %dma_start3A_51 = tpu.memref_slice %arg5[%mul3A_2] : memref<1024xf32, #tpu.memory_space<hbm>> -> memref<32xf32, #tpu.memory_space<hbm>>
      %dma_start3A_52 = tpu.memref_slice %arg5[%mul3A_2] : memref<1024xf32, #tpu.memory_space<hbm>> -> memref<32xf32, #tpu.memory_space<hbm>>
      tpu.enqueue_dma source(%arg9 : memref<32xf32, #tpu.memory_space<vmem>>) target(%dma_start3A_52 : memref<32xf32, #tpu.memory_space<hbm>>) target_semaphore(%run_scoped3A : memref<!tpu.dma_semaphore, #tpu.memory_space<semaphore_mem>>)
      %dma_wait3A_53 = tpu.memref_slice %arg5[%mul3A_2] : memref<1024xf32, #tpu.memory_space<hbm>> -> memref<32xf32, #tpu.memory_space<hbm>>
      %dma_wait3A_54 = tpu.memref_slice %arg5[%mul3A_2] : memref<1024xf32, #tpu.memory_space<hbm>> -> memref<32xf32, #tpu.memory_space<hbm>>
      tpu.wait_dma2 semaphore(%run_scoped3A : memref<!tpu.dma_semaphore, #tpu.memory_space<semaphore_mem>>) src(%arg9 : memref<32xf32, #tpu.memory_space<vmem>>) dst(%dma_wait3A_54 : memref<32xf32, #tpu.memory_space<hbm>>)
      tpu.yield
    }) : () -> ()
    return
  }
}

module attributes {stable_mosaic.version = 14 : i64} {
  func.func @_row_kernel(%arg0: i32, %arg1: memref<8x1xi32, #tpu.memory_space<smem>>, %arg2: memref<8x91776xf32, #tpu.memory_space<vmem>>, %arg3: memref<8x5xf32, #tpu.memory_space<vmem>>, %arg4: memref<8x5xf32, #tpu.memory_space<vmem>>, %arg5: memref<8x1xf32, #tpu.memory_space<vmem>>, %arg6: memref<8x1xi32, #tpu.memory_space<vmem>>, %arg7: memref<8x1xf32, #tpu.memory_space<vmem>>) attributes {dimension_semantics = [#tpu.dimension_semantics<arbitrary>], iteration_bounds = array<i64: 128>, scalar_prefetch = 0 : i64, scratch_operands = 0 : i64, tpu.core_type = #tpu.core_type<tc>, window_params = [{transform_indices = @transform_0, window_bounds = array<i64: 8, 1>}, {transform_indices = @transform_1, window_bounds = array<i64: 8, 91776>}, {transform_indices = @transform_2, window_bounds = array<i64: 8, 5>}, {transform_indices = @transform_3, window_bounds = array<i64: 8, 5>}, {transform_indices = @transform_4, window_bounds = array<i64: 8, 1>}, {transform_indices = @transform_5, window_bounds = array<i64: 8, 1>}, {transform_indices = @transform_6, window_bounds = array<i64: 8, 1>}]} {
    %broadcast_in_dim3A = arith.constant 0xFF800000 : f32
    %broadcast_in_dim3A_0 = vector.broadcast %broadcast_in_dim3A : f32 to vector<8x128xf32>
    %broadcast_in_dim3A_1 = arith.constant 0xFF800000 : f32
    %broadcast_in_dim3A_2 = vector.broadcast %broadcast_in_dim3A_1 : f32 to vector<8x128xf32>
    %broadcast_in_dim3A_3 = arith.constant 0xFF800000 : f32
    %broadcast_in_dim3A_4 = vector.broadcast %broadcast_in_dim3A_3 : f32 to vector<8x128xf32>
    %broadcast_in_dim3A_5 = arith.constant 0xFF800000 : f32
    %broadcast_in_dim3A_6 = vector.broadcast %broadcast_in_dim3A_5 : f32 to vector<8x128xf32>
    %broadcast_in_dim3A_7 = arith.constant 0xFF800000 : f32
    %broadcast_in_dim3A_8 = vector.broadcast %broadcast_in_dim3A_7 : f32 to vector<8x128xf32>
    %broadcast_in_dim3A_9 = arith.constant 717 : i32
    %broadcast_in_dim3A_10 = vector.broadcast %broadcast_in_dim3A_9 : i32 to vector<8x128xi32>
    %broadcast_in_dim3A_11 = arith.constant 0.000000e+00 : f32
    %broadcast_in_dim3A_12 = vector.broadcast %broadcast_in_dim3A_11 : f32 to vector<8x128xf32>
    %broadcast_in_dim3A_13 = arith.constant 0xFF800000 : f32
    %broadcast_in_dim3A_14 = vector.broadcast %broadcast_in_dim3A_13 : f32 to vector<8x128xf32>
    %broadcast_in_dim3A_15 = arith.constant 0xFF800000 : f32
    %broadcast_in_dim3A_16 = vector.broadcast %broadcast_in_dim3A_15 : f32 to vector<8x128xf32>
    %broadcast_in_dim3A_17 = arith.constant 0xFF800000 : f32
    %broadcast_in_dim3A_18 = vector.broadcast %broadcast_in_dim3A_17 : f32 to vector<8x128xf32>
    %broadcast_in_dim3A_19 = arith.constant 0xFF800000 : f32
    %broadcast_in_dim3A_20 = vector.broadcast %broadcast_in_dim3A_19 : f32 to vector<8x128xf32>
    %broadcast_in_dim3A_21 = arith.constant 0xFF800000 : f32
    %broadcast_in_dim3A_22 = vector.broadcast %broadcast_in_dim3A_21 : f32 to vector<8x128xf32>
    %broadcast_in_dim3A_23 = arith.constant 717 : i32
    %broadcast_in_dim3A_24 = vector.broadcast %broadcast_in_dim3A_23 : i32 to vector<8x128xi32>
    %broadcast_in_dim3A_25 = arith.constant 0.000000e+00 : f32
    %broadcast_in_dim3A_26 = vector.broadcast %broadcast_in_dim3A_25 : f32 to vector<8x128xf32>
    %broadcast_in_dim3A_27 = arith.constant 0xFF800000 : f32
    %broadcast_in_dim3A_28 = vector.broadcast %broadcast_in_dim3A_27 : f32 to vector<8x128xf32>
    %broadcast_in_dim3A_29 = arith.constant 0xFF800000 : f32
    %broadcast_in_dim3A_30 = vector.broadcast %broadcast_in_dim3A_29 : f32 to vector<8x128xf32>
    %broadcast_in_dim3A_31 = arith.constant 0xFF800000 : f32
    %broadcast_in_dim3A_32 = vector.broadcast %broadcast_in_dim3A_31 : f32 to vector<8x128xf32>
    %broadcast_in_dim3A_33 = arith.constant 0xFF800000 : f32
    %broadcast_in_dim3A_34 = vector.broadcast %broadcast_in_dim3A_33 : f32 to vector<8x128xf32>
    %broadcast_in_dim3A_35 = arith.constant 0xFF800000 : f32
    %broadcast_in_dim3A_36 = vector.broadcast %broadcast_in_dim3A_35 : f32 to vector<8x128xf32>
    %broadcast_in_dim3A_37 = arith.constant 717 : i32
    %broadcast_in_dim3A_38 = vector.broadcast %broadcast_in_dim3A_37 : i32 to vector<8x128xi32>
    %broadcast_in_dim3A_39 = arith.constant 0.000000e+00 : f32
    %broadcast_in_dim3A_40 = vector.broadcast %broadcast_in_dim3A_39 : f32 to vector<8x128xf32>
    %broadcast_in_dim3A_41 = arith.constant 0xFF800000 : f32
    %broadcast_in_dim3A_42 = vector.broadcast %broadcast_in_dim3A_41 : f32 to vector<8x128xf32>
    %broadcast_in_dim3A_43 = arith.constant 0xFF800000 : f32
    %broadcast_in_dim3A_44 = vector.broadcast %broadcast_in_dim3A_43 : f32 to vector<8x128xf32>
    %broadcast_in_dim3A_45 = arith.constant 0xFF800000 : f32
    %broadcast_in_dim3A_46 = vector.broadcast %broadcast_in_dim3A_45 : f32 to vector<8x128xf32>
    %broadcast_in_dim3A_47 = arith.constant 0xFF800000 : f32
    %broadcast_in_dim3A_48 = vector.broadcast %broadcast_in_dim3A_47 : f32 to vector<8x128xf32>
    %broadcast_in_dim3A_49 = arith.constant 0xFF800000 : f32
    %broadcast_in_dim3A_50 = vector.broadcast %broadcast_in_dim3A_49 : f32 to vector<8x128xf32>
    %broadcast_in_dim3A_51 = arith.constant 717 : i32
    %broadcast_in_dim3A_52 = vector.broadcast %broadcast_in_dim3A_51 : i32 to vector<8x128xi32>
    %broadcast_in_dim3A_53 = arith.constant 0.000000e+00 : f32
    %broadcast_in_dim3A_54 = vector.broadcast %broadcast_in_dim3A_53 : f32 to vector<8x128xf32>
    %multiple_of3A = arith.constant 91648 : i32
    %multiple_of3A_55 = tpu.assume_multiple %multiple_of3A, 128 : i32
    %get3A = arith.constant 0 : index
    %get3A_56 = arith.index_cast %multiple_of3A_55 : i32 to index
    %get3A_57 = vector.load %arg2[%get3A, %get3A_56] : memref<8x91776xf32, #tpu.memory_space<vmem>>, vector<8x128xf32>
    %ge3A = arith.cmpf oge, %get3A_57, %broadcast_in_dim3A_0 : vector<8x128xf32>
    %jit3A = arith.constant 716 : i32
    %broadcast_in_dim3A_58 = vector.broadcast %jit3A : i32 to vector<8x128xi32>
    %select_n3A = arith.select %ge3A, %broadcast_in_dim3A_58, %broadcast_in_dim3A_10 : vector<8x128xi1>, vector<8x128xi32>
    %min3A = arith.minimumf %broadcast_in_dim3A_0, %get3A_57 : vector<8x128xf32>
    %max3A = arith.maximumf %broadcast_in_dim3A_0, %get3A_57 : vector<8x128xf32>
    %min3A_59 = arith.minimumf %broadcast_in_dim3A_2, %min3A : vector<8x128xf32>
    %max3A_60 = arith.maximumf %broadcast_in_dim3A_2, %min3A : vector<8x128xf32>
    %min3A_61 = arith.minimumf %broadcast_in_dim3A_4, %min3A_59 : vector<8x128xf32>
    %max3A_62 = arith.maximumf %broadcast_in_dim3A_4, %min3A_59 : vector<8x128xf32>
    %min3A_63 = arith.minimumf %broadcast_in_dim3A_6, %min3A_61 : vector<8x128xf32>
    %max3A_64 = arith.maximumf %broadcast_in_dim3A_6, %min3A_61 : vector<8x128xf32>
    %max3A_65 = arith.maximumf %broadcast_in_dim3A_8, %min3A_63 : vector<8x128xf32>
    %mul3A = arith.constant 1.44269502 : f32
    %mul3A_66 = vector.broadcast %mul3A : f32 to vector<8x128xf32>
    %mul3A_67 = arith.mulf %get3A_57, %mul3A_66 : vector<8x128xf32>
    %exp23A = math.exp2 %mul3A_67 : vector<8x128xf32>
    %add3A = arith.addf %broadcast_in_dim3A_12, %exp23A : vector<8x128xf32>
    %multiple_of3A_68 = arith.constant 91520 : i32
    %multiple_of3A_69 = tpu.assume_multiple %multiple_of3A_68, 128 : i32
    %get3A_70 = arith.constant 0 : index
    %get3A_71 = arith.index_cast %multiple_of3A_69 : i32 to index
    %get3A_72 = vector.load %arg2[%get3A_70, %get3A_71] : memref<8x91776xf32, #tpu.memory_space<vmem>>, vector<8x128xf32>
    %ge3A_73 = arith.cmpf oge, %get3A_72, %broadcast_in_dim3A_42 : vector<8x128xf32>
    %jit3A_74 = arith.constant 715 : i32
    %broadcast_in_dim3A_75 = vector.broadcast %jit3A_74 : i32 to vector<8x128xi32>
    %select_n3A_76 = arith.select %ge3A_73, %broadcast_in_dim3A_75, %broadcast_in_dim3A_52 : vector<8x128xi1>, vector<8x128xi32>
    %min3A_77 = arith.minimumf %broadcast_in_dim3A_42, %get3A_72 : vector<8x128xf32>
    %max3A_78 = arith.maximumf %broadcast_in_dim3A_42, %get3A_72 : vector<8x128xf32>
    %min3A_79 = arith.minimumf %broadcast_in_dim3A_44, %min3A_77 : vector<8x128xf32>
    %max3A_80 = arith.maximumf %broadcast_in_dim3A_44, %min3A_77 : vector<8x128xf32>
    %min3A_81 = arith.minimumf %broadcast_in_dim3A_46, %min3A_79 : vector<8x128xf32>
    %max3A_82 = arith.maximumf %broadcast_in_dim3A_46, %min3A_79 : vector<8x128xf32>
    %min3A_83 = arith.minimumf %broadcast_in_dim3A_48, %min3A_81 : vector<8x128xf32>
    %max3A_84 = arith.maximumf %broadcast_in_dim3A_48, %min3A_81 : vector<8x128xf32>
    %max3A_85 = arith.maximumf %broadcast_in_dim3A_50, %min3A_83 : vector<8x128xf32>
    %mul3A_86 = arith.constant 1.44269502 : f32
    %mul3A_87 = vector.broadcast %mul3A_86 : f32 to vector<8x128xf32>
    %mul3A_88 = arith.mulf %get3A_72, %mul3A_87 : vector<8x128xf32>
    %exp23A_89 = math.exp2 %mul3A_88 : vector<8x128xf32>
    %add3A_90 = arith.addf %broadcast_in_dim3A_54, %exp23A_89 : vector<8x128xf32>
    %multiple_of3A_91 = arith.constant 91392 : i32
    %multiple_of3A_92 = tpu.assume_multiple %multiple_of3A_91, 128 : i32
    %get3A_93 = arith.constant 0 : index
    %get3A_94 = arith.index_cast %multiple_of3A_92 : i32 to index
    %get3A_95 = vector.load %arg2[%get3A_93, %get3A_94] : memref<8x91776xf32, #tpu.memory_space<vmem>>, vector<8x128xf32>
    %ge3A_96 = arith.cmpf oge, %get3A_95, %broadcast_in_dim3A_28 : vector<8x128xf32>
    %jit3A_97 = arith.constant 714 : i32
    %broadcast_in_dim3A_98 = vector.broadcast %jit3A_97 : i32 to vector<8x128xi32>
    %select_n3A_99 = arith.select %ge3A_96, %broadcast_in_dim3A_98, %broadcast_in_dim3A_38 : vector<8x128xi1>, vector<8x128xi32>
    %min3A_100 = arith.minimumf %broadcast_in_dim3A_28, %get3A_95 : vector<8x128xf32>
    %max3A_101 = arith.maximumf %broadcast_in_dim3A_28, %get3A_95 : vector<8x128xf32>
    %min3A_102 = arith.minimumf %broadcast_in_dim3A_30, %min3A_100 : vector<8x128xf32>
    %max3A_103 = arith.maximumf %broadcast_in_dim3A_30, %min3A_100 : vector<8x128xf32>
    %min3A_104 = arith.minimumf %broadcast_in_dim3A_32, %min3A_102 : vector<8x128xf32>
    %max3A_105 = arith.maximumf %broadcast_in_dim3A_32, %min3A_102 : vector<8x128xf32>
    %min3A_106 = arith.minimumf %broadcast_in_dim3A_34, %min3A_104 : vector<8x128xf32>
    %max3A_107 = arith.maximumf %broadcast_in_dim3A_34, %min3A_104 : vector<8x128xf32>
    %max3A_108 = arith.maximumf %broadcast_in_dim3A_36, %min3A_106 : vector<8x128xf32>
    %mul3A_109 = arith.constant 1.44269502 : f32
    %mul3A_110 = vector.broadcast %mul3A_109 : f32 to vector<8x128xf32>
    %mul3A_111 = arith.mulf %get3A_95, %mul3A_110 : vector<8x128xf32>
    %exp23A_112 = math.exp2 %mul3A_111 : vector<8x128xf32>
    %add3A_113 = arith.addf %broadcast_in_dim3A_40, %exp23A_112 : vector<8x128xf32>
    %multiple_of3A_114 = arith.constant 91264 : i32
    %multiple_of3A_115 = tpu.assume_multiple %multiple_of3A_114, 128 : i32
    %get3A_116 = arith.constant 0 : index
    %get3A_117 = arith.index_cast %multiple_of3A_115 : i32 to index
    %get3A_118 = vector.load %arg2[%get3A_116, %get3A_117] : memref<8x91776xf32, #tpu.memory_space<vmem>>, vector<8x128xf32>
    %ge3A_119 = arith.cmpf oge, %get3A_118, %broadcast_in_dim3A_14 : vector<8x128xf32>
    %jit3A_120 = arith.constant 713 : i32
    %broadcast_in_dim3A_121 = vector.broadcast %jit3A_120 : i32 to vector<8x128xi32>
    %select_n3A_122 = arith.select %ge3A_119, %broadcast_in_dim3A_121, %broadcast_in_dim3A_24 : vector<8x128xi1>, vector<8x128xi32>
    %min3A_123 = arith.minimumf %broadcast_in_dim3A_14, %get3A_118 : vector<8x128xf32>
    %max3A_124 = arith.maximumf %broadcast_in_dim3A_14, %get3A_118 : vector<8x128xf32>
    %min3A_125 = arith.minimumf %broadcast_in_dim3A_16, %min3A_123 : vector<8x128xf32>
    %max3A_126 = arith.maximumf %broadcast_in_dim3A_16, %min3A_123 : vector<8x128xf32>
    %min3A_127 = arith.minimumf %broadcast_in_dim3A_18, %min3A_125 : vector<8x128xf32>
    %max3A_128 = arith.maximumf %broadcast_in_dim3A_18, %min3A_125 : vector<8x128xf32>
    %min3A_129 = arith.minimumf %broadcast_in_dim3A_20, %min3A_127 : vector<8x128xf32>
    %max3A_130 = arith.maximumf %broadcast_in_dim3A_20, %min3A_127 : vector<8x128xf32>
    %max3A_131 = arith.maximumf %broadcast_in_dim3A_22, %min3A_129 : vector<8x128xf32>
    %mul3A_132 = arith.constant 1.44269502 : f32
    %mul3A_133 = vector.broadcast %mul3A_132 : f32 to vector<8x128xf32>
    %mul3A_134 = arith.mulf %get3A_118, %mul3A_133 : vector<8x128xf32>
    %exp23A_135 = math.exp2 %mul3A_134 : vector<8x128xf32>
    %add3A_136 = arith.addf %broadcast_in_dim3A_26, %exp23A_135 : vector<8x128xf32>
    %multiple_of3A_137 = arith.constant 91136 : i32
    %multiple_of3A_138 = tpu.assume_multiple %multiple_of3A_137, 128 : i32
    %get3A_139 = arith.constant 0 : index
    %get3A_140 = arith.index_cast %multiple_of3A_138 : i32 to index
    %get3A_141 = vector.load %arg2[%get3A_139, %get3A_140] : memref<8x91776xf32, #tpu.memory_space<vmem>>, vector<8x128xf32>
    %ge3A_142 = arith.cmpf oge, %get3A_141, %max3A : vector<8x128xf32>
    %jit3A_143 = arith.constant 712 : i32
    %broadcast_in_dim3A_144 = vector.broadcast %jit3A_143 : i32 to vector<8x128xi32>
    %select_n3A_145 = arith.select %ge3A_142, %broadcast_in_dim3A_144, %select_n3A : vector<8x128xi1>, vector<8x128xi32>
    %min3A_146 = arith.minimumf %max3A, %get3A_141 : vector<8x128xf32>
    %max3A_147 = arith.maximumf %max3A, %get3A_141 : vector<8x128xf32>
    %min3A_148 = arith.minimumf %max3A_60, %min3A_146 : vector<8x128xf32>
    %max3A_149 = arith.maximumf %max3A_60, %min3A_146 : vector<8x128xf32>
    %min3A_150 = arith.minimumf %max3A_62, %min3A_148 : vector<8x128xf32>
    %max3A_151 = arith.maximumf %max3A_62, %min3A_148 : vector<8x128xf32>
    %min3A_152 = arith.minimumf %max3A_64, %min3A_150 : vector<8x128xf32>
    %max3A_153 = arith.maximumf %max3A_64, %min3A_150 : vector<8x128xf32>
    %max3A_154 = arith.maximumf %max3A_65, %min3A_152 : vector<8x128xf32>
    %mul3A_155 = arith.constant 1.44269502 : f32
    %mul3A_156 = vector.broadcast %mul3A_155 : f32 to vector<8x128xf32>
    %mul3A_157 = arith.mulf %get3A_141, %mul3A_156 : vector<8x128xf32>
    %exp23A_158 = math.exp2 %mul3A_157 : vector<8x128xf32>
    %add3A_159 = arith.addf %add3A, %exp23A_158 : vector<8x128xf32>
    %scan3A = arith.constant 0 : i32
    %scan3A_160 = arith.constant 89 : i32
    %scan3A_161 = arith.addi %scan3A, %scan3A_160 : i32
    %scan3A_162 = arith.constant 1 : i32
    %scan3A_163:28 = scf.for %scan3A_710 = %scan3A to %scan3A_161 step %scan3A_162 iter_args(%scan3A_711 = %max3A_147, %scan3A_712 = %max3A_149, %scan3A_713 = %max3A_151, %scan3A_714 = %max3A_153, %scan3A_715 = %max3A_154, %scan3A_716 = %select_n3A_145, %scan3A_717 = %add3A_159, %scan3A_718 = %max3A_124, %scan3A_719 = %max3A_126, %scan3A_720 = %max3A_128, %scan3A_721 = %max3A_130, %scan3A_722 = %max3A_131, %scan3A_723 = %select_n3A_122, %scan3A_724 = %add3A_136, %scan3A_725 = %max3A_101, %scan3A_726 = %max3A_103, %scan3A_727 = %max3A_105, %scan3A_728 = %max3A_107, %scan3A_729 = %max3A_108, %scan3A_730 = %select_n3A_99, %scan3A_731 = %add3A_113, %scan3A_732 = %max3A_78, %scan3A_733 = %max3A_80, %scan3A_734 = %max3A_82, %scan3A_735 = %max3A_84, %scan3A_736 = %max3A_85, %scan3A_737 = %select_n3A_76, %scan3A_738 = %add3A_90) -> (vector<8x128xf32>, vector<8x128xf32>, vector<8x128xf32>, vector<8x128xf32>, vector<8x128xf32>, vector<8x128xi32>, vector<8x128xf32>, vector<8x128xf32>, vector<8x128xf32>, vector<8x128xf32>, vector<8x128xf32>, vector<8x128xf32>, vector<8x128xi32>, vector<8x128xf32>, vector<8x128xf32>, vector<8x128xf32>, vector<8x128xf32>, vector<8x128xf32>, vector<8x128xf32>, vector<8x128xi32>, vector<8x128xf32>, vector<8x128xf32>, vector<8x128xf32>, vector<8x128xf32>, vector<8x128xf32>, vector<8x128xf32>, vector<8x128xi32>, vector<8x128xf32>)  : i32 {
      %sub3A_739 = arith.constant 88 : i32
      %sub3A_740 = arith.subi %sub3A_739, %scan3A_710 : i32
      %mul3A_741 = arith.constant 8 : i32
      %mul3A_742 = arith.muli %sub3A_740, %mul3A_741 : i32
      %add3A_743 = arith.constant 7 : i32
      %add3A_744 = arith.addi %mul3A_742, %add3A_743 : i32
      %mul3A_745 = arith.constant 128 : i32
      %mul3A_746 = arith.muli %add3A_744, %mul3A_745 : i32
      %multiple_of3A_747 = tpu.assume_multiple %mul3A_746, 128 : i32
      %get3A_748 = arith.constant 0 : index
      %get3A_749 = arith.index_cast %multiple_of3A_747 : i32 to index
      %get3A_750 = vector.load %arg2[%get3A_748, %get3A_749] : memref<8x91776xf32, #tpu.memory_space<vmem>>, vector<8x128xf32>
      %ge3A_751 = arith.cmpf oge, %get3A_750, %scan3A_732 : vector<8x128xf32>
      %broadcast_in_dim3A_752 = vector.broadcast %add3A_744 : i32 to vector<8x128xi32>
      %select_n3A_753 = arith.select %ge3A_751, %broadcast_in_dim3A_752, %scan3A_737 : vector<8x128xi1>, vector<8x128xi32>
      %min3A_754 = arith.minimumf %scan3A_732, %get3A_750 : vector<8x128xf32>
      %max3A_755 = arith.maximumf %scan3A_732, %get3A_750 : vector<8x128xf32>
      %min3A_756 = arith.minimumf %scan3A_733, %min3A_754 : vector<8x128xf32>
      %max3A_757 = arith.maximumf %scan3A_733, %min3A_754 : vector<8x128xf32>
      %min3A_758 = arith.minimumf %scan3A_734, %min3A_756 : vector<8x128xf32>
      %max3A_759 = arith.maximumf %scan3A_734, %min3A_756 : vector<8x128xf32>
      %min3A_760 = arith.minimumf %scan3A_735, %min3A_758 : vector<8x128xf32>
      %max3A_761 = arith.maximumf %scan3A_735, %min3A_758 : vector<8x128xf32>
      %max3A_762 = arith.maximumf %scan3A_736, %min3A_760 : vector<8x128xf32>
      %mul3A_763 = arith.constant 1.44269502 : f32
      %mul3A_764 = vector.broadcast %mul3A_763 : f32 to vector<8x128xf32>
      %mul3A_765 = arith.mulf %get3A_750, %mul3A_764 : vector<8x128xf32>
      %exp23A_766 = math.exp2 %mul3A_765 : vector<8x128xf32>
      %add3A_767 = arith.addf %scan3A_738, %exp23A_766 : vector<8x128xf32>
      %add3A_768 = arith.constant 6 : i32
      %add3A_769 = arith.addi %mul3A_742, %add3A_768 : i32
      %mul3A_770 = arith.constant 128 : i32
      %mul3A_771 = arith.muli %add3A_769, %mul3A_770 : i32
      %multiple_of3A_772 = tpu.assume_multiple %mul3A_771, 128 : i32
      %get3A_773 = arith.constant 0 : index
      %get3A_774 = arith.index_cast %multiple_of3A_772 : i32 to index
      %get3A_775 = vector.load %arg2[%get3A_773, %get3A_774] : memref<8x91776xf32, #tpu.memory_space<vmem>>, vector<8x128xf32>
      %ge3A_776 = arith.cmpf oge, %get3A_775, %scan3A_725 : vector<8x128xf32>
      %broadcast_in_dim3A_777 = vector.broadcast %add3A_769 : i32 to vector<8x128xi32>
      %select_n3A_778 = arith.select %ge3A_776, %broadcast_in_dim3A_777, %scan3A_730 : vector<8x128xi1>, vector<8x128xi32>
      %min3A_779 = arith.minimumf %scan3A_725, %get3A_775 : vector<8x128xf32>
      %max3A_780 = arith.maximumf %scan3A_725, %get3A_775 : vector<8x128xf32>
      %min3A_781 = arith.minimumf %scan3A_726, %min3A_779 : vector<8x128xf32>
      %max3A_782 = arith.maximumf %scan3A_726, %min3A_779 : vector<8x128xf32>
      %min3A_783 = arith.minimumf %scan3A_727, %min3A_781 : vector<8x128xf32>
      %max3A_784 = arith.maximumf %scan3A_727, %min3A_781 : vector<8x128xf32>
      %min3A_785 = arith.minimumf %scan3A_728, %min3A_783 : vector<8x128xf32>
      %max3A_786 = arith.maximumf %scan3A_728, %min3A_783 : vector<8x128xf32>
      %max3A_787 = arith.maximumf %scan3A_729, %min3A_785 : vector<8x128xf32>
      %mul3A_788 = arith.constant 1.44269502 : f32
      %mul3A_789 = vector.broadcast %mul3A_788 : f32 to vector<8x128xf32>
      %mul3A_790 = arith.mulf %get3A_775, %mul3A_789 : vector<8x128xf32>
      %exp23A_791 = math.exp2 %mul3A_790 : vector<8x128xf32>
      %add3A_792 = arith.addf %scan3A_731, %exp23A_791 : vector<8x128xf32>
      %add3A_793 = arith.constant 5 : i32
      %add3A_794 = arith.addi %mul3A_742, %add3A_793 : i32
      %mul3A_795 = arith.constant 128 : i32
      %mul3A_796 = arith.muli %add3A_794, %mul3A_795 : i32
      %multiple_of3A_797 = tpu.assume_multiple %mul3A_796, 128 : i32
      %get3A_798 = arith.constant 0 : index
      %get3A_799 = arith.index_cast %multiple_of3A_797 : i32 to index
      %get3A_800 = vector.load %arg2[%get3A_798, %get3A_799] : memref<8x91776xf32, #tpu.memory_space<vmem>>, vector<8x128xf32>
      %ge3A_801 = arith.cmpf oge, %get3A_800, %scan3A_718 : vector<8x128xf32>
      %broadcast_in_dim3A_802 = vector.broadcast %add3A_794 : i32 to vector<8x128xi32>
      %select_n3A_803 = arith.select %ge3A_801, %broadcast_in_dim3A_802, %scan3A_723 : vector<8x128xi1>, vector<8x128xi32>
      %min3A_804 = arith.minimumf %scan3A_718, %get3A_800 : vector<8x128xf32>
      %max3A_805 = arith.maximumf %scan3A_718, %get3A_800 : vector<8x128xf32>
      %min3A_806 = arith.minimumf %scan3A_719, %min3A_804 : vector<8x128xf32>
      %max3A_807 = arith.maximumf %scan3A_719, %min3A_804 : vector<8x128xf32>
      %min3A_808 = arith.minimumf %scan3A_720, %min3A_806 : vector<8x128xf32>
      %max3A_809 = arith.maximumf %scan3A_720, %min3A_806 : vector<8x128xf32>
      %min3A_810 = arith.minimumf %scan3A_721, %min3A_808 : vector<8x128xf32>
      %max3A_811 = arith.maximumf %scan3A_721, %min3A_808 : vector<8x128xf32>
      %max3A_812 = arith.maximumf %scan3A_722, %min3A_810 : vector<8x128xf32>
      %mul3A_813 = arith.constant 1.44269502 : f32
      %mul3A_814 = vector.broadcast %mul3A_813 : f32 to vector<8x128xf32>
      %mul3A_815 = arith.mulf %get3A_800, %mul3A_814 : vector<8x128xf32>
      %exp23A_816 = math.exp2 %mul3A_815 : vector<8x128xf32>
      %add3A_817 = arith.addf %scan3A_724, %exp23A_816 : vector<8x128xf32>
      %add3A_818 = arith.constant 4 : i32
      %add3A_819 = arith.addi %mul3A_742, %add3A_818 : i32
      %mul3A_820 = arith.constant 128 : i32
      %mul3A_821 = arith.muli %add3A_819, %mul3A_820 : i32
      %multiple_of3A_822 = tpu.assume_multiple %mul3A_821, 128 : i32
      %get3A_823 = arith.constant 0 : index
      %get3A_824 = arith.index_cast %multiple_of3A_822 : i32 to index
      %get3A_825 = vector.load %arg2[%get3A_823, %get3A_824] : memref<8x91776xf32, #tpu.memory_space<vmem>>, vector<8x128xf32>
      %ge3A_826 = arith.cmpf oge, %get3A_825, %scan3A_711 : vector<8x128xf32>
      %broadcast_in_dim3A_827 = vector.broadcast %add3A_819 : i32 to vector<8x128xi32>
      %select_n3A_828 = arith.select %ge3A_826, %broadcast_in_dim3A_827, %scan3A_716 : vector<8x128xi1>, vector<8x128xi32>
      %min3A_829 = arith.minimumf %scan3A_711, %get3A_825 : vector<8x128xf32>
      %max3A_830 = arith.maximumf %scan3A_711, %get3A_825 : vector<8x128xf32>
      %min3A_831 = arith.minimumf %scan3A_712, %min3A_829 : vector<8x128xf32>
      %max3A_832 = arith.maximumf %scan3A_712, %min3A_829 : vector<8x128xf32>
      %min3A_833 = arith.minimumf %scan3A_713, %min3A_831 : vector<8x128xf32>
      %max3A_834 = arith.maximumf %scan3A_713, %min3A_831 : vector<8x128xf32>
      %min3A_835 = arith.minimumf %scan3A_714, %min3A_833 : vector<8x128xf32>
      %max3A_836 = arith.maximumf %scan3A_714, %min3A_833 : vector<8x128xf32>
      %max3A_837 = arith.maximumf %scan3A_715, %min3A_835 : vector<8x128xf32>
      %mul3A_838 = arith.constant 1.44269502 : f32
      %mul3A_839 = vector.broadcast %mul3A_838 : f32 to vector<8x128xf32>
      %mul3A_840 = arith.mulf %get3A_825, %mul3A_839 : vector<8x128xf32>
      %exp23A_841 = math.exp2 %mul3A_840 : vector<8x128xf32>
      %add3A_842 = arith.addf %scan3A_717, %exp23A_841 : vector<8x128xf32>
      %add3A_843 = arith.constant 3 : i32
      %add3A_844 = arith.addi %mul3A_742, %add3A_843 : i32
      %mul3A_845 = arith.constant 128 : i32
      %mul3A_846 = arith.muli %add3A_844, %mul3A_845 : i32
      %multiple_of3A_847 = tpu.assume_multiple %mul3A_846, 128 : i32
      %get3A_848 = arith.constant 0 : index
      %get3A_849 = arith.index_cast %multiple_of3A_847 : i32 to index
      %get3A_850 = vector.load %arg2[%get3A_848, %get3A_849] : memref<8x91776xf32, #tpu.memory_space<vmem>>, vector<8x128xf32>
      %ge3A_851 = arith.cmpf oge, %get3A_850, %max3A_755 : vector<8x128xf32>
      %broadcast_in_dim3A_852 = vector.broadcast %add3A_844 : i32 to vector<8x128xi32>
      %select_n3A_853 = arith.select %ge3A_851, %broadcast_in_dim3A_852, %select_n3A_753 : vector<8x128xi1>, vector<8x128xi32>
      %min3A_854 = arith.minimumf %max3A_755, %get3A_850 : vector<8x128xf32>
      %max3A_855 = arith.maximumf %max3A_755, %get3A_850 : vector<8x128xf32>
      %min3A_856 = arith.minimumf %max3A_757, %min3A_854 : vector<8x128xf32>
      %max3A_857 = arith.maximumf %max3A_757, %min3A_854 : vector<8x128xf32>
      %min3A_858 = arith.minimumf %max3A_759, %min3A_856 : vector<8x128xf32>
      %max3A_859 = arith.maximumf %max3A_759, %min3A_856 : vector<8x128xf32>
      %min3A_860 = arith.minimumf %max3A_761, %min3A_858 : vector<8x128xf32>
      %max3A_861 = arith.maximumf %max3A_761, %min3A_858 : vector<8x128xf32>
      %max3A_862 = arith.maximumf %max3A_762, %min3A_860 : vector<8x128xf32>
      %mul3A_863 = arith.constant 1.44269502 : f32
      %mul3A_864 = vector.broadcast %mul3A_863 : f32 to vector<8x128xf32>
      %mul3A_865 = arith.mulf %get3A_850, %mul3A_864 : vector<8x128xf32>
      %exp23A_866 = math.exp2 %mul3A_865 : vector<8x128xf32>
      %add3A_867 = arith.addf %add3A_767, %exp23A_866 : vector<8x128xf32>
      %add3A_868 = arith.constant 2 : i32
      %add3A_869 = arith.addi %mul3A_742, %add3A_868 : i32
      %mul3A_870 = arith.constant 128 : i32
      %mul3A_871 = arith.muli %add3A_869, %mul3A_870 : i32
      %multiple_of3A_872 = tpu.assume_multiple %mul3A_871, 128 : i32
      %get3A_873 = arith.constant 0 : index
      %get3A_874 = arith.index_cast %multiple_of3A_872 : i32 to index
      %get3A_875 = vector.load %arg2[%get3A_873, %get3A_874] : memref<8x91776xf32, #tpu.memory_space<vmem>>, vector<8x128xf32>
      %ge3A_876 = arith.cmpf oge, %get3A_875, %max3A_780 : vector<8x128xf32>
      %broadcast_in_dim3A_877 = vector.broadcast %add3A_869 : i32 to vector<8x128xi32>
      %select_n3A_878 = arith.select %ge3A_876, %broadcast_in_dim3A_877, %select_n3A_778 : vector<8x128xi1>, vector<8x128xi32>
      %min3A_879 = arith.minimumf %max3A_780, %get3A_875 : vector<8x128xf32>
      %max3A_880 = arith.maximumf %max3A_780, %get3A_875 : vector<8x128xf32>
      %min3A_881 = arith.minimumf %max3A_782, %min3A_879 : vector<8x128xf32>
      %max3A_882 = arith.maximumf %max3A_782, %min3A_879 : vector<8x128xf32>
      %min3A_883 = arith.minimumf %max3A_784, %min3A_881 : vector<8x128xf32>
      %max3A_884 = arith.maximumf %max3A_784, %min3A_881 : vector<8x128xf32>
      %min3A_885 = arith.minimumf %max3A_786, %min3A_883 : vector<8x128xf32>
      %max3A_886 = arith.maximumf %max3A_786, %min3A_883 : vector<8x128xf32>
      %max3A_887 = arith.maximumf %max3A_787, %min3A_885 : vector<8x128xf32>
      %mul3A_888 = arith.constant 1.44269502 : f32
      %mul3A_889 = vector.broadcast %mul3A_888 : f32 to vector<8x128xf32>
      %mul3A_890 = arith.mulf %get3A_875, %mul3A_889 : vector<8x128xf32>
      %exp23A_891 = math.exp2 %mul3A_890 : vector<8x128xf32>
      %add3A_892 = arith.addf %add3A_792, %exp23A_891 : vector<8x128xf32>
      %add3A_893 = arith.constant 1 : i32
      %add3A_894 = arith.addi %mul3A_742, %add3A_893 : i32
      %mul3A_895 = arith.constant 128 : i32
      %mul3A_896 = arith.muli %add3A_894, %mul3A_895 : i32
      %multiple_of3A_897 = tpu.assume_multiple %mul3A_896, 128 : i32
      %get3A_898 = arith.constant 0 : index
      %get3A_899 = arith.index_cast %multiple_of3A_897 : i32 to index
      %get3A_900 = vector.load %arg2[%get3A_898, %get3A_899] : memref<8x91776xf32, #tpu.memory_space<vmem>>, vector<8x128xf32>
      %ge3A_901 = arith.cmpf oge, %get3A_900, %max3A_805 : vector<8x128xf32>
      %broadcast_in_dim3A_902 = vector.broadcast %add3A_894 : i32 to vector<8x128xi32>
      %select_n3A_903 = arith.select %ge3A_901, %broadcast_in_dim3A_902, %select_n3A_803 : vector<8x128xi1>, vector<8x128xi32>
      %min3A_904 = arith.minimumf %max3A_805, %get3A_900 : vector<8x128xf32>
      %max3A_905 = arith.maximumf %max3A_805, %get3A_900 : vector<8x128xf32>
      %min3A_906 = arith.minimumf %max3A_807, %min3A_904 : vector<8x128xf32>
      %max3A_907 = arith.maximumf %max3A_807, %min3A_904 : vector<8x128xf32>
      %min3A_908 = arith.minimumf %max3A_809, %min3A_906 : vector<8x128xf32>
      %max3A_909 = arith.maximumf %max3A_809, %min3A_906 : vector<8x128xf32>
      %min3A_910 = arith.minimumf %max3A_811, %min3A_908 : vector<8x128xf32>
      %max3A_911 = arith.maximumf %max3A_811, %min3A_908 : vector<8x128xf32>
      %max3A_912 = arith.maximumf %max3A_812, %min3A_910 : vector<8x128xf32>
      %mul3A_913 = arith.constant 1.44269502 : f32
      %mul3A_914 = vector.broadcast %mul3A_913 : f32 to vector<8x128xf32>
      %mul3A_915 = arith.mulf %get3A_900, %mul3A_914 : vector<8x128xf32>
      %exp23A_916 = math.exp2 %mul3A_915 : vector<8x128xf32>
      %add3A_917 = arith.addf %add3A_817, %exp23A_916 : vector<8x128xf32>
      %add3A_918 = arith.constant 0 : i32
      %add3A_919 = arith.addi %mul3A_742, %add3A_918 : i32
      %mul3A_920 = arith.constant 128 : i32
      %mul3A_921 = arith.muli %add3A_919, %mul3A_920 : i32
      %multiple_of3A_922 = tpu.assume_multiple %mul3A_921, 128 : i32
      %get3A_923 = arith.constant 0 : index
      %get3A_924 = arith.index_cast %multiple_of3A_922 : i32 to index
      %get3A_925 = vector.load %arg2[%get3A_923, %get3A_924] : memref<8x91776xf32, #tpu.memory_space<vmem>>, vector<8x128xf32>
      %ge3A_926 = arith.cmpf oge, %get3A_925, %max3A_830 : vector<8x128xf32>
      %broadcast_in_dim3A_927 = vector.broadcast %add3A_919 : i32 to vector<8x128xi32>
      %select_n3A_928 = arith.select %ge3A_926, %broadcast_in_dim3A_927, %select_n3A_828 : vector<8x128xi1>, vector<8x128xi32>
      %min3A_929 = arith.minimumf %max3A_830, %get3A_925 : vector<8x128xf32>
      %max3A_930 = arith.maximumf %max3A_830, %get3A_925 : vector<8x128xf32>
      %min3A_931 = arith.minimumf %max3A_832, %min3A_929 : vector<8x128xf32>
      %max3A_932 = arith.maximumf %max3A_832, %min3A_929 : vector<8x128xf32>
      %min3A_933 = arith.minimumf %max3A_834, %min3A_931 : vector<8x128xf32>
      %max3A_934 = arith.maximumf %max3A_834, %min3A_931 : vector<8x128xf32>
      %min3A_935 = arith.minimumf %max3A_836, %min3A_933 : vector<8x128xf32>
      %max3A_936 = arith.maximumf %max3A_836, %min3A_933 : vector<8x128xf32>
      %max3A_937 = arith.maximumf %max3A_837, %min3A_935 : vector<8x128xf32>
      %mul3A_938 = arith.constant 1.44269502 : f32
      %mul3A_939 = vector.broadcast %mul3A_938 : f32 to vector<8x128xf32>
      %mul3A_940 = arith.mulf %get3A_925, %mul3A_939 : vector<8x128xf32>
      %exp23A_941 = math.exp2 %mul3A_940 : vector<8x128xf32>
      %add3A_942 = arith.addf %add3A_842, %exp23A_941 : vector<8x128xf32>
      scf.yield %max3A_930, %max3A_932, %max3A_934, %max3A_936, %max3A_937, %select_n3A_928, %add3A_942, %max3A_905, %max3A_907, %max3A_909, %max3A_911, %max3A_912, %select_n3A_903, %add3A_917, %max3A_880, %max3A_882, %max3A_884, %max3A_886, %max3A_887, %select_n3A_878, %add3A_892, %max3A_855, %max3A_857, %max3A_859, %max3A_861, %max3A_862, %select_n3A_853, %add3A_867 : vector<8x128xf32>, vector<8x128xf32>, vector<8x128xf32>, vector<8x128xf32>, vector<8x128xf32>, vector<8x128xi32>, vector<8x128xf32>, vector<8x128xf32>, vector<8x128xf32>, vector<8x128xf32>, vector<8x128xf32>, vector<8x128xf32>, vector<8x128xi32>, vector<8x128xf32>, vector<8x128xf32>, vector<8x128xf32>, vector<8x128xf32>, vector<8x128xf32>, vector<8x128xf32>, vector<8x128xi32>, vector<8x128xf32>, vector<8x128xf32>, vector<8x128xf32>, vector<8x128xf32>, vector<8x128xf32>, vector<8x128xf32>, vector<8x128xi32>, vector<8x128xf32>
    }
    %scan3A_164 = arith.constant 89 : i32
    %max3A_165 = arith.maximumf %scan3A_163#0, %scan3A_163#7 : vector<8x128xf32>
    %max3A_166 = arith.maximumf %max3A_165, %scan3A_163#14 : vector<8x128xf32>
    %max3A_167 = arith.maximumf %max3A_166, %scan3A_163#21 : vector<8x128xf32>
    %reduce_max3A = arith.constant dense<0xFF800000> : vector<8xf32>
    %reduce_max3A_168 = vector.multi_reduction <maximumf>, %max3A_167, %reduce_max3A [1] : vector<8x128xf32> to vector<8xf32>
    %broadcast_in_dim3A_169 = vector.shape_cast %reduce_max3A_168 : vector<8xf32> to vector<8x1xf32>
    %add3A_170 = arith.addf %scan3A_163#6, %scan3A_163#13 : vector<8x128xf32>
    %add3A_171 = arith.addf %add3A_170, %scan3A_163#20 : vector<8x128xf32>
    %add3A_172 = arith.addf %add3A_171, %scan3A_163#27 : vector<8x128xf32>
    %reduce_sum3A = arith.constant dense<0.000000e+00> : vector<8xf32>
    %reduce_sum3A_173 = vector.multi_reduction <add>, %add3A_172, %reduce_sum3A [1] : vector<8x128xf32> to vector<8xf32>
    %broadcast_in_dim3A_174 = vector.shape_cast %reduce_sum3A_173 : vector<8xf32> to vector<8x1xf32>
    %swap3A = arith.constant 0 : index
    %swap3A_175 = arith.constant 0 : index
    %swap3A_176 = vector.load %arg5[%swap3A, %swap3A_175] : memref<8x1xf32, #tpu.memory_space<vmem>>, vector<8x1xf32>
    tpu.vector_store %arg5[%swap3A, %swap3A_175], %broadcast_in_dim3A_174 {strides = array<i32>} : memref<8x1xf32, #tpu.memory_space<vmem>>, vector<8x1xf32>,
    %iota3A = tpu.iota {dimensions = array<i32: 1>} : vector<8x128xi32>
    %broadcast_in_dim3A_177 = arith.constant 1073741824 : i32
    %broadcast_in_dim3A_178 = vector.broadcast %broadcast_in_dim3A_177 : i32 to vector<8x1xi32>
    %mul3A_179 = arith.constant 128 : i32
    %mul3A_180 = vector.broadcast %mul3A_179 : i32 to vector<8x128xi32>
    %mul3A_181 = arith.muli %scan3A_163#5, %mul3A_180 : vector<8x128xi32>
    %add3A_182 = arith.addi %mul3A_181, %iota3A : vector<8x128xi32>
    %eq3A = vector.broadcast %broadcast_in_dim3A_169 : vector<8x1xf32> to vector<8x128xf32>
    %eq3A_183 = arith.cmpf oeq, %scan3A_163#0, %eq3A : vector<8x128xf32>
    %jit3A_184 = arith.constant 1073741824 : i32
    %broadcast_in_dim3A_185 = vector.broadcast %jit3A_184 : i32 to vector<8x128xi32>
    %select_n3A_186 = arith.select %eq3A_183, %add3A_182, %broadcast_in_dim3A_185 : vector<8x128xi1>, vector<8x128xi32>
    %reduce_min3A = arith.constant dense<2147483647> : vector<8xi32>
    %reduce_min3A_187 = vector.multi_reduction <minsi>, %select_n3A_186, %reduce_min3A [1] : vector<8x128xi32> to vector<8xi32>
    %broadcast_in_dim3A_188 = vector.shape_cast %reduce_min3A_187 : vector<8xi32> to vector<8x1xi32>
    %min3A_189 = arith.minsi %broadcast_in_dim3A_178, %broadcast_in_dim3A_188 : vector<8x1xi32>
    %mul3A_190 = arith.constant 128 : i32
    %mul3A_191 = vector.broadcast %mul3A_190 : i32 to vector<8x128xi32>
    %mul3A_192 = arith.muli %scan3A_163#12, %mul3A_191 : vector<8x128xi32>
    %add3A_193 = arith.addi %mul3A_192, %iota3A : vector<8x128xi32>
    %eq3A_194 = vector.broadcast %broadcast_in_dim3A_169 : vector<8x1xf32> to vector<8x128xf32>
    %eq3A_195 = arith.cmpf oeq, %scan3A_163#7, %eq3A_194 : vector<8x128xf32>
    %jit3A_196 = arith.constant 1073741824 : i32
    %broadcast_in_dim3A_197 = vector.broadcast %jit3A_196 : i32 to vector<8x128xi32>
    %select_n3A_198 = arith.select %eq3A_195, %add3A_193, %broadcast_in_dim3A_197 : vector<8x128xi1>, vector<8x128xi32>
    %reduce_min3A_199 = arith.constant dense<2147483647> : vector<8xi32>
    %reduce_min3A_200 = vector.multi_reduction <minsi>, %select_n3A_198, %reduce_min3A_199 [1] : vector<8x128xi32> to vector<8xi32>
    %broadcast_in_dim3A_201 = vector.shape_cast %reduce_min3A_200 : vector<8xi32> to vector<8x1xi32>
    %min3A_202 = arith.minsi %min3A_189, %broadcast_in_dim3A_201 : vector<8x1xi32>
    %mul3A_203 = arith.constant 128 : i32
    %mul3A_204 = vector.broadcast %mul3A_203 : i32 to vector<8x128xi32>
    %mul3A_205 = arith.muli %scan3A_163#19, %mul3A_204 : vector<8x128xi32>
    %add3A_206 = arith.addi %mul3A_205, %iota3A : vector<8x128xi32>
    %eq3A_207 = vector.broadcast %broadcast_in_dim3A_169 : vector<8x1xf32> to vector<8x128xf32>
    %eq3A_208 = arith.cmpf oeq, %scan3A_163#14, %eq3A_207 : vector<8x128xf32>
    %jit3A_209 = arith.constant 1073741824 : i32
    %broadcast_in_dim3A_210 = vector.broadcast %jit3A_209 : i32 to vector<8x128xi32>
    %select_n3A_211 = arith.select %eq3A_208, %add3A_206, %broadcast_in_dim3A_210 : vector<8x128xi1>, vector<8x128xi32>
    %reduce_min3A_212 = arith.constant dense<2147483647> : vector<8xi32>
    %reduce_min3A_213 = vector.multi_reduction <minsi>, %select_n3A_211, %reduce_min3A_212 [1] : vector<8x128xi32> to vector<8xi32>
    %broadcast_in_dim3A_214 = vector.shape_cast %reduce_min3A_213 : vector<8xi32> to vector<8x1xi32>
    %min3A_215 = arith.minsi %min3A_202, %broadcast_in_dim3A_214 : vector<8x1xi32>
    %mul3A_216 = arith.constant 128 : i32
    %mul3A_217 = vector.broadcast %mul3A_216 : i32 to vector<8x128xi32>
    %mul3A_218 = arith.muli %scan3A_163#26, %mul3A_217 : vector<8x128xi32>
    %add3A_219 = arith.addi %mul3A_218, %iota3A : vector<8x128xi32>
    %eq3A_220 = vector.broadcast %broadcast_in_dim3A_169 : vector<8x1xf32> to vector<8x128xf32>
    %eq3A_221 = arith.cmpf oeq, %scan3A_163#21, %eq3A_220 : vector<8x128xf32>
    %jit3A_222 = arith.constant 1073741824 : i32
    %broadcast_in_dim3A_223 = vector.broadcast %jit3A_222 : i32 to vector<8x128xi32>
    %select_n3A_224 = arith.select %eq3A_221, %add3A_219, %broadcast_in_dim3A_223 : vector<8x128xi1>, vector<8x128xi32>
    %reduce_min3A_225 = arith.constant dense<2147483647> : vector<8xi32>
    %reduce_min3A_226 = vector.multi_reduction <minsi>, %select_n3A_224, %reduce_min3A_225 [1] : vector<8x128xi32> to vector<8xi32>
    %broadcast_in_dim3A_227 = vector.shape_cast %reduce_min3A_226 : vector<8xi32> to vector<8x1xi32>
    %min3A_228 = arith.minsi %min3A_215, %broadcast_in_dim3A_227 : vector<8x1xi32>
    %swap3A_229 = arith.constant 0 : index
    %swap3A_230 = arith.constant 0 : index
    %swap3A_231 = vector.load %arg6[%swap3A_229, %swap3A_230] : memref<8x1xi32, #tpu.memory_space<vmem>>, vector<8x1xi32>
    tpu.vector_store %arg6[%swap3A_229, %swap3A_230], %min3A_228 {strides = array<i32>} : memref<8x1xi32, #tpu.memory_space<vmem>>, vector<8x1xi32>,
    %concatenate3A = tpu.concatenate %scan3A_163#0, %scan3A_163#1, %scan3A_163#2, %scan3A_163#3, %scan3A_163#4, %scan3A_163#7, %scan3A_163#8, %scan3A_163#9, %scan3A_163#10, %scan3A_163#11, %scan3A_163#14, %scan3A_163#15, %scan3A_163#16, %scan3A_163#17, %scan3A_163#18, %scan3A_163#21, %scan3A_163#22, %scan3A_163#23, %scan3A_163#24, %scan3A_163#25 in 1 : vector<8x128xf32>, vector<8x128xf32>, vector<8x128xf32>, vector<8x128xf32>, vector<8x128xf32>, vector<8x128xf32>, vector<8x128xf32>, vector<8x128xf32>, vector<8x128xf32>, vector<8x128xf32>, vector<8x128xf32>, vector<8x128xf32>, vector<8x128xf32>, vector<8x128xf32>, vector<8x128xf32>, vector<8x128xf32>, vector<8x128xf32>, vector<8x128xf32>, vector<8x128xf32>, vector<8x128xf32> -> vector<8x2560xf32>
    %eq3A_232 = vector.broadcast %broadcast_in_dim3A_169 : vector<8x1xf32> to vector<8x2560xf32>
    %eq3A_233 = arith.cmpf oeq, %concatenate3A, %eq3A_232 : vector<8x2560xf32>
    %jit3A_234 = arith.constant 1.000000e+00 : f32
    %jit3A_235 = arith.constant 0.000000e+00 : f32
    %broadcast_in_dim3A_236 = vector.broadcast %jit3A_234 : f32 to vector<8x2560xf32>
    %broadcast_in_dim3A_237 = vector.broadcast %jit3A_235 : f32 to vector<8x2560xf32>
    %select_n3A_238 = arith.select %eq3A_233, %broadcast_in_dim3A_236, %broadcast_in_dim3A_237 : vector<8x2560xi1>, vector<8x2560xf32>
    %reduce_sum3A_239 = arith.constant dense<0.000000e+00> : vector<8xf32>
    %reduce_sum3A_240 = vector.multi_reduction <add>, %select_n3A_238, %reduce_sum3A_239 [1] : vector<8x2560xf32> to vector<8xf32>
    %broadcast_in_dim3A_241 = vector.shape_cast %reduce_sum3A_240 : vector<8xf32> to vector<8x1xf32>
    %swap3A_242 = arith.constant 0 : index
    %swap3A_243 = arith.constant 0 : index
    %swap3A_244 = vector.load %arg3[%swap3A_242, %swap3A_243] : memref<8x5xf32, #tpu.memory_space<vmem>>, vector<8x1xf32>
    tpu.vector_store %arg3[%swap3A_242, %swap3A_243], %broadcast_in_dim3A_169 {strides = array<i32>} : memref<8x5xf32, #tpu.memory_space<vmem>>, vector<8x1xf32>,
    %swap3A_245 = arith.constant 0 : index
    %swap3A_246 = arith.constant 0 : index
    %swap3A_247 = vector.load %arg4[%swap3A_245, %swap3A_246] : memref<8x5xf32, #tpu.memory_space<vmem>>, vector<8x1xf32>
    tpu.vector_store %arg4[%swap3A_245, %swap3A_246], %broadcast_in_dim3A_241 {strides = array<i32>} : memref<8x5xf32, #tpu.memory_space<vmem>>, vector<8x1xf32>,
    %lt3A = vector.broadcast %broadcast_in_dim3A_169 : vector<8x1xf32> to vector<8x2560xf32>
    %lt3A_248 = arith.cmpf olt, %concatenate3A, %lt3A : vector<8x2560xf32>
    %jit3A_249 = arith.constant 0xFF800000 : f32
    %broadcast_in_dim3A_250 = vector.broadcast %jit3A_249 : f32 to vector<8x2560xf32>
    %select_n3A_251 = arith.select %lt3A_248, %concatenate3A, %broadcast_in_dim3A_250 : vector<8x2560xi1>, vector<8x2560xf32>
    %reduce_max3A_252 = arith.constant dense<0xFF800000> : vector<8xf32>
    %reduce_max3A_253 = vector.multi_reduction <maximumf>, %select_n3A_251, %reduce_max3A_252 [1] : vector<8x2560xf32> to vector<8xf32>
    %broadcast_in_dim3A_254 = vector.shape_cast %reduce_max3A_253 : vector<8xf32> to vector<8x1xf32>
    %eq3A_255 = vector.broadcast %broadcast_in_dim3A_254 : vector<8x1xf32> to vector<8x2560xf32>
    %eq3A_256 = arith.cmpf oeq, %concatenate3A, %eq3A_255 : vector<8x2560xf32>
    %jit3A_257 = arith.constant 1.000000e+00 : f32
    %jit3A_258 = arith.constant 0.000000e+00 : f32
    %broadcast_in_dim3A_259 = vector.broadcast %jit3A_257 : f32 to vector<8x2560xf32>
    %broadcast_in_dim3A_260 = vector.broadcast %jit3A_258 : f32 to vector<8x2560xf32>
    %select_n3A_261 = arith.select %eq3A_256, %broadcast_in_dim3A_259, %broadcast_in_dim3A_260 : vector<8x2560xi1>, vector<8x2560xf32>
    %reduce_sum3A_262 = arith.constant dense<0.000000e+00> : vector<8xf32>
    %reduce_sum3A_263 = vector.multi_reduction <add>, %select_n3A_261, %reduce_sum3A_262 [1] : vector<8x2560xf32> to vector<8xf32>
    %broadcast_in_dim3A_264 = vector.shape_cast %reduce_sum3A_263 : vector<8xf32> to vector<8x1xf32>
    %swap3A_265 = arith.constant 0 : index
    %swap3A_266 = arith.constant 1 : index
    %swap3A_267 = vector.load %arg3[%swap3A_265, %swap3A_266] : memref<8x5xf32, #tpu.memory_space<vmem>>, vector<8x1xf32>
    tpu.vector_store %arg3[%swap3A_265, %swap3A_266], %broadcast_in_dim3A_254 {strides = array<i32>} : memref<8x5xf32, #tpu.memory_space<vmem>>, vector<8x1xf32>,
    %swap3A_268 = arith.constant 0 : index
    %swap3A_269 = arith.constant 1 : index
    %swap3A_270 = vector.load %arg4[%swap3A_268, %swap3A_269] : memref<8x5xf32, #tpu.memory_space<vmem>>, vector<8x1xf32>
    tpu.vector_store %arg4[%swap3A_268, %swap3A_269], %broadcast_in_dim3A_264 {strides = array<i32>} : memref<8x5xf32, #tpu.memory_space<vmem>>, vector<8x1xf32>,
    %lt3A_271 = vector.broadcast %broadcast_in_dim3A_254 : vector<8x1xf32> to vector<8x2560xf32>
    %lt3A_272 = arith.cmpf olt, %concatenate3A, %lt3A_271 : vector<8x2560xf32>
    %jit3A_273 = arith.constant 0xFF800000 : f32
    %broadcast_in_dim3A_274 = vector.broadcast %jit3A_273 : f32 to vector<8x2560xf32>
    %select_n3A_275 = arith.select %lt3A_272, %concatenate3A, %broadcast_in_dim3A_274 : vector<8x2560xi1>, vector<8x2560xf32>
    %reduce_max3A_276 = arith.constant dense<0xFF800000> : vector<8xf32>
    %reduce_max3A_277 = vector.multi_reduction <maximumf>, %select_n3A_275, %reduce_max3A_276 [1] : vector<8x2560xf32> to vector<8xf32>
    %broadcast_in_dim3A_278 = vector.shape_cast %reduce_max3A_277 : vector<8xf32> to vector<8x1xf32>
    %eq3A_279 = vector.broadcast %broadcast_in_dim3A_278 : vector<8x1xf32> to vector<8x2560xf32>
    %eq3A_280 = arith.cmpf oeq, %concatenate3A, %eq3A_279 : vector<8x2560xf32>
    %jit3A_281 = arith.constant 1.000000e+00 : f32
    %jit3A_282 = arith.constant 0.000000e+00 : f32
    %broadcast_in_dim3A_283 = vector.broadcast %jit3A_281 : f32 to vector<8x2560xf32>
    %broadcast_in_dim3A_284 = vector.broadcast %jit3A_282 : f32 to vector<8x2560xf32>
    %select_n3A_285 = arith.select %eq3A_280, %broadcast_in_dim3A_283, %broadcast_in_dim3A_284 : vector<8x2560xi1>, vector<8x2560xf32>
    %reduce_sum3A_286 = arith.constant dense<0.000000e+00> : vector<8xf32>
    %reduce_sum3A_287 = vector.multi_reduction <add>, %select_n3A_285, %reduce_sum3A_286 [1] : vector<8x2560xf32> to vector<8xf32>
    %broadcast_in_dim3A_288 = vector.shape_cast %reduce_sum3A_287 : vector<8xf32> to vector<8x1xf32>
    %swap3A_289 = arith.constant 0 : index
    %swap3A_290 = arith.constant 2 : index
    %swap3A_291 = vector.load %arg3[%swap3A_289, %swap3A_290] : memref<8x5xf32, #tpu.memory_space<vmem>>, vector<8x1xf32>
    tpu.vector_store %arg3[%swap3A_289, %swap3A_290], %broadcast_in_dim3A_278 {strides = array<i32>} : memref<8x5xf32, #tpu.memory_space<vmem>>, vector<8x1xf32>,
    %swap3A_292 = arith.constant 0 : index
    %swap3A_293 = arith.constant 2 : index
    %swap3A_294 = vector.load %arg4[%swap3A_292, %swap3A_293] : memref<8x5xf32, #tpu.memory_space<vmem>>, vector<8x1xf32>
    tpu.vector_store %arg4[%swap3A_292, %swap3A_293], %broadcast_in_dim3A_288 {strides = array<i32>} : memref<8x5xf32, #tpu.memory_space<vmem>>, vector<8x1xf32>,
    %lt3A_295 = vector.broadcast %broadcast_in_dim3A_278 : vector<8x1xf32> to vector<8x2560xf32>
    %lt3A_296 = arith.cmpf olt, %concatenate3A, %lt3A_295 : vector<8x2560xf32>
    %jit3A_297 = arith.constant 0xFF800000 : f32
    %broadcast_in_dim3A_298 = vector.broadcast %jit3A_297 : f32 to vector<8x2560xf32>
    %select_n3A_299 = arith.select %lt3A_296, %concatenate3A, %broadcast_in_dim3A_298 : vector<8x2560xi1>, vector<8x2560xf32>
    %reduce_max3A_300 = arith.constant dense<0xFF800000> : vector<8xf32>
    %reduce_max3A_301 = vector.multi_reduction <maximumf>, %select_n3A_299, %reduce_max3A_300 [1] : vector<8x2560xf32> to vector<8xf32>
    %broadcast_in_dim3A_302 = vector.shape_cast %reduce_max3A_301 : vector<8xf32> to vector<8x1xf32>
    %eq3A_303 = vector.broadcast %broadcast_in_dim3A_302 : vector<8x1xf32> to vector<8x2560xf32>
    %eq3A_304 = arith.cmpf oeq, %concatenate3A, %eq3A_303 : vector<8x2560xf32>
    %jit3A_305 = arith.constant 1.000000e+00 : f32
    %jit3A_306 = arith.constant 0.000000e+00 : f32
    %broadcast_in_dim3A_307 = vector.broadcast %jit3A_305 : f32 to vector<8x2560xf32>
    %broadcast_in_dim3A_308 = vector.broadcast %jit3A_306 : f32 to vector<8x2560xf32>
    %select_n3A_309 = arith.select %eq3A_304, %broadcast_in_dim3A_307, %broadcast_in_dim3A_308 : vector<8x2560xi1>, vector<8x2560xf32>
    %reduce_sum3A_310 = arith.constant dense<0.000000e+00> : vector<8xf32>
    %reduce_sum3A_311 = vector.multi_reduction <add>, %select_n3A_309, %reduce_sum3A_310 [1] : vector<8x2560xf32> to vector<8xf32>
    %broadcast_in_dim3A_312 = vector.shape_cast %reduce_sum3A_311 : vector<8xf32> to vector<8x1xf32>
    %swap3A_313 = arith.constant 0 : index
    %swap3A_314 = arith.constant 3 : index
    %swap3A_315 = vector.load %arg3[%swap3A_313, %swap3A_314] : memref<8x5xf32, #tpu.memory_space<vmem>>, vector<8x1xf32>
    tpu.vector_store %arg3[%swap3A_313, %swap3A_314], %broadcast_in_dim3A_302 {strides = array<i32>} : memref<8x5xf32, #tpu.memory_space<vmem>>, vector<8x1xf32>,
    %swap3A_316 = arith.constant 0 : index
    %swap3A_317 = arith.constant 3 : index
    %swap3A_318 = vector.load %arg4[%swap3A_316, %swap3A_317] : memref<8x5xf32, #tpu.memory_space<vmem>>, vector<8x1xf32>
    tpu.vector_store %arg4[%swap3A_316, %swap3A_317], %broadcast_in_dim3A_312 {strides = array<i32>} : memref<8x5xf32, #tpu.memory_space<vmem>>, vector<8x1xf32>,
    %lt3A_319 = vector.broadcast %broadcast_in_dim3A_302 : vector<8x1xf32> to vector<8x2560xf32>
    %lt3A_320 = arith.cmpf olt, %concatenate3A, %lt3A_319 : vector<8x2560xf32>
    %jit3A_321 = arith.constant 0xFF800000 : f32
    %broadcast_in_dim3A_322 = vector.broadcast %jit3A_321 : f32 to vector<8x2560xf32>
    %select_n3A_323 = arith.select %lt3A_320, %concatenate3A, %broadcast_in_dim3A_322 : vector<8x2560xi1>, vector<8x2560xf32>
    %reduce_max3A_324 = arith.constant dense<0xFF800000> : vector<8xf32>
    %reduce_max3A_325 = vector.multi_reduction <maximumf>, %select_n3A_323, %reduce_max3A_324 [1] : vector<8x2560xf32> to vector<8xf32>
    %broadcast_in_dim3A_326 = vector.shape_cast %reduce_max3A_325 : vector<8xf32> to vector<8x1xf32>
    %eq3A_327 = vector.broadcast %broadcast_in_dim3A_326 : vector<8x1xf32> to vector<8x2560xf32>
    %eq3A_328 = arith.cmpf oeq, %concatenate3A, %eq3A_327 : vector<8x2560xf32>
    %jit3A_329 = arith.constant 1.000000e+00 : f32
    %jit3A_330 = arith.constant 0.000000e+00 : f32
    %broadcast_in_dim3A_331 = vector.broadcast %jit3A_329 : f32 to vector<8x2560xf32>
    %broadcast_in_dim3A_332 = vector.broadcast %jit3A_330 : f32 to vector<8x2560xf32>
    %select_n3A_333 = arith.select %eq3A_328, %broadcast_in_dim3A_331, %broadcast_in_dim3A_332 : vector<8x2560xi1>, vector<8x2560xf32>
    %reduce_sum3A_334 = arith.constant dense<0.000000e+00> : vector<8xf32>
    %reduce_sum3A_335 = vector.multi_reduction <add>, %select_n3A_333, %reduce_sum3A_334 [1] : vector<8x2560xf32> to vector<8xf32>
    %broadcast_in_dim3A_336 = vector.shape_cast %reduce_sum3A_335 : vector<8xf32> to vector<8x1xf32>
    %swap3A_337 = arith.constant 0 : index
    %swap3A_338 = arith.constant 4 : index
    %swap3A_339 = vector.load %arg3[%swap3A_337, %swap3A_338] : memref<8x5xf32, #tpu.memory_space<vmem>>, vector<8x1xf32>
    tpu.vector_store %arg3[%swap3A_337, %swap3A_338], %broadcast_in_dim3A_326 {strides = array<i32>} : memref<8x5xf32, #tpu.memory_space<vmem>>, vector<8x1xf32>,
    %swap3A_340 = arith.constant 0 : index
    %swap3A_341 = arith.constant 4 : index
    %swap3A_342 = vector.load %arg4[%swap3A_340, %swap3A_341] : memref<8x5xf32, #tpu.memory_space<vmem>>, vector<8x1xf32>
    tpu.vector_store %arg4[%swap3A_340, %swap3A_341], %broadcast_in_dim3A_336 {strides = array<i32>} : memref<8x5xf32, #tpu.memory_space<vmem>>, vector<8x1xf32>,
    %iota3A_343 = tpu.iota {dimensions = array<i32: 1>} : vector<1x128xi32>
    %get3A_344 = arith.constant 0 : index
    %get3A_345 = arith.constant 0 : index
    %get3A_346 = memref.load %arg1[%get3A_344, %get3A_345] : memref<8x1xi32, #tpu.memory_space<smem>>
    %jit3A_347 = arith.constant 128 : i32
    %div3A = arith.divsi %get3A_346, %jit3A_347 : i32
    %sign3A = arith.constant 0 : i32
    %sign3A_348 = arith.cmpi sgt, %get3A_346, %sign3A : i32
    %sign3A_349 = arith.extui %sign3A_348 : i1 to i32
    %sign3A_350 = arith.constant 0 : i32
    %sign3A_351 = arith.cmpi slt, %get3A_346, %sign3A_350 : i32
    %sign3A_352 = arith.extui %sign3A_351 : i1 to i32
    %sign3A_353 = arith.subi %sign3A_349, %sign3A_352 : i32
    %sign3A_354 = arith.constant 0 : i32
    %sign3A_355 = arith.cmpi sgt, %jit3A_347, %sign3A_354 : i32
    %sign3A_356 = arith.extui %sign3A_355 : i1 to i32
    %sign3A_357 = arith.constant 0 : i32
    %sign3A_358 = arith.cmpi slt, %jit3A_347, %sign3A_357 : i32
    %sign3A_359 = arith.extui %sign3A_358 : i1 to i32
    %sign3A_360 = arith.subi %sign3A_356, %sign3A_359 : i32
    %ne3A = arith.cmpi ne, %sign3A_353, %sign3A_360 : i32
    %rem3A = arith.remsi %get3A_346, %jit3A_347 : i32
    %ne3A_361 = arith.constant 0 : i32
    %ne3A_362 = arith.cmpi ne, %rem3A, %ne3A_361 : i32
    %and3A = arith.andi %ne3A, %ne3A_362 : i1
    %sub3A = arith.constant 1 : i32
    %sub3A_363 = arith.subi %div3A, %sub3A : i32
    %select_n3A_364 = arith.select %and3A, %sub3A_363, %div3A : i32
    %min3A_365 = arith.constant 716 : i32
    %min3A_366 = arith.minsi %select_n3A_364, %min3A_365 : i32
    %mul3A_367 = arith.constant 128 : i32
    %mul3A_368 = arith.muli %min3A_366, %mul3A_367 : i32
    %multiple_of3A_369 = tpu.assume_multiple %mul3A_368, 128 : i32
    %get3A_370 = arith.constant 0 : index
    %get3A_371 = arith.index_cast %multiple_of3A_369 : i32 to index
    %get3A_372 = vector.load %arg2[%get3A_370, %get3A_371] : memref<8x91776xf32, #tpu.memory_space<vmem>>, vector<1x128xf32>
    %mul3A_373 = arith.constant 128 : i32
    %mul3A_374 = arith.muli %min3A_366, %mul3A_373 : i32
    %sub3A_375 = arith.subi %get3A_346, %mul3A_374 : i32
    %eq3A_376 = vector.broadcast %sub3A_375 : i32 to vector<1x128xi32>
    %eq3A_377 = arith.cmpi eq, %iota3A_343, %eq3A_376 : vector<1x128xi32>
    %jit3A_378 = arith.constant 0.000000e+00 : f32
    %broadcast_in_dim3A_379 = vector.broadcast %jit3A_378 : f32 to vector<1x128xf32>
    %select_n3A_380 = arith.select %eq3A_377, %get3A_372, %broadcast_in_dim3A_379 : vector<1x128xi1>, vector<1x128xf32>
    %reduce_sum3A_381 = arith.constant dense<0.000000e+00> : vector<1xf32>
    %reduce_sum3A_382 = vector.multi_reduction <add>, %select_n3A_380, %reduce_sum3A_381 [1] : vector<1x128xf32> to vector<1xf32>
    %broadcast_in_dim3A_383 = vector.shape_cast %reduce_sum3A_382 : vector<1xf32> to vector<1x1xf32>
    %get3A_384 = arith.constant 1 : index
    %get3A_385 = arith.constant 0 : index
    %get3A_386 = memref.load %arg1[%get3A_384, %get3A_385] : memref<8x1xi32, #tpu.memory_space<smem>>
    %jit3A_387 = arith.constant 128 : i32
    %div3A_388 = arith.divsi %get3A_386, %jit3A_387 : i32
    %sign3A_389 = arith.constant 0 : i32
    %sign3A_390 = arith.cmpi sgt, %get3A_386, %sign3A_389 : i32
    %sign3A_391 = arith.extui %sign3A_390 : i1 to i32
    %sign3A_392 = arith.constant 0 : i32
    %sign3A_393 = arith.cmpi slt, %get3A_386, %sign3A_392 : i32
    %sign3A_394 = arith.extui %sign3A_393 : i1 to i32
    %sign3A_395 = arith.subi %sign3A_391, %sign3A_394 : i32
    %sign3A_396 = arith.constant 0 : i32
    %sign3A_397 = arith.cmpi sgt, %jit3A_387, %sign3A_396 : i32
    %sign3A_398 = arith.extui %sign3A_397 : i1 to i32
    %sign3A_399 = arith.constant 0 : i32
    %sign3A_400 = arith.cmpi slt, %jit3A_387, %sign3A_399 : i32
    %sign3A_401 = arith.extui %sign3A_400 : i1 to i32
    %sign3A_402 = arith.subi %sign3A_398, %sign3A_401 : i32
    %ne3A_403 = arith.cmpi ne, %sign3A_395, %sign3A_402 : i32
    %rem3A_404 = arith.remsi %get3A_386, %jit3A_387 : i32
    %ne3A_405 = arith.constant 0 : i32
    %ne3A_406 = arith.cmpi ne, %rem3A_404, %ne3A_405 : i32
    %and3A_407 = arith.andi %ne3A_403, %ne3A_406 : i1
    %sub3A_408 = arith.constant 1 : i32
    %sub3A_409 = arith.subi %div3A_388, %sub3A_408 : i32
    %select_n3A_410 = arith.select %and3A_407, %sub3A_409, %div3A_388 : i32
    %min3A_411 = arith.constant 716 : i32
    %min3A_412 = arith.minsi %select_n3A_410, %min3A_411 : i32
    %mul3A_413 = arith.constant 128 : i32
    %mul3A_414 = arith.muli %min3A_412, %mul3A_413 : i32
    %multiple_of3A_415 = tpu.assume_multiple %mul3A_414, 128 : i32
    %get3A_416 = arith.constant 1 : index
    %get3A_417 = arith.index_cast %multiple_of3A_415 : i32 to index
    %get3A_418 = vector.load %arg2[%get3A_416, %get3A_417] : memref<8x91776xf32, #tpu.memory_space<vmem>>, vector<1x128xf32>
    %mul3A_419 = arith.constant 128 : i32
    %mul3A_420 = arith.muli %min3A_412, %mul3A_419 : i32
    %sub3A_421 = arith.subi %get3A_386, %mul3A_420 : i32
    %eq3A_422 = vector.broadcast %sub3A_421 : i32 to vector<1x128xi32>
    %eq3A_423 = arith.cmpi eq, %iota3A_343, %eq3A_422 : vector<1x128xi32>
    %jit3A_424 = arith.constant 0.000000e+00 : f32
    %broadcast_in_dim3A_425 = vector.broadcast %jit3A_424 : f32 to vector<1x128xf32>
    %select_n3A_426 = arith.select %eq3A_423, %get3A_418, %broadcast_in_dim3A_425 : vector<1x128xi1>, vector<1x128xf32>
    %reduce_sum3A_427 = arith.constant dense<0.000000e+00> : vector<1xf32>
    %reduce_sum3A_428 = vector.multi_reduction <add>, %select_n3A_426, %reduce_sum3A_427 [1] : vector<1x128xf32> to vector<1xf32>
    %broadcast_in_dim3A_429 = vector.shape_cast %reduce_sum3A_428 : vector<1xf32> to vector<1x1xf32>
    %get3A_430 = arith.constant 2 : index
    %get3A_431 = arith.constant 0 : index
    %get3A_432 = memref.load %arg1[%get3A_430, %get3A_431] : memref<8x1xi32, #tpu.memory_space<smem>>
    %jit3A_433 = arith.constant 128 : i32
    %div3A_434 = arith.divsi %get3A_432, %jit3A_433 : i32
    %sign3A_435 = arith.constant 0 : i32
    %sign3A_436 = arith.cmpi sgt, %get3A_432, %sign3A_435 : i32
    %sign3A_437 = arith.extui %sign3A_436 : i1 to i32
    %sign3A_438 = arith.constant 0 : i32
    %sign3A_439 = arith.cmpi slt, %get3A_432, %sign3A_438 : i32
    %sign3A_440 = arith.extui %sign3A_439 : i1 to i32
    %sign3A_441 = arith.subi %sign3A_437, %sign3A_440 : i32
    %sign3A_442 = arith.constant 0 : i32
    %sign3A_443 = arith.cmpi sgt, %jit3A_433, %sign3A_442 : i32
    %sign3A_444 = arith.extui %sign3A_443 : i1 to i32
    %sign3A_445 = arith.constant 0 : i32
    %sign3A_446 = arith.cmpi slt, %jit3A_433, %sign3A_445 : i32
    %sign3A_447 = arith.extui %sign3A_446 : i1 to i32
    %sign3A_448 = arith.subi %sign3A_444, %sign3A_447 : i32
    %ne3A_449 = arith.cmpi ne, %sign3A_441, %sign3A_448 : i32
    %rem3A_450 = arith.remsi %get3A_432, %jit3A_433 : i32
    %ne3A_451 = arith.constant 0 : i32
    %ne3A_452 = arith.cmpi ne, %rem3A_450, %ne3A_451 : i32
    %and3A_453 = arith.andi %ne3A_449, %ne3A_452 : i1
    %sub3A_454 = arith.constant 1 : i32
    %sub3A_455 = arith.subi %div3A_434, %sub3A_454 : i32
    %select_n3A_456 = arith.select %and3A_453, %sub3A_455, %div3A_434 : i32
    %min3A_457 = arith.constant 716 : i32
    %min3A_458 = arith.minsi %select_n3A_456, %min3A_457 : i32
    %mul3A_459 = arith.constant 128 : i32
    %mul3A_460 = arith.muli %min3A_458, %mul3A_459 : i32
    %multiple_of3A_461 = tpu.assume_multiple %mul3A_460, 128 : i32
    %get3A_462 = arith.constant 2 : index
    %get3A_463 = arith.index_cast %multiple_of3A_461 : i32 to index
    %get3A_464 = vector.load %arg2[%get3A_462, %get3A_463] : memref<8x91776xf32, #tpu.memory_space<vmem>>, vector<1x128xf32>
    %mul3A_465 = arith.constant 128 : i32
    %mul3A_466 = arith.muli %min3A_458, %mul3A_465 : i32
    %sub3A_467 = arith.subi %get3A_432, %mul3A_466 : i32
    %eq3A_468 = vector.broadcast %sub3A_467 : i32 to vector<1x128xi32>
    %eq3A_469 = arith.cmpi eq, %iota3A_343, %eq3A_468 : vector<1x128xi32>
    %jit3A_470 = arith.constant 0.000000e+00 : f32
    %broadcast_in_dim3A_471 = vector.broadcast %jit3A_470 : f32 to vector<1x128xf32>
    %select_n3A_472 = arith.select %eq3A_469, %get3A_464, %broadcast_in_dim3A_471 : vector<1x128xi1>, vector<1x128xf32>
    %reduce_sum3A_473 = arith.constant dense<0.000000e+00> : vector<1xf32>
    %reduce_sum3A_474 = vector.multi_reduction <add>, %select_n3A_472, %reduce_sum3A_473 [1] : vector<1x128xf32> to vector<1xf32>
    %broadcast_in_dim3A_475 = vector.shape_cast %reduce_sum3A_474 : vector<1xf32> to vector<1x1xf32>
    %get3A_476 = arith.constant 3 : index
    %get3A_477 = arith.constant 0 : index
    %get3A_478 = memref.load %arg1[%get3A_476, %get3A_477] : memref<8x1xi32, #tpu.memory_space<smem>>
    %jit3A_479 = arith.constant 128 : i32
    %div3A_480 = arith.divsi %get3A_478, %jit3A_479 : i32
    %sign3A_481 = arith.constant 0 : i32
    %sign3A_482 = arith.cmpi sgt, %get3A_478, %sign3A_481 : i32
    %sign3A_483 = arith.extui %sign3A_482 : i1 to i32
    %sign3A_484 = arith.constant 0 : i32
    %sign3A_485 = arith.cmpi slt, %get3A_478, %sign3A_484 : i32
    %sign3A_486 = arith.extui %sign3A_485 : i1 to i32
    %sign3A_487 = arith.subi %sign3A_483, %sign3A_486 : i32
    %sign3A_488 = arith.constant 0 : i32
    %sign3A_489 = arith.cmpi sgt, %jit3A_479, %sign3A_488 : i32
    %sign3A_490 = arith.extui %sign3A_489 : i1 to i32
    %sign3A_491 = arith.constant 0 : i32
    %sign3A_492 = arith.cmpi slt, %jit3A_479, %sign3A_491 : i32
    %sign3A_493 = arith.extui %sign3A_492 : i1 to i32
    %sign3A_494 = arith.subi %sign3A_490, %sign3A_493 : i32
    %ne3A_495 = arith.cmpi ne, %sign3A_487, %sign3A_494 : i32
    %rem3A_496 = arith.remsi %get3A_478, %jit3A_479 : i32
    %ne3A_497 = arith.constant 0 : i32
    %ne3A_498 = arith.cmpi ne, %rem3A_496, %ne3A_497 : i32
    %and3A_499 = arith.andi %ne3A_495, %ne3A_498 : i1
    %sub3A_500 = arith.constant 1 : i32
    %sub3A_501 = arith.subi %div3A_480, %sub3A_500 : i32
    %select_n3A_502 = arith.select %and3A_499, %sub3A_501, %div3A_480 : i32
    %min3A_503 = arith.constant 716 : i32
    %min3A_504 = arith.minsi %select_n3A_502, %min3A_503 : i32
    %mul3A_505 = arith.constant 128 : i32
    %mul3A_506 = arith.muli %min3A_504, %mul3A_505 : i32
    %multiple_of3A_507 = tpu.assume_multiple %mul3A_506, 128 : i32
    %get3A_508 = arith.constant 3 : index
    %get3A_509 = arith.index_cast %multiple_of3A_507 : i32 to index
    %get3A_510 = vector.load %arg2[%get3A_508, %get3A_509] : memref<8x91776xf32, #tpu.memory_space<vmem>>, vector<1x128xf32>
    %mul3A_511 = arith.constant 128 : i32
    %mul3A_512 = arith.muli %min3A_504, %mul3A_511 : i32
    %sub3A_513 = arith.subi %get3A_478, %mul3A_512 : i32
    %eq3A_514 = vector.broadcast %sub3A_513 : i32 to vector<1x128xi32>
    %eq3A_515 = arith.cmpi eq, %iota3A_343, %eq3A_514 : vector<1x128xi32>
    %jit3A_516 = arith.constant 0.000000e+00 : f32
    %broadcast_in_dim3A_517 = vector.broadcast %jit3A_516 : f32 to vector<1x128xf32>
    %select_n3A_518 = arith.select %eq3A_515, %get3A_510, %broadcast_in_dim3A_517 : vector<1x128xi1>, vector<1x128xf32>
    %reduce_sum3A_519 = arith.constant dense<0.000000e+00> : vector<1xf32>
    %reduce_sum3A_520 = vector.multi_reduction <add>, %select_n3A_518, %reduce_sum3A_519 [1] : vector<1x128xf32> to vector<1xf32>
    %broadcast_in_dim3A_521 = vector.shape_cast %reduce_sum3A_520 : vector<1xf32> to vector<1x1xf32>
    %get3A_522 = arith.constant 4 : index
    %get3A_523 = arith.constant 0 : index
    %get3A_524 = memref.load %arg1[%get3A_522, %get3A_523] : memref<8x1xi32, #tpu.memory_space<smem>>
    %jit3A_525 = arith.constant 128 : i32
    %div3A_526 = arith.divsi %get3A_524, %jit3A_525 : i32
    %sign3A_527 = arith.constant 0 : i32
    %sign3A_528 = arith.cmpi sgt, %get3A_524, %sign3A_527 : i32
    %sign3A_529 = arith.extui %sign3A_528 : i1 to i32
    %sign3A_530 = arith.constant 0 : i32
    %sign3A_531 = arith.cmpi slt, %get3A_524, %sign3A_530 : i32
    %sign3A_532 = arith.extui %sign3A_531 : i1 to i32
    %sign3A_533 = arith.subi %sign3A_529, %sign3A_532 : i32
    %sign3A_534 = arith.constant 0 : i32
    %sign3A_535 = arith.cmpi sgt, %jit3A_525, %sign3A_534 : i32
    %sign3A_536 = arith.extui %sign3A_535 : i1 to i32
    %sign3A_537 = arith.constant 0 : i32
    %sign3A_538 = arith.cmpi slt, %jit3A_525, %sign3A_537 : i32
    %sign3A_539 = arith.extui %sign3A_538 : i1 to i32
    %sign3A_540 = arith.subi %sign3A_536, %sign3A_539 : i32
    %ne3A_541 = arith.cmpi ne, %sign3A_533, %sign3A_540 : i32
    %rem3A_542 = arith.remsi %get3A_524, %jit3A_525 : i32
    %ne3A_543 = arith.constant 0 : i32
    %ne3A_544 = arith.cmpi ne, %rem3A_542, %ne3A_543 : i32
    %and3A_545 = arith.andi %ne3A_541, %ne3A_544 : i1
    %sub3A_546 = arith.constant 1 : i32
    %sub3A_547 = arith.subi %div3A_526, %sub3A_546 : i32
    %select_n3A_548 = arith.select %and3A_545, %sub3A_547, %div3A_526 : i32
    %min3A_549 = arith.constant 716 : i32
    %min3A_550 = arith.minsi %select_n3A_548, %min3A_549 : i32
    %mul3A_551 = arith.constant 128 : i32
    %mul3A_552 = arith.muli %min3A_550, %mul3A_551 : i32
    %multiple_of3A_553 = tpu.assume_multiple %mul3A_552, 128 : i32
    %get3A_554 = arith.constant 4 : index
    %get3A_555 = arith.index_cast %multiple_of3A_553 : i32 to index
    %get3A_556 = vector.load %arg2[%get3A_554, %get3A_555] : memref<8x91776xf32, #tpu.memory_space<vmem>>, vector<1x128xf32>
    %mul3A_557 = arith.constant 128 : i32
    %mul3A_558 = arith.muli %min3A_550, %mul3A_557 : i32
    %sub3A_559 = arith.subi %get3A_524, %mul3A_558 : i32
    %eq3A_560 = vector.broadcast %sub3A_559 : i32 to vector<1x128xi32>
    %eq3A_561 = arith.cmpi eq, %iota3A_343, %eq3A_560 : vector<1x128xi32>
    %jit3A_562 = arith.constant 0.000000e+00 : f32
    %broadcast_in_dim3A_563 = vector.broadcast %jit3A_562 : f32 to vector<1x128xf32>
    %select_n3A_564 = arith.select %eq3A_561, %get3A_556, %broadcast_in_dim3A_563 : vector<1x128xi1>, vector<1x128xf32>
    %reduce_sum3A_565 = arith.constant dense<0.000000e+00> : vector<1xf32>
    %reduce_sum3A_566 = vector.multi_reduction <add>, %select_n3A_564, %reduce_sum3A_565 [1] : vector<1x128xf32> to vector<1xf32>
    %broadcast_in_dim3A_567 = vector.shape_cast %reduce_sum3A_566 : vector<1xf32> to vector<1x1xf32>
    %get3A_568 = arith.constant 5 : index
    %get3A_569 = arith.constant 0 : index
    %get3A_570 = memref.load %arg1[%get3A_568, %get3A_569] : memref<8x1xi32, #tpu.memory_space<smem>>
    %jit3A_571 = arith.constant 128 : i32
    %div3A_572 = arith.divsi %get3A_570, %jit3A_571 : i32
    %sign3A_573 = arith.constant 0 : i32
    %sign3A_574 = arith.cmpi sgt, %get3A_570, %sign3A_573 : i32
    %sign3A_575 = arith.extui %sign3A_574 : i1 to i32
    %sign3A_576 = arith.constant 0 : i32
    %sign3A_577 = arith.cmpi slt, %get3A_570, %sign3A_576 : i32
    %sign3A_578 = arith.extui %sign3A_577 : i1 to i32
    %sign3A_579 = arith.subi %sign3A_575, %sign3A_578 : i32
    %sign3A_580 = arith.constant 0 : i32
    %sign3A_581 = arith.cmpi sgt, %jit3A_571, %sign3A_580 : i32
    %sign3A_582 = arith.extui %sign3A_581 : i1 to i32
    %sign3A_583 = arith.constant 0 : i32
    %sign3A_584 = arith.cmpi slt, %jit3A_571, %sign3A_583 : i32
    %sign3A_585 = arith.extui %sign3A_584 : i1 to i32
    %sign3A_586 = arith.subi %sign3A_582, %sign3A_585 : i32
    %ne3A_587 = arith.cmpi ne, %sign3A_579, %sign3A_586 : i32
    %rem3A_588 = arith.remsi %get3A_570, %jit3A_571 : i32
    %ne3A_589 = arith.constant 0 : i32
    %ne3A_590 = arith.cmpi ne, %rem3A_588, %ne3A_589 : i32
    %and3A_591 = arith.andi %ne3A_587, %ne3A_590 : i1
    %sub3A_592 = arith.constant 1 : i32
    %sub3A_593 = arith.subi %div3A_572, %sub3A_592 : i32
    %select_n3A_594 = arith.select %and3A_591, %sub3A_593, %div3A_572 : i32
    %min3A_595 = arith.constant 716 : i32
    %min3A_596 = arith.minsi %select_n3A_594, %min3A_595 : i32
    %mul3A_597 = arith.constant 128 : i32
    %mul3A_598 = arith.muli %min3A_596, %mul3A_597 : i32
    %multiple_of3A_599 = tpu.assume_multiple %mul3A_598, 128 : i32
    %get3A_600 = arith.constant 5 : index
    %get3A_601 = arith.index_cast %multiple_of3A_599 : i32 to index
    %get3A_602 = vector.load %arg2[%get3A_600, %get3A_601] : memref<8x91776xf32, #tpu.memory_space<vmem>>, vector<1x128xf32>
    %mul3A_603 = arith.constant 128 : i32
    %mul3A_604 = arith.muli %min3A_596, %mul3A_603 : i32
    %sub3A_605 = arith.subi %get3A_570, %mul3A_604 : i32
    %eq3A_606 = vector.broadcast %sub3A_605 : i32 to vector<1x128xi32>
    %eq3A_607 = arith.cmpi eq, %iota3A_343, %eq3A_606 : vector<1x128xi32>
    %jit3A_608 = arith.constant 0.000000e+00 : f32
    %broadcast_in_dim3A_609 = vector.broadcast %jit3A_608 : f32 to vector<1x128xf32>
    %select_n3A_610 = arith.select %eq3A_607, %get3A_602, %broadcast_in_dim3A_609 : vector<1x128xi1>, vector<1x128xf32>
    %reduce_sum3A_611 = arith.constant dense<0.000000e+00> : vector<1xf32>
    %reduce_sum3A_612 = vector.multi_reduction <add>, %select_n3A_610, %reduce_sum3A_611 [1] : vector<1x128xf32> to vector<1xf32>
    %broadcast_in_dim3A_613 = vector.shape_cast %reduce_sum3A_612 : vector<1xf32> to vector<1x1xf32>
    %get3A_614 = arith.constant 6 : index
    %get3A_615 = arith.constant 0 : index
    %get3A_616 = memref.load %arg1[%get3A_614, %get3A_615] : memref<8x1xi32, #tpu.memory_space<smem>>
    %jit3A_617 = arith.constant 128 : i32
    %div3A_618 = arith.divsi %get3A_616, %jit3A_617 : i32
    %sign3A_619 = arith.constant 0 : i32
    %sign3A_620 = arith.cmpi sgt, %get3A_616, %sign3A_619 : i32
    %sign3A_621 = arith.extui %sign3A_620 : i1 to i32
    %sign3A_622 = arith.constant 0 : i32
    %sign3A_623 = arith.cmpi slt, %get3A_616, %sign3A_622 : i32
    %sign3A_624 = arith.extui %sign3A_623 : i1 to i32
    %sign3A_625 = arith.subi %sign3A_621, %sign3A_624 : i32
    %sign3A_626 = arith.constant 0 : i32
    %sign3A_627 = arith.cmpi sgt, %jit3A_617, %sign3A_626 : i32
    %sign3A_628 = arith.extui %sign3A_627 : i1 to i32
    %sign3A_629 = arith.constant 0 : i32
    %sign3A_630 = arith.cmpi slt, %jit3A_617, %sign3A_629 : i32
    %sign3A_631 = arith.extui %sign3A_630 : i1 to i32
    %sign3A_632 = arith.subi %sign3A_628, %sign3A_631 : i32
    %ne3A_633 = arith.cmpi ne, %sign3A_625, %sign3A_632 : i32
    %rem3A_634 = arith.remsi %get3A_616, %jit3A_617 : i32
    %ne3A_635 = arith.constant 0 : i32
    %ne3A_636 = arith.cmpi ne, %rem3A_634, %ne3A_635 : i32
    %and3A_637 = arith.andi %ne3A_633, %ne3A_636 : i1
    %sub3A_638 = arith.constant 1 : i32
    %sub3A_639 = arith.subi %div3A_618, %sub3A_638 : i32
    %select_n3A_640 = arith.select %and3A_637, %sub3A_639, %div3A_618 : i32
    %min3A_641 = arith.constant 716 : i32
    %min3A_642 = arith.minsi %select_n3A_640, %min3A_641 : i32
    %mul3A_643 = arith.constant 128 : i32
    %mul3A_644 = arith.muli %min3A_642, %mul3A_643 : i32
    %multiple_of3A_645 = tpu.assume_multiple %mul3A_644, 128 : i32
    %get3A_646 = arith.constant 6 : index
    %get3A_647 = arith.index_cast %multiple_of3A_645 : i32 to index
    %get3A_648 = vector.load %arg2[%get3A_646, %get3A_647] : memref<8x91776xf32, #tpu.memory_space<vmem>>, vector<1x128xf32>
    %mul3A_649 = arith.constant 128 : i32
    %mul3A_650 = arith.muli %min3A_642, %mul3A_649 : i32
    %sub3A_651 = arith.subi %get3A_616, %mul3A_650 : i32
    %eq3A_652 = vector.broadcast %sub3A_651 : i32 to vector<1x128xi32>
    %eq3A_653 = arith.cmpi eq, %iota3A_343, %eq3A_652 : vector<1x128xi32>
    %jit3A_654 = arith.constant 0.000000e+00 : f32
    %broadcast_in_dim3A_655 = vector.broadcast %jit3A_654 : f32 to vector<1x128xf32>
    %select_n3A_656 = arith.select %eq3A_653, %get3A_648, %broadcast_in_dim3A_655 : vector<1x128xi1>, vector<1x128xf32>
    %reduce_sum3A_657 = arith.constant dense<0.000000e+00> : vector<1xf32>
    %reduce_sum3A_658 = vector.multi_reduction <add>, %select_n3A_656, %reduce_sum3A_657 [1] : vector<1x128xf32> to vector<1xf32>
    %broadcast_in_dim3A_659 = vector.shape_cast %reduce_sum3A_658 : vector<1xf32> to vector<1x1xf32>
    %get3A_660 = arith.constant 7 : index
    %get3A_661 = arith.constant 0 : index
    %get3A_662 = memref.load %arg1[%get3A_660, %get3A_661] : memref<8x1xi32, #tpu.memory_space<smem>>
    %jit3A_663 = arith.constant 128 : i32
    %div3A_664 = arith.divsi %get3A_662, %jit3A_663 : i32
    %sign3A_665 = arith.constant 0 : i32
    %sign3A_666 = arith.cmpi sgt, %get3A_662, %sign3A_665 : i32
    %sign3A_667 = arith.extui %sign3A_666 : i1 to i32
    %sign3A_668 = arith.constant 0 : i32
    %sign3A_669 = arith.cmpi slt, %get3A_662, %sign3A_668 : i32
    %sign3A_670 = arith.extui %sign3A_669 : i1 to i32
    %sign3A_671 = arith.subi %sign3A_667, %sign3A_670 : i32
    %sign3A_672 = arith.constant 0 : i32
    %sign3A_673 = arith.cmpi sgt, %jit3A_663, %sign3A_672 : i32
    %sign3A_674 = arith.extui %sign3A_673 : i1 to i32
    %sign3A_675 = arith.constant 0 : i32
    %sign3A_676 = arith.cmpi slt, %jit3A_663, %sign3A_675 : i32
    %sign3A_677 = arith.extui %sign3A_676 : i1 to i32
    %sign3A_678 = arith.subi %sign3A_674, %sign3A_677 : i32
    %ne3A_679 = arith.cmpi ne, %sign3A_671, %sign3A_678 : i32
    %rem3A_680 = arith.remsi %get3A_662, %jit3A_663 : i32
    %ne3A_681 = arith.constant 0 : i32
    %ne3A_682 = arith.cmpi ne, %rem3A_680, %ne3A_681 : i32
    %and3A_683 = arith.andi %ne3A_679, %ne3A_682 : i1
    %sub3A_684 = arith.constant 1 : i32
    %sub3A_685 = arith.subi %div3A_664, %sub3A_684 : i32
    %select_n3A_686 = arith.select %and3A_683, %sub3A_685, %div3A_664 : i32
    %min3A_687 = arith.constant 716 : i32
    %min3A_688 = arith.minsi %select_n3A_686, %min3A_687 : i32
    %mul3A_689 = arith.constant 128 : i32
    %mul3A_690 = arith.muli %min3A_688, %mul3A_689 : i32
    %multiple_of3A_691 = tpu.assume_multiple %mul3A_690, 128 : i32
    %get3A_692 = arith.constant 7 : index
    %get3A_693 = arith.index_cast %multiple_of3A_691 : i32 to index
    %get3A_694 = vector.load %arg2[%get3A_692, %get3A_693] : memref<8x91776xf32, #tpu.memory_space<vmem>>, vector<1x128xf32>
    %mul3A_695 = arith.constant 128 : i32
    %mul3A_696 = arith.muli %min3A_688, %mul3A_695 : i32
    %sub3A_697 = arith.subi %get3A_662, %mul3A_696 : i32
    %eq3A_698 = vector.broadcast %sub3A_697 : i32 to vector<1x128xi32>
    %eq3A_699 = arith.cmpi eq, %iota3A_343, %eq3A_698 : vector<1x128xi32>
    %jit3A_700 = arith.constant 0.000000e+00 : f32
    %broadcast_in_dim3A_701 = vector.broadcast %jit3A_700 : f32 to vector<1x128xf32>
    %select_n3A_702 = arith.select %eq3A_699, %get3A_694, %broadcast_in_dim3A_701 : vector<1x128xi1>, vector<1x128xf32>
    %reduce_sum3A_703 = arith.constant dense<0.000000e+00> : vector<1xf32>
    %reduce_sum3A_704 = vector.multi_reduction <add>, %select_n3A_702, %reduce_sum3A_703 [1] : vector<1x128xf32> to vector<1xf32>
    %broadcast_in_dim3A_705 = vector.shape_cast %reduce_sum3A_704 : vector<1xf32> to vector<1x1xf32>
    %concatenate3A_706 = tpu.concatenate %broadcast_in_dim3A_383, %broadcast_in_dim3A_429, %broadcast_in_dim3A_475, %broadcast_in_dim3A_521, %broadcast_in_dim3A_567, %broadcast_in_dim3A_613, %broadcast_in_dim3A_659, %broadcast_in_dim3A_705 in 0 : vector<1x1xf32>, vector<1x1xf32>, vector<1x1xf32>, vector<1x1xf32>, vector<1x1xf32>, vector<1x1xf32>, vector<1x1xf32>, vector<1x1xf32> -> vector<8x1xf32>
    %swap3A_707 = arith.constant 0 : index
    %swap3A_708 = arith.constant 0 : index
    %swap3A_709 = vector.load %arg7[%swap3A_707, %swap3A_708] : memref<8x1xf32, #tpu.memory_space<vmem>>, vector<8x1xf32>
    tpu.vector_store %arg7[%swap3A_707, %swap3A_708], %concatenate3A_706 {strides = array<i32>} : memref<8x1xf32, #tpu.memory_space<vmem>>, vector<8x1xf32>,
    return
  }
  func.func @transform_0(%arg0: i32) -> (i32, i32) {
    %c0_i32 = arith.constant 0 : i32
    %c0_i32_0 = arith.constant 0 : i32
    return %arg0, %c0_i32 : i32, i32
  }
  func.func @transform_1(%arg0: i32) -> (i32, i32) {
    %c0_i32 = arith.constant 0 : i32
    %c0_i32_0 = arith.constant 0 : i32
    return %arg0, %c0_i32 : i32, i32
  }
  func.func @transform_2(%arg0: i32) -> (i32, i32) {
    %c0_i32 = arith.constant 0 : i32
    %c0_i32_0 = arith.constant 0 : i32
    return %arg0, %c0_i32 : i32, i32
  }
  func.func @transform_3(%arg0: i32) -> (i32, i32) {
    %c0_i32 = arith.constant 0 : i32
    %c0_i32_0 = arith.constant 0 : i32
    return %arg0, %c0_i32 : i32, i32
  }
  func.func @transform_4(%arg0: i32) -> (i32, i32) {
    %c0_i32 = arith.constant 0 : i32
    %c0_i32_0 = arith.constant 0 : i32
    return %arg0, %c0_i32 : i32, i32
  }
  func.func @transform_5(%arg0: i32) -> (i32, i32) {
    %c0_i32 = arith.constant 0 : i32
    %c0_i32_0 = arith.constant 0 : i32
    return %arg0, %c0_i32 : i32, i32
  }
  func.func @transform_6(%arg0: i32) -> (i32, i32) {
    %c0_i32 = arith.constant 0 : i32
    %c0_i32_0 = arith.constant 0 : i32
    return %arg0, %c0_i32 : i32, i32
  }
}

module attributes {stable_mosaic.version = 14 : i64} {
  func.func @_combine_kernel(%arg0: memref<1024x1xi32, #tpu.memory_space<vmem>>, %arg1: memref<1024x5xf32, #tpu.memory_space<vmem>>, %arg2: memref<1024x5xf32, #tpu.memory_space<vmem>>, %arg3: memref<1024x1xf32, #tpu.memory_space<vmem>>, %arg4: memref<1024x1xi32, #tpu.memory_space<vmem>>, %arg5: memref<1024x1xf32, #tpu.memory_space<vmem>>, %arg6: memref<1024x16xf32, #tpu.memory_space<vmem>>, %arg7: memref<1024x1xf32, #tpu.memory_space<vmem>>, %arg8: memref<1x1xf32, #tpu.memory_space<vmem>>) attributes {dimension_semantics = [], scalar_prefetch = 0 : i64, scratch_operands = 0 : i64, tpu.core_type = #tpu.core_type<tc>} {
    %get3A = arith.constant 0 : index
    %get3A_0 = arith.constant 0 : index
    %get3A_1 = vector.load %arg1[%get3A, %get3A_0] : memref<1024x5xf32, #tpu.memory_space<vmem>>, vector<1024x5xf32>
    %get3A_2 = arith.constant 0 : index
    %get3A_3 = arith.constant 0 : index
    %get3A_4 = vector.load %arg2[%get3A_2, %get3A_3] : memref<1024x5xf32, #tpu.memory_space<vmem>>, vector<1024x5xf32>
    %get3A_5 = arith.constant 0 : index
    %get3A_6 = arith.constant 0 : index
    %get3A_7 = vector.load %arg6[%get3A_5, %get3A_6] : memref<1024x16xf32, #tpu.memory_space<vmem>>, vector<1024x16xf32>
    %slice3A = vector.extract_strided_slice %get3A_7 {offsets = [0, 0], sizes = [1024, 5], strides = [1, 1]} : vector<1024x16xf32> to vector<1024x5xf32>
    %slice3A_8 = vector.extract_strided_slice %get3A_7 {offsets = [0, 5], sizes = [1024, 5], strides = [1, 1]} : vector<1024x16xf32> to vector<1024x5xf32>
    %get3A_9 = arith.constant 0 : index
    %get3A_10 = arith.constant 0 : index
    %get3A_11 = vector.load %arg3[%get3A_9, %get3A_10] : memref<1024x1xf32, #tpu.memory_space<vmem>>, vector<1024x1xf32>
    %slice3A_12 = vector.extract_strided_slice %get3A_7 {offsets = [0, 10], sizes = [1024, 1], strides = [1, 1]} : vector<1024x16xf32> to vector<1024x1xf32>
    %add3A = arith.addf %get3A_11, %slice3A_12 : vector<1024x1xf32>
    %slice3A_13 = vector.extract_strided_slice %get3A_7 {offsets = [0, 11], sizes = [1024, 1], strides = [1, 1]} : vector<1024x16xf32> to vector<1024x1xf32>
    %convert_element_type3A = arith.fptosi %slice3A_13 : vector<1024x1xf32> to vector<1024x1xi32>
    %log3A = math.log %add3A : vector<1024x1xf32>
    %slice3A_14 = vector.extract_strided_slice %get3A_1 {offsets = [0, 0], sizes = [1024, 1], strides = [1, 1]} : vector<1024x5xf32> to vector<1024x1xf32>
    %slice3A_15 = vector.extract_strided_slice %get3A_7 {offsets = [0, 0], sizes = [1024, 1], strides = [1, 1]} : vector<1024x16xf32> to vector<1024x1xf32>
    %ge3A = arith.cmpf oge, %slice3A_14, %slice3A_15 : vector<1024x1xf32>
    %get3A_16 = arith.constant 0 : index
    %get3A_17 = arith.constant 0 : index
    %get3A_18 = vector.load %arg4[%get3A_16, %get3A_17] : memref<1024x1xi32, #tpu.memory_space<vmem>>, vector<1024x1xi32>
    %select_n3A = arith.select %ge3A, %get3A_18, %convert_element_type3A : vector<1024x1xi1>, vector<1024x1xi32>
    %get3A_19 = arith.constant 0 : index
    %get3A_20 = arith.constant 0 : index
    %get3A_21 = vector.load %arg5[%get3A_19, %get3A_20] : memref<1024x1xf32, #tpu.memory_space<vmem>>, vector<1024x1xf32>
    %get3A_22 = arith.constant 0 : index
    %get3A_23 = arith.constant 0 : index
    %get3A_24 = vector.load %arg7[%get3A_22, %get3A_23] : memref<1024x1xf32, #tpu.memory_space<vmem>>, vector<1024x1xf32>
    %add3A_25 = arith.addf %get3A_21, %get3A_24 : vector<1024x1xf32>
    %concatenate3A = tpu.concatenate %get3A_1, %slice3A in 1 : vector<1024x5xf32>, vector<1024x5xf32> -> vector<1024x10xf32>
    %concatenate3A_26 = tpu.concatenate %get3A_4, %slice3A_8 in 1 : vector<1024x5xf32>, vector<1024x5xf32> -> vector<1024x10xf32>
    %max3A = arith.maximumf %slice3A_14, %slice3A_15 : vector<1024x1xf32>
    %broadcast_in_dim3A = arith.constant 5.000000e+00 : f32
    %broadcast_in_dim3A_27 = vector.broadcast %broadcast_in_dim3A : f32 to vector<1024x1xf32>
    %broadcast_in_dim3A_28 = arith.constant 0.000000e+00 : f32
    %broadcast_in_dim3A_29 = vector.broadcast %broadcast_in_dim3A_28 : f32 to vector<1024x1xf32>
    %eq3A = vector.broadcast %max3A : vector<1024x1xf32> to vector<1024x10xf32>
    %eq3A_30 = arith.cmpf oeq, %concatenate3A, %eq3A : vector<1024x10xf32>
    %jit3A = arith.constant 0.000000e+00 : f32
    %broadcast_in_dim3A_31 = vector.broadcast %jit3A : f32 to vector<1024x10xf32>
    %select_n3A_32 = arith.select %eq3A_30, %concatenate3A_26, %broadcast_in_dim3A_31 : vector<1024x10xi1>, vector<1024x10xf32>
    %reduce_sum3A = arith.constant dense<0.000000e+00> : vector<1024xf32>
    %reduce_sum3A_33 = vector.multi_reduction <add>, %select_n3A_32, %reduce_sum3A [1] : vector<1024x10xf32> to vector<1024xf32>
    %broadcast_in_dim3A_34 = vector.shape_cast %reduce_sum3A_33 : vector<1024xf32> to vector<1024x1xf32>
    %min3A = arith.minimumf %broadcast_in_dim3A_34, %broadcast_in_dim3A_27 : vector<1024x1xf32>
    %gt3A = arith.constant 0.000000e+00 : f32
    %gt3A_35 = vector.broadcast %gt3A : f32 to vector<1024x1xf32>
    %gt3A_36 = arith.cmpf ogt, %min3A, %gt3A_35 : vector<1024x1xf32>
    %mul3A = arith.mulf %max3A, %min3A : vector<1024x1xf32>
    %jit3A_37 = arith.constant 0.000000e+00 : f32
    %broadcast_in_dim3A_38 = vector.broadcast %jit3A_37 : f32 to vector<1024x1xf32>
    %select_n3A_39 = arith.select %gt3A_36, %mul3A, %broadcast_in_dim3A_38 : vector<1024x1xi1>, vector<1024x1xf32>
    %add3A_40 = arith.addf %broadcast_in_dim3A_29, %select_n3A_39 : vector<1024x1xf32>
    %sub3A = arith.subf %broadcast_in_dim3A_27, %min3A : vector<1024x1xf32>
    %lt3A = vector.broadcast %max3A : vector<1024x1xf32> to vector<1024x10xf32>
    %lt3A_41 = arith.cmpf olt, %concatenate3A, %lt3A : vector<1024x10xf32>
    %jit3A_42 = arith.constant 0xFF800000 : f32
    %broadcast_in_dim3A_43 = vector.broadcast %jit3A_42 : f32 to vector<1024x10xf32>
    %select_n3A_44 = arith.select %lt3A_41, %concatenate3A, %broadcast_in_dim3A_43 : vector<1024x10xi1>, vector<1024x10xf32>
    %reduce_max3A = arith.constant dense<0xFF800000> : vector<1024xf32>
    %reduce_max3A_45 = vector.multi_reduction <maximumf>, %select_n3A_44, %reduce_max3A [1] : vector<1024x10xf32> to vector<1024xf32>
    %broadcast_in_dim3A_46 = vector.shape_cast %reduce_max3A_45 : vector<1024xf32> to vector<1024x1xf32>
    %eq3A_47 = vector.broadcast %broadcast_in_dim3A_46 : vector<1024x1xf32> to vector<1024x10xf32>
    %eq3A_48 = arith.cmpf oeq, %concatenate3A, %eq3A_47 : vector<1024x10xf32>
    %jit3A_49 = arith.constant 0.000000e+00 : f32
    %broadcast_in_dim3A_50 = vector.broadcast %jit3A_49 : f32 to vector<1024x10xf32>
    %select_n3A_51 = arith.select %eq3A_48, %concatenate3A_26, %broadcast_in_dim3A_50 : vector<1024x10xi1>, vector<1024x10xf32>
    %reduce_sum3A_52 = arith.constant dense<0.000000e+00> : vector<1024xf32>
    %reduce_sum3A_53 = vector.multi_reduction <add>, %select_n3A_51, %reduce_sum3A_52 [1] : vector<1024x10xf32> to vector<1024xf32>
    %broadcast_in_dim3A_54 = vector.shape_cast %reduce_sum3A_53 : vector<1024xf32> to vector<1024x1xf32>
    %min3A_55 = arith.minimumf %broadcast_in_dim3A_54, %sub3A : vector<1024x1xf32>
    %gt3A_56 = arith.constant 0.000000e+00 : f32
    %gt3A_57 = vector.broadcast %gt3A_56 : f32 to vector<1024x1xf32>
    %gt3A_58 = arith.cmpf ogt, %min3A_55, %gt3A_57 : vector<1024x1xf32>
    %mul3A_59 = arith.mulf %broadcast_in_dim3A_46, %min3A_55 : vector<1024x1xf32>
    %jit3A_60 = arith.constant 0.000000e+00 : f32
    %broadcast_in_dim3A_61 = vector.broadcast %jit3A_60 : f32 to vector<1024x1xf32>
    %select_n3A_62 = arith.select %gt3A_58, %mul3A_59, %broadcast_in_dim3A_61 : vector<1024x1xi1>, vector<1024x1xf32>
    %add3A_63 = arith.addf %add3A_40, %select_n3A_62 : vector<1024x1xf32>
    %sub3A_64 = arith.subf %sub3A, %min3A_55 : vector<1024x1xf32>
    %lt3A_65 = vector.broadcast %broadcast_in_dim3A_46 : vector<1024x1xf32> to vector<1024x10xf32>
    %lt3A_66 = arith.cmpf olt, %concatenate3A, %lt3A_65 : vector<1024x10xf32>
    %jit3A_67 = arith.constant 0xFF800000 : f32
    %broadcast_in_dim3A_68 = vector.broadcast %jit3A_67 : f32 to vector<1024x10xf32>
    %select_n3A_69 = arith.select %lt3A_66, %concatenate3A, %broadcast_in_dim3A_68 : vector<1024x10xi1>, vector<1024x10xf32>
    %reduce_max3A_70 = arith.constant dense<0xFF800000> : vector<1024xf32>
    %reduce_max3A_71 = vector.multi_reduction <maximumf>, %select_n3A_69, %reduce_max3A_70 [1] : vector<1024x10xf32> to vector<1024xf32>
    %broadcast_in_dim3A_72 = vector.shape_cast %reduce_max3A_71 : vector<1024xf32> to vector<1024x1xf32>
    %eq3A_73 = vector.broadcast %broadcast_in_dim3A_72 : vector<1024x1xf32> to vector<1024x10xf32>
    %eq3A_74 = arith.cmpf oeq, %concatenate3A, %eq3A_73 : vector<1024x10xf32>
    %jit3A_75 = arith.constant 0.000000e+00 : f32
    %broadcast_in_dim3A_76 = vector.broadcast %jit3A_75 : f32 to vector<1024x10xf32>
    %select_n3A_77 = arith.select %eq3A_74, %concatenate3A_26, %broadcast_in_dim3A_76 : vector<1024x10xi1>, vector<1024x10xf32>
    %reduce_sum3A_78 = arith.constant dense<0.000000e+00> : vector<1024xf32>
    %reduce_sum3A_79 = vector.multi_reduction <add>, %select_n3A_77, %reduce_sum3A_78 [1] : vector<1024x10xf32> to vector<1024xf32>
    %broadcast_in_dim3A_80 = vector.shape_cast %reduce_sum3A_79 : vector<1024xf32> to vector<1024x1xf32>
    %min3A_81 = arith.minimumf %broadcast_in_dim3A_80, %sub3A_64 : vector<1024x1xf32>
    %gt3A_82 = arith.constant 0.000000e+00 : f32
    %gt3A_83 = vector.broadcast %gt3A_82 : f32 to vector<1024x1xf32>
    %gt3A_84 = arith.cmpf ogt, %min3A_81, %gt3A_83 : vector<1024x1xf32>
    %mul3A_85 = arith.mulf %broadcast_in_dim3A_72, %min3A_81 : vector<1024x1xf32>
    %jit3A_86 = arith.constant 0.000000e+00 : f32
    %broadcast_in_dim3A_87 = vector.broadcast %jit3A_86 : f32 to vector<1024x1xf32>
    %select_n3A_88 = arith.select %gt3A_84, %mul3A_85, %broadcast_in_dim3A_87 : vector<1024x1xi1>, vector<1024x1xf32>
    %add3A_89 = arith.addf %add3A_63, %select_n3A_88 : vector<1024x1xf32>
    %sub3A_90 = arith.subf %sub3A_64, %min3A_81 : vector<1024x1xf32>
    %lt3A_91 = vector.broadcast %broadcast_in_dim3A_72 : vector<1024x1xf32> to vector<1024x10xf32>
    %lt3A_92 = arith.cmpf olt, %concatenate3A, %lt3A_91 : vector<1024x10xf32>
    %jit3A_93 = arith.constant 0xFF800000 : f32
    %broadcast_in_dim3A_94 = vector.broadcast %jit3A_93 : f32 to vector<1024x10xf32>
    %select_n3A_95 = arith.select %lt3A_92, %concatenate3A, %broadcast_in_dim3A_94 : vector<1024x10xi1>, vector<1024x10xf32>
    %reduce_max3A_96 = arith.constant dense<0xFF800000> : vector<1024xf32>
    %reduce_max3A_97 = vector.multi_reduction <maximumf>, %select_n3A_95, %reduce_max3A_96 [1] : vector<1024x10xf32> to vector<1024xf32>
    %broadcast_in_dim3A_98 = vector.shape_cast %reduce_max3A_97 : vector<1024xf32> to vector<1024x1xf32>
    %eq3A_99 = vector.broadcast %broadcast_in_dim3A_98 : vector<1024x1xf32> to vector<1024x10xf32>
    %eq3A_100 = arith.cmpf oeq, %concatenate3A, %eq3A_99 : vector<1024x10xf32>
    %jit3A_101 = arith.constant 0.000000e+00 : f32
    %broadcast_in_dim3A_102 = vector.broadcast %jit3A_101 : f32 to vector<1024x10xf32>
    %select_n3A_103 = arith.select %eq3A_100, %concatenate3A_26, %broadcast_in_dim3A_102 : vector<1024x10xi1>, vector<1024x10xf32>
    %reduce_sum3A_104 = arith.constant dense<0.000000e+00> : vector<1024xf32>
    %reduce_sum3A_105 = vector.multi_reduction <add>, %select_n3A_103, %reduce_sum3A_104 [1] : vector<1024x10xf32> to vector<1024xf32>
    %broadcast_in_dim3A_106 = vector.shape_cast %reduce_sum3A_105 : vector<1024xf32> to vector<1024x1xf32>
    %min3A_107 = arith.minimumf %broadcast_in_dim3A_106, %sub3A_90 : vector<1024x1xf32>
    %gt3A_108 = arith.constant 0.000000e+00 : f32
    %gt3A_109 = vector.broadcast %gt3A_108 : f32 to vector<1024x1xf32>
    %gt3A_110 = arith.cmpf ogt, %min3A_107, %gt3A_109 : vector<1024x1xf32>
    %mul3A_111 = arith.mulf %broadcast_in_dim3A_98, %min3A_107 : vector<1024x1xf32>
    %jit3A_112 = arith.constant 0.000000e+00 : f32
    %broadcast_in_dim3A_113 = vector.broadcast %jit3A_112 : f32 to vector<1024x1xf32>
    %select_n3A_114 = arith.select %gt3A_110, %mul3A_111, %broadcast_in_dim3A_113 : vector<1024x1xi1>, vector<1024x1xf32>
    %add3A_115 = arith.addf %add3A_89, %select_n3A_114 : vector<1024x1xf32>
    %sub3A_116 = arith.subf %sub3A_90, %min3A_107 : vector<1024x1xf32>
    %lt3A_117 = vector.broadcast %broadcast_in_dim3A_98 : vector<1024x1xf32> to vector<1024x10xf32>
    %lt3A_118 = arith.cmpf olt, %concatenate3A, %lt3A_117 : vector<1024x10xf32>
    %jit3A_119 = arith.constant 0xFF800000 : f32
    %broadcast_in_dim3A_120 = vector.broadcast %jit3A_119 : f32 to vector<1024x10xf32>
    %select_n3A_121 = arith.select %lt3A_118, %concatenate3A, %broadcast_in_dim3A_120 : vector<1024x10xi1>, vector<1024x10xf32>
    %reduce_max3A_122 = arith.constant dense<0xFF800000> : vector<1024xf32>
    %reduce_max3A_123 = vector.multi_reduction <maximumf>, %select_n3A_121, %reduce_max3A_122 [1] : vector<1024x10xf32> to vector<1024xf32>
    %broadcast_in_dim3A_124 = vector.shape_cast %reduce_max3A_123 : vector<1024xf32> to vector<1024x1xf32>
    %eq3A_125 = vector.broadcast %broadcast_in_dim3A_124 : vector<1024x1xf32> to vector<1024x10xf32>
    %eq3A_126 = arith.cmpf oeq, %concatenate3A, %eq3A_125 : vector<1024x10xf32>
    %jit3A_127 = arith.constant 0.000000e+00 : f32
    %broadcast_in_dim3A_128 = vector.broadcast %jit3A_127 : f32 to vector<1024x10xf32>
    %select_n3A_129 = arith.select %eq3A_126, %concatenate3A_26, %broadcast_in_dim3A_128 : vector<1024x10xi1>, vector<1024x10xf32>
    %reduce_sum3A_130 = arith.constant dense<0.000000e+00> : vector<1024xf32>
    %reduce_sum3A_131 = vector.multi_reduction <add>, %select_n3A_129, %reduce_sum3A_130 [1] : vector<1024x10xf32> to vector<1024xf32>
    %broadcast_in_dim3A_132 = vector.shape_cast %reduce_sum3A_131 : vector<1024xf32> to vector<1024x1xf32>
    %min3A_133 = arith.minimumf %broadcast_in_dim3A_132, %sub3A_116 : vector<1024x1xf32>
    %gt3A_134 = arith.constant 0.000000e+00 : f32
    %gt3A_135 = vector.broadcast %gt3A_134 : f32 to vector<1024x1xf32>
    %gt3A_136 = arith.cmpf ogt, %min3A_133, %gt3A_135 : vector<1024x1xf32>
    %mul3A_137 = arith.mulf %broadcast_in_dim3A_124, %min3A_133 : vector<1024x1xf32>
    %jit3A_138 = arith.constant 0.000000e+00 : f32
    %broadcast_in_dim3A_139 = vector.broadcast %jit3A_138 : f32 to vector<1024x1xf32>
    %select_n3A_140 = arith.select %gt3A_136, %mul3A_137, %broadcast_in_dim3A_139 : vector<1024x1xi1>, vector<1024x1xf32>
    %add3A_141 = arith.addf %add3A_115, %select_n3A_140 : vector<1024x1xf32>
    %sub3A_142 = arith.subf %log3A, %add3A_25 : vector<1024x1xf32>
    %div3A = arith.constant 5.000000e+00 : f32
    %div3A_143 = vector.broadcast %div3A : f32 to vector<1024x1xf32>
    %div3A_144 = arith.divf %add3A_141, %div3A_143 : vector<1024x1xf32>
    %sub3A_145 = arith.subf %log3A, %div3A_144 : vector<1024x1xf32>
    %mul3A_146 = arith.constant 5.000000e-01 : f32
    %mul3A_147 = vector.broadcast %mul3A_146 : f32 to vector<1024x1xf32>
    %mul3A_148 = arith.mulf %sub3A_145, %mul3A_147 : vector<1024x1xf32>
    %mul3A_149 = arith.constant 5.000000e-01 : f32
    %mul3A_150 = vector.broadcast %mul3A_149 : f32 to vector<1024x1xf32>
    %mul3A_151 = arith.mulf %mul3A_150, %sub3A_142 : vector<1024x1xf32>
    %add3A_152 = arith.addf %mul3A_148, %mul3A_151 : vector<1024x1xf32>
    %get3A_153 = arith.constant 0 : index
    %get3A_154 = arith.constant 0 : index
    %get3A_155 = vector.load %arg0[%get3A_153, %get3A_154] : memref<1024x1xi32, #tpu.memory_space<vmem>>, vector<1024x1xi32>
    %eq3A_156 = arith.cmpi eq, %select_n3A, %get3A_155 : vector<1024x1xi32>
    %convert_element_type3A_157 = arith.extui %eq3A_156 : vector<1024x1xi1> to vector<1024x1xi32>
    %convert_element_type3A_158 = arith.sitofp %convert_element_type3A_157 : vector<1024x1xi32> to vector<1024x1xf32>
    %reduce_sum3A_159 = vector.shape_cast %convert_element_type3A_158 : vector<1024x1xf32> to vector<1x1024x1xf32>
    %reduce_sum3A_160 = arith.constant dense<0.000000e+00> : vector<1xf32>
    %reduce_sum3A_161 = vector.multi_reduction <add>, %reduce_sum3A_159, %reduce_sum3A_160 [1, 2] : vector<1x1024x1xf32> to vector<1xf32>
    %reduce_sum3A_162 = vector.shape_cast %reduce_sum3A_161 : vector<1xf32> to vector<1x1x1xf32>
    %reduce_sum3A_163 = vector.extract %reduce_sum3A_162[0, 0, 0] : f32 from vector<1x1x1xf32>
    %sub3A_164 = arith.constant 1.024000e+03 : f32
    %sub3A_165 = arith.subf %sub3A_164, %reduce_sum3A_163 : f32
    %div3A_166 = arith.constant 1.024000e+03 : f32
    %div3A_167 = arith.divf %reduce_sum3A_163, %div3A_166 : f32
    %mul3A_168 = arith.constant 5.000000e-01 : f32
    %mul3A_169 = arith.mulf %mul3A_168, %div3A_167 : f32
    %div3A_170 = arith.constant 1.024000e+03 : f32
    %div3A_171 = arith.divf %sub3A_165, %div3A_170 : f32
    %mul3A_172 = arith.constant 5.000000e-01 : f32
    %mul3A_173 = arith.mulf %mul3A_172, %div3A_171 : f32
    %add3A_174 = arith.addf %mul3A_169, %mul3A_173 : f32
    %div3A_175 = arith.divf %mul3A_169, %add3A_174 : f32
    %div3A_176 = arith.divf %mul3A_173, %add3A_174 : f32
    %mul3A_177 = arith.mulf %convert_element_type3A_158, %sub3A_142 : vector<1024x1xf32>
    %reduce_sum3A_178 = vector.shape_cast %mul3A_177 : vector<1024x1xf32> to vector<1x1024x1xf32>
    %reduce_sum3A_179 = arith.constant dense<0.000000e+00> : vector<1xf32>
    %reduce_sum3A_180 = vector.multi_reduction <add>, %reduce_sum3A_178, %reduce_sum3A_179 [1, 2] : vector<1x1024x1xf32> to vector<1xf32>
    %reduce_sum3A_181 = vector.shape_cast %reduce_sum3A_180 : vector<1xf32> to vector<1x1x1xf32>
    %reduce_sum3A_182 = vector.extract %reduce_sum3A_181[0, 0, 0] : f32 from vector<1x1x1xf32>
    %mul3A_183 = arith.mulf %reduce_sum3A_182, %div3A_176 : f32
    %max3A_184 = arith.constant 1.000000e+00 : f32
    %max3A_185 = arith.maximumf %reduce_sum3A_163, %max3A_184 : f32
    %div3A_186 = arith.divf %mul3A_183, %max3A_185 : f32
    %sub3A_187 = arith.constant 1.000000e+00 : f32
    %sub3A_188 = vector.broadcast %sub3A_187 : f32 to vector<1024x1xf32>
    %sub3A_189 = arith.subf %sub3A_188, %convert_element_type3A_158 : vector<1024x1xf32>
    %mul3A_190 = arith.mulf %sub3A_189, %add3A_152 : vector<1024x1xf32>
    %reduce_sum3A_191 = vector.shape_cast %mul3A_190 : vector<1024x1xf32> to vector<1x1024x1xf32>
    %reduce_sum3A_192 = arith.constant dense<0.000000e+00> : vector<1xf32>
    %reduce_sum3A_193 = vector.multi_reduction <add>, %reduce_sum3A_191, %reduce_sum3A_192 [1, 2] : vector<1x1024x1xf32> to vector<1xf32>
    %reduce_sum3A_194 = vector.shape_cast %reduce_sum3A_193 : vector<1xf32> to vector<1x1x1xf32>
    %reduce_sum3A_195 = vector.extract %reduce_sum3A_194[0, 0, 0] : f32 from vector<1x1x1xf32>
    %mul3A_196 = arith.mulf %reduce_sum3A_195, %div3A_175 : f32
    %max3A_197 = arith.constant 1.000000e+00 : f32
    %max3A_198 = arith.maximumf %sub3A_165, %max3A_197 : f32
    %div3A_199 = arith.divf %mul3A_196, %max3A_198 : f32
    %add3A_200 = arith.addf %div3A_186, %div3A_199 : f32
    %reshape3A = vector.broadcast %add3A_200 : f32 to vector<1x1xf32>
    %swap3A = arith.constant 0 : index
    %swap3A_201 = arith.constant 0 : index
    %swap3A_202 = vector.load %arg8[%swap3A, %swap3A_201] : memref<1x1xf32, #tpu.memory_space<vmem>>, vector<1x1xf32>
    tpu.vector_store %arg8[%swap3A, %swap3A_201], %reshape3A {strides = array<i32>} : memref<1x1xf32, #tpu.memory_space<vmem>>, vector<1x1xf32>,
    return
  }
}

</mosaic_0001>

<sc_bundles>
// kernel: kernel.5.cloned.1.call-start
scs
__scs_entry_jumppad:
0x0: {  	(pc) =	sbr.rel $0x88, $3  }
0x1: {  	(tag) =	ssettag $0x0;
	lr =	simm.s32 $0x1  }
0x2: {  	[smem:$0x3F9F] =	sst lr;
	_ =	strace $0xD0000000  }
0x3: {  	_ = 	snop  }
0x4: {  	_ = 	snop  }
0x5: {  	_ = 	snop  }
0x6: {  	_ = 	snop  }
0x7: {  	_ = 	snop  }
__scs_overlays_trampoline_lowered:
0x8: {  	[smem:$0x3FAE] =	sst s0  }
0x9: {  	[smem:$0x3FAF] =	sst s1  }
0xa: {  	[smem:$0x3FB0] =	sst s2  }
0xb: {  	[smem:$0x3FB1] =	sst s3  }
0xc: {  	[smem:$0x3FB2] =	sst s4  }
0xd: {  	[smem:$0x3FB3] =	sst s5  }
0xe: {  	[smem:$0x3FB4] =	sst s6  }
0xf: {  	[smem:$0x3FB5] =	sst s7  }
0x10: {  	[smem:$0x3FB6] =	sst s8  }
0x11: {  	[smem:$0x3FB7] =	sst s9;
	s0 =	simm.s32 @!p0 $0x0  }
0x12: {  	s1 =	sld [smem:$0x3F9D];
	s0 =	simm.s32 @p0 $0x1  }
0x13: {  	[smem:$0x3FB8] =	sst s0;
	s0 =	simm.s32 @!p1 $0x0  }
0x14: {  	s2 =	sld [smem:$0x3F9C];
	s0 =	simm.s32 @p1 $0x1  }
0x15: {  	[smem:$0x3FB9] =	sst s0;
	s0 =	simm.s32 @!p2 $0x0  }
0x16: {  	s3 =	sld [smem:$0x3FDB];
	s0 =	simm.s32 @p2 $0x1  }
0x17: {  	s4 =	simm.s32 $0x1BF5;
	[smem:$0x3FBB] =	sst s0  }
0x18: {  	s0 =	sld [smem:$0x3F9E];
	_ =	swait.ge [sflag:s4], $0x0  }
0x19: {  	s7 =	sld [smem:$0x3F9F]  }
0x1a: {  	s8 =	sadd.s32 $0xFFFFE003, lr  }
0x1b: {  	s9 =	sadd.s32 $0xFFFFFEF7, lr;
	s5 =	simm.s32 $0xFFFFFFFF;
	p2 =	slt.u32 s8, $0xFFFFF086  }
0x1c: {  	p1 =	slt.u32 s9, $0xF7A;
	s5 =	simm.s32 @!p2 $0x0  }
0x1d: {  	s5 =	simm.s32 @p1 $0x1;
	p0 =	seq.s32 s7, s2  }
0x1e: {  	s7 =	smul.u32 @!p0 $0xF7A, s2;
	p2 =	seq.s32 @!p0 s5, $0x0  }
0x1f: {  	s9 =	smul.u32 $0xF7A, s1;
	s8 =	simm.s32 @!p0 $0x1BF5;
	p2 =	por !p2, p0  }
0x20: {  	[sflag:s8] =	ssyncset.s32 @!p0 $0xFFFFF086;
	s6 =	sadd.s32 @!p0 s3, s7;
	s7 =	simm.s32 @!p0 $0x108  }
0x21: {  	s3 =	sadd.s32 s3, s9;
	s6 =	sadd.s32 @!p0 $0x88, s6;
	s7 =	simm.s32 @p2 $0x1082  }
0x22: {  	[simem:s7], [sflag:s8] =	dma.local @!p0 [hbm:s6], $0xF7A  }
0x23: {  	s9 =	sor.u32 $0xD0000000, s2;
	s6 =	simm.s32 $0x108;
	_ =	swait.ge @!p0 [sflag:s8], $0x0  }
0x24: {  	s3 =	sadd.s32 $0x88, s3;
	s6 =	simm.s32 @!p1 $0x1082;
	[sflag:s4] =	ssyncset.s32 $0xFFFFF086  }
0x25: {  	[simem:s6], [sflag:s4] =	dma.local [hbm:s3], $0xF7A  }
0x26: {  	[smem:$0x3F9F] =	sst s1;
	(tag) =	ssettag s2;
	_ =	strace s9  }
0x27: {  	s1 =	sld [smem:$0x3FAF]  }
0x28: {  	s2 =	sld [smem:$0x3FB0]  }
0x29: {  	s4 =	sld [smem:$0x3FB2]  }
0x2a: {  	p0 =	seq.s32 s5, $0x0;
	s5 =	sld [smem:$0x3FB3]  }
0x2b: {  	s6 =	sld [smem:$0x3FB4]  }
0x2c: {  	s7 =	sld [smem:$0x3FB5]  }
0x2d: {  	s3 =	simm.s32 $0x108;
	s8 =	sld [smem:$0x3FB6]  }
0x2e: {  	s3 =	simm.s32 @!p0 $0x1082;
	s9 =	sld [smem:$0x3FB7]  }
0x2f: {  	lr =	sadd.s32 s0, s3;
	s0 =	sld [smem:$0x3FAE]  }
0x30: {  	s3 =	sld [smem:$0x3FB1]  }
0x31: {  	[smem:$0x3FBA] =	sst s10  }
0x32: {  	s10 =	sld [smem:$0x3FB8];
	_ =	sdelay $0x3  }
0x33: {  	p0 =	seq.s32 s10, $0x1;
	s10 =	sld [smem:$0x3FBA];
	_ =	sdelay $0x3  }
0x34: {  	[smem:$0x3FBA] =	sst s10  }
0x35: {  	s10 =	sld [smem:$0x3FB9];
	_ =	sdelay $0x3  }
0x36: {  	p1 =	seq.s32 s10, $0x1;
	s10 =	sld [smem:$0x3FBA];
	_ =	sdelay $0x3  }
0x37: {  	[smem:$0x3FBA] =	sst s10  }
0x38: {  	s10 =	sld [smem:$0x3FBB]  }
0x39: {  	_ = 	snop;
	(pc) =	sbr.ind lr, $3  }
0x3a: {  	_ = 	snop  }
0x3b: {  	_ = 	snop  }
0x3c: {  	p2 =	seq.s32 s10, $0x1;
	s10 =	sld [smem:$0x3FBA]  }
0x3d: {  	_ =	shalt  }
0x3e: {  	_ =	shalt  }
0x3f: {  	_ =	shalt  }
0x40: {  	_ =	shalt  }
0x41: {  	_ =	shalt  }
0x42: {  	_ =	shalt  }
0x43: {  	_ =	shalt  }
0x44: {  	_ =	shalt  }
0x45: {  	_ =	shalt  }
0x46: {  	_ =	shalt  }
0x47: {  	_ =	shalt  }
0x48: {  	_ =	shalt  }
0x49: {  	_ =	shalt  }
0x4a: {  	_ =	shalt  }
0x4b: {  	_ =	shalt  }
0x4c: {  	_ =	shalt  }
0x4d: {  	_ =	shalt  }
0x4e: {  	_ =	shalt  }
0x4f: {  	_ =	shalt  }
0x50: {  	_ =	shalt  }
0x51: {  	_ =	shalt  }
0x52: {  	_ =	shalt  }
0x53: {  	_ =	shalt  }
0x54: {  	_ =	shalt  }
0x55: {  	_ =	shalt  }
0x56: {  	_ =	shalt  }
0x57: {  	_ =	shalt  }
0x58: {  	_ =	shalt  }
0x59: {  	_ =	shalt  }
0x5a: {  	_ =	shalt  }
0x5b: {  	_ =	shalt  }
0x5c: {  	_ =	shalt  }
0x5d: {  	_ =	shalt  }
0x5e: {  	_ =	shalt  }
0x5f: {  	_ =	shalt  }
0x60: {  	_ =	shalt  }
0x61: {  	_ =	shalt  }
0x62: {  	_ =	shalt  }
0x63: {  	_ =	shalt  }
0x64: {  	_ =	shalt  }
0x65: {  	_ =	shalt  }
0x66: {  	_ =	shalt  }
0x67: {  	_ =	shalt  }
0x68: {  	_ =	shalt  }
0x69: {  	_ =	shalt  }
0x6a: {  	_ =	shalt  }
0x6b: {  	_ =	shalt  }
0x6c: {  	_ =	shalt  }
0x6d: {  	_ =	shalt  }
0x6e: {  	_ =	shalt  }
0x6f: {  	_ =	shalt  }
0x70: {  	_ =	shalt  }
0x71: {  	_ =	shalt  }
0x72: {  	_ =	shalt  }
0x73: {  	_ =	shalt  }
0x74: {  	_ =	shalt  }
0x75: {  	_ =	shalt  }
0x76: {  	_ =	shalt  }
0x77: {  	_ =	shalt  }
0x78: {  	_ =	shalt  }
0x79: {  	_ =	shalt  }
0x7a: {  	_ =	shalt  }
0x7b: {  	_ =	shalt  }
0x7c: {  	_ =	shalt  }
0x7d: {  	_ =	shalt  }
0x7e: {  	_ =	shalt  }
0x7f: {  	_ =	shalt  }
0x80: {  	_ =	shalt  }
0x81: {  	_ =	shalt  }
0x82: {  	_ =	shalt  }
0x83: {  	_ =	shalt  }
0x84: {  	_ =	shalt  }
0x85: {  	_ =	shalt  }
0x86: {  	_ =	shalt  }
0x87: {  	_ =	shalt  }
.Lfunc_end0:
.L_simem_size_0:
called_computation_lowered:
.L_overlay_start_0:
0x88: {  	s2 =	sld [smem:$0x3FD9]  }
0x89: {  	s3 =	sld [smem:$0x3FFE];
	_ =	sdelay $0x1  }
0x8a: {  	s1 =	srdreg.scid  }
0x8b: {  	s0 =	sand.u32 $0x1, s1  }
0x8c: {  	s17 =	sshll.u32 s0, $0xA;
	s2 =	sadd.s32 s3, s2  }
0x8d: {  	s2 =	sadd.s32 s2, s17  }
0x8e: {  	[smem:$0x3FC6] =	sst s2  }
0x8f: {  	_ = 	snop  }
0x90: {  	s2 =	sld [smem:$0x3FC8];
	(tm) =	ssettm $0x1  }
0x91: {  	s18 =	sld [smem:$0x3FFB];
	_ =	sdelay $0x3  }
0x92: {  	_ =	strace s18  }
0x93: {  	s3 =	sld [smem:$0x3FFC];
	_ =	sdelay $0x3  }
0x94: {  	_ =	strace s3  }
0x95: {  	s3 =	sld [smem:$0x3FFD];
	_ =	sdelay $0x3  }
0x96: {  	_ =	strace s3  }
0x97: {  	_ =	strace $0x8FFFFFFF  }
0x98: {  	s19 =	sld [smem:$0x3FDB];
	_ =	sdelay $0x1  }
0x99: {  	s4 =	simm.s32 $_scs_section_size  }
0x9a: {  	s5 =	simm.s32 $_size__tile_overlayer_lowered;
	s6 =	simm.s32 $_tile_overlayer_lowered  }
0x9b: {  	s22 =	simm.s32 $0x1BFF;
	s21 =	sshll.u32 s6, $0x1;
	s3 =	sadd.s32 s4, s19  }
0x9c: {  	s7 =	simm.s32 $0x0;
	s20 =	sshll.u32 s5, $0x1;
	s5 =	sadd.s32 s21, s3  }
0x9d: {  	[timem:s7], [sflag:s22] =	dma.local [hbm:s5], s20  }
0x9e: {  	_ =	swait.ge [sflag:s22], s20  }
0x9f: {  	s4 =	ssub.s32 $0x0, s20;
	[sflag:s22] =	ssyncset.done $0x0  }
0xa0: {  	[sflag:s22] =	ssyncadd.s32 s4;
	_ =	sdelay $0x1  }
0xa1: {  	s23 =	simm.s32 $0x1B8B  }
0xa2: {  	_ =	swait.ge [sflag:s23], $0x1  }
0xa3: {  	[sflag:s23] =	ssyncset.done $0x0  }
0xa4: {  	s25 =	simm.s32 $0x1B8E;
	s24 =	sld [smem:$0x3FFE];
	[sflag:s23] =	ssyncadd.s32 $0xFFFFFFFF  }
0xa5: {  	s26 =	simm.s32 $execute0_lowered;
	[smem:$0x3FD2] =	sst s25  }
0xa6: {  	s5 =	sshll.u32 s26, $0x1;
	_ =	strace $0x80000046;
	[dreg:$0x1] =	wrdreg $0xFFFFFFFF  }
0xa7: {  	s28 =	simm.s32 $_size_execute0_lowered;
	s3 =	sadd.s32 s3, s5;
	[dreg:$0x0] =	wrdreg $0x0  }
0xa8: {  	s5 =	sshll.u32 s28, $0x1;
	[dreg:$0x2] =	wrdreg s3  }
0xa9: {  	[dreg:$0x3] =	wrdreg s5  }
0xaa: {  	[dreg:$0x4] =	wrdreg $0xC0  }
0xab: {  	_ =	task [dreg:s7], $0x5FFFF  }
0xac: {  	[dreg:$0x1] =	wrdreg $0xFFFFFFFF  }
0xad: {  	[dreg:$0x0] =	wrdreg $0x60  }
0xae: {  	[dreg:$0x2] =	wrdreg s24  }
0xaf: {  	[dreg:$0x3] =	wrdreg s2  }
0xb0: {  	[dreg:$0x4] =	wrdreg $0x9  }
0xb1: {  	_ =	task.clear_ibuf [dreg:s7], $0x5FFFF;
	_ =	strace $0x90000046  }
0xb2: {  	s29 =	simm.s32 $0x9;
	_ =	strace $0x80000048  }
0xb3: {  	_ =	swait.ge [sflag:s29], $0x1  }
0xb4: {  	[sflag:s29] =	ssyncadd.s32 $0xFFFFFFFF  }
0xb5: {  	_ =	strace $0x90000048  }
0xb6: {  	_ =	sfence  }
0xb7: {  	s30 =	sld [smem:$0x0];
	_ =	sdelay $0x2  }
0xb8: {  	s31 =	sshll.u32 s1, $0xD;
	s1 =	sshrl.u32 s1, $0x2  }
0xb9: {  	s3 =	sand.u32 $0x4000, s31;
	s1 =	sadd.s32 s1, s30  }
0xba: {  	s0 =	sor.u32 s3, s0;
	s1 =	sshll.u32 s1, $0x11  }
0xbb: {  	s0 =	sor.u32 s1, s0  }
0xbc: {  	s0 =	sadd.s32 $0x8F2B, s0  }
0xbd: {  	[sflag:s0] =	ssyncadd.remote.s32 $0x1  }
0xbe: {  	_ =	sfence.sel $0xFFFF  }
0xbf: {  	[dreg:$0x0] =	wrdreg $0xFFFFFFFF;
	(pc) =	sbr.abs _section_cstart, $3  }
0xc0: {  	[dreg:$0x1] =	wrdreg $0xFFFFFFFF  }
0xc1: {  	_ =	task.clear_ibuf [dreg:s7], $0x2FFFF;
	_ =	strace $0x9FFFFFFF  }
0xc2: {  	(tm) =	ssettm $0x7FFFFFFF  }
0xc3: {  	_ =	shalt  }
tec
execute0_lowered:
.L_overlay_start_1:
0x0: {  	(tag) =	ssettag $0x1  }
0x1: {  	v2 =	vimm.f32 $1.500000000e+01;
	vm4 =	vcmask $0x300;
	vm0 =	vcmask $0x704  }
0x2: {  	vm1 =	vcmask $0xB08;
	vm2 =	vcmask $0xF0C;
	vm3 =	vcmask $0x1310  }
0x3: {  	vm5 =	vcmask $0x1714;
	vm6 =	vcmask $0x1B18;
	v5 =	vimm.f32 $-9.998300000e+04  }
0x4: {  	vm7 =	vcmask $0x1F1C;
	v6 =	vimm.f32 $-9.999900000e+04;
	vm8 =	vcmask $0x2320  }
0x5: {  	s0 =	srdreg.scid;
	s1 =	stileid.u32;
	vm9 =	vcmask $0x2724;
	vm15 =	vcmask $0x3B38;
	v2 =	vsel vm4, $0x0, v2  }
0x6: {  	s2 =	sand.u32 $0x1, s0;
	s28 =	sshll.u32 s1, $0x1;
	v5 =	vsel vm4, $0xC7C34000, v5;
	v6 =	vsel vm4, $0xC7C34800, v6;
	vm4 =	vcmask $0x2B28  }
0x7: {  	s5 =	sor.u32 s2, s28;
	v2 =	vsel vm0, $0x3F800000, v2;
	v5 =	vsel vm0, $0xC7C34080, v5;
	v6 =	vsel vm0, $0xC7C34880, v6  }
0x8: {  	s1 =	sshll.u32 s5, $0x5;
	v2 =	vsel vm1, $0x40000000, v2;
	v5 =	vsel vm1, $0xC7C34100, v5;
	v6 =	vsel vm1, $0xC7C34900, v6  }
0x9: {  	v0 =	vmov s1;
	s4 =	sor.u32 $0x10, s1;
	v2 =	vsel vm2, $0x40400000, v2;
	v5 =	vsel vm2, $0xC7C34180, v5  }
0xa: {  	v6 =	vsel vm2, $0xC7C34980, v6;
	v0 =	vmul.u32 $0x186A0, v0;
	v4 =	vmov s4  }
0xb: {  	v2 =	vsel vm3, $0x40800000, v2;
	v5 =	vsel vm3, $0xC7C34200, v5;
	v6 =	vsel vm3, $0xC7C34A00, v6  }
0xc: {  	v4 =	vmul.u32 $0x186A0, v4;
	v2 =	vsel vm5, $0x40A00000, v2;
	v5 =	vsel vm5, $0xC7C34280, v5  }
0xd: {  	s6 =	rddreg [dreg:$0x0];
	s3 =	simm.s32 $0x0;
	v6 =	vsel vm5, $0xC7C34A80, v6;
	vm5 =	vcmask $0x2F2C;
	v1 =	vbroadcast v0, $0x0  }
0xe: {  	[smem:$0x7FF] =	sst s3;
	v0 =	vlaneseq.u32;
	v2 =	vsel vm6, $0x40C00000, v2;
	v5 =	vsel vm6, $0xC7C34300, v5  }
0xf: {  	s29 =	rddreg [dreg:$0x1];
	_ =	strace $0x80000047;
	v6 =	vsel vm6, $0xC7C34B00, v6;
	vm6 =	vcmask $0x3330;
	v3 =	vmul.u32 $0x186A0, v0  }
0x10: {  	s4 =	sadd.s32 $0xC38C00, s6;
	v4 =	vbroadcast v4, $0x0;
	v2 =	vsel vm7, $0x40E00000, v2;
	v5 =	vsel vm7, $0xC7C34380, v5  }
0x11: {  	s7 =	sshll.u32 s5, $0x6;
	v6 =	vsel vm7, $0xC7C34B80, v6;
	vm7 =	vcmask $0x3734;
	v5 =	vsel vm8, $0xC7C34400, v5  }
0x12: {  	s7 =	sadd.s32 s7, s6;
	v2 =	vsel vm8, $0x41000000, v2;
	v6 =	vsel vm8, $0xC7C34C00, v6;
	v5 =	vsel vm9, $0xC7C34480, v5  }
0x13: {  	s7 =	sadd.s32 $0x186DE00, s7;
	v1 =	vadd.s32 v3, v1;
	v2 =	vsel vm9, $0x41100000, v2;
	v5 =	vsel vm4, $0xC7C34500, v5  }
0x14: {  	s2 =	ssub.s32 $0x2, s2;
	s5 =	sshll.u32 s5, $0x2;
	v6 =	vsel vm9, $0xC7C34C80, v6;
	v2 =	vsel vm4, $0x41200000, v2;
	v5 =	vsel vm5, $0xC7C34580, v5  }
0x15: {  	s30 =	sshrl.u32 s2, $0x1;
	s0 =	sadd.s32 s29, s5;
	v6 =	vsel vm4, $0xC7C34D00, v6;
	v2 =	vsel vm5, $0x41300000, v2;
	v5 =	vsel vm6, $0xC7C34600, v5  }
0x16: {  	s2 =	ssub.s32 s2, s30;
	[dreg:$0x5] =	wrdreg s0;
	v6 =	vsel vm5, $0xC7C34D80, v6;
	v2 =	vsel vm6, $0x41400000, v2;
	v5 =	vsel vm7, $0xC7C34680, v5  }
0x17: {  	s6 =	sadd.s32 s5, s6;
	s31 =	smax.u32 s2, $0x1;
	[dreg:$0x3] =	wrdreg s7;
	v7 =	vsel vm7, $0x41500000, v2;
	v2 =	vsel vm15, $0xC7C34700, v5;
	v5 =	vsel vm6, $0xC7C34E00, v6  }
0x18: {  	s6 =	sadd.s32 $0x186DC00, s6;
	[dreg:$0x6] =	wrdreg s31;
	v3 =	vadd.s32 v3, v4;
	vm5 =	vmmov $0x1;
	v5 =	vsel vm7, $0xC7C34E80, v5  }
0x19: {  	s9 =	simm.s32 $0x2;
	s2 =	simm.s32 $0x0;
	[dreg:$0x4] =	wrdreg s6;
	v4 =	vsel vm15, $0x41600000, v7;
	v6 =	vimm.f32 $0.0e+00;
	v5 =	vsel vm15, $0xC7C34F00, v5  }
.LBB2_1:
0x1a: {  	[dreg:$0x7] =	wrdreg s2;
	s16 =	simm.s32 $0x0  }
.LBB2_2:
0x1b: {  	s0 =	sor.u32 s1, s16  }
0x1c: {  	s0 =	smul.u32 $0x186A0, s0;
	_ =	sdelay $0x1  }
0x1d: {  	s0 =	sshrl.u32 s0, $0x3  }
0x1e: {  	s0 =	sadd.s32 s4, s0  }
0x1f: {  	s5 =	simm.s32 $0x0;
	s2 =	sadd.s32 $0x2CD0, s0  }
0x20: {  	[tilespmem:s5], [sflag:$0x2] =	stream.linear.gather [hbm4b:s2+s5], $0x2000, $0x38;
	[tilespmem:$0x2380] =	vst v63  }
0x21: {  	_ =	swait.ge [sflag:s9], $0x2000  }
0x22: {  	[sflag:s9] =	ssyncset.done $0x0  }
0x23: {  	[sflag:s9] =	ssyncadd.s32 $0xFFFFE000  }
0x24: {  	v9 =	vld [tilespmem:s5+$0x0];
	_ =	sdelay $0x3  }
0x25: {  	s30 =	simm.s32 $0x10  }
0x26: {  	v11 =	vimm.f32 $-Inf;
	v7 =	vld [tilespmem:s30+$0x0];
	v12 =	vmul.f32 $1.442695020e+00, v9  }
0x27: {  	v8 =	vimm.f32 $0.0e+00;
	s31 =	scvt.s32.f32 s5;
	v10 =	vmax.f32 v11, v9;
	v13 =	vmin.f32 v11, v9  }
0x28: {  	vm6 =	vgt.f32 v9, v11;
	v9 =	vmin.f32 v11, v13;
	(erf) = vpow2.f32 v12  }
0x29: {  	v13 =	vmax.f32 v11, v13;
	v12 =	vsel vm6, s31, v8;
	v14 =	vmin.f32 v11, v9  }
0x2a: {  	v16 =	vmax.f32 v11, v9;
	v9 =	vmin.f32 v11, v14;
	v14 =	vmax.f32 v11, v14  }
0x2b: {  	s10 =	simm.s32 $0x20;
	s2 =	simm.s32 $0x1;
	s5 =	simm.s32 $0x2;
	v15 =	vmax.f32 v11, v9;
	v11 =	vmax.f32 v10, v7;
	v9 =	vmul.f32 $1.442695020e+00, v7  }
.LBB2_3:
0x2c: {  	p0 =	sne.s32 s5, $0x1FF  }
0x2d: {  	vm6 =	vgt.f32 v7, v10;
	s11 =	scvt.s32.f32 s2;
	v17 =	vmin.f32 v10, v7;
	v7 =	vld [tilespmem:s10+$0x0];
	v10 =	vmov v11;
	s2 =	smov.u32 s5;
	s5 =	sadd.s32 $0x1, s5  }
.Ltmp0:
0x2e: {  	v18 =	vmin.f32 v13, v17;
	v13 =	vmax.f32 v13, v17;
	(erf) = vpow2.f32 v9;
	(pc) =	sbr.rel @p0 .LBB2_3-.Ltmp0, $4  }
0x2f: {  	v12 =	vsel vm6, s11, v12;
	v9 =	vmin.f32 v16, v18;
	v16 =	vmax.f32 v16, v18  }
0x30: {  	v18 =	vmin.f32 v14, v9;
	v14 =	vmax.f32 v14, v9  }
0x31: {  	v15 =	vmax.f32 v15, v18;
	v17 =	vpop (erf)  }
0x32: {  	s10 =	sadd.s32 $0x10, s10;
	v11 =	vmax.f32 v11, v7;
	v9 =	vmul.f32 $1.442695020e+00, v7;
	v8 =	vadd.f32 v17, v8  }
0x33: {  	_ = 	snop  }
0x34: {  	(erf) = vpow2.f32 v9;
	_ =	sdelay $0x7  }
0x35: {  	s0 =	sadd.s32 $0x30D0, s0;
	v17 =	vpop (erf)  }
0x36: {  	[tilespmem:s3], [sflag:$0x2] =	stream.linear.gather [hbm4b:s0+s3], $0x20, $0x38;
	v18 =	vpop (erf);
	[tilespmem:$0x2380] =	vst v63  }
0x37: {  	_ =	swait.ge [sflag:s9], $0x20  }
0x38: {  	[sflag:s9] =	ssyncset.done $0x0  }
0x39: {  	[sflag:s9] =	ssyncadd.s32 $0xFFFFFFE0  }
0x3a: {  	v19 =	vld [tilespmem:$0x0];
	_ =	sdelay $0x1  }
0x3b: {  	v20 =	vld [tilespmem:$0x10];
	_ =	sdelay $0x2  }
0x3c: {  	v52 =	vmul.f32 $1.442695020e+00, v19;
	_ =	sdelay $0x1  }
0x3d: {  	v53 =	vmul.f32 $1.442695020e+00, v20;
	(erf) = vpow2.f32 v52;
	_ =	sdelay $0x1  }
0x3e: {  	s28 =	scvt.s32.f32 s2;
	v21 =	vmax.f32 v11, v19;
	(erf) = vpow2.f32 v53  }
0x3f: {  	vm6 =	vgt.f32 v7, v10;
	v9 =	vmax.f32 v21, v20  }
0x40: {  	v12 =	vsel vm6, s28, v12;
	(xrf0) =	vmax.scan.msk.f32 $0xffff, v9  }
0x41: {  	v22 =	vmin.f32 v10, v7;
	v12 =	vmul.f32 $1.600000000e+01, v12  }
0x42: {  	v54 =	vmin.f32 v13, v22;
	v8 =	vadd.f32 v17, v8  }
0x43: {  	v7 =	vmax.f32 v13, v22;
	v55 =	vmin.f32 v16, v54;
	v12 =	vadd.f32 v4, v12  }
0x44: {  	v56 =	vmax.f32 v16, v54;
	v57 =	vmin.f32 v14, v55;
	v8 =	vadd.f32 v18, v8  }
0x45: {  	v10 =	vmax.f32 v14, v55;
	v12 =	vadd.f32 $9.177600000e+04, v12;
	v59 =	vmin.f32 v11, v19;
	v58 =	vpop (erf)  }
0x46: {  	v60 =	vmin.f32 v7, v59;
	v16 =	vmax.f32 v7, v59;
	v7, _, _ =	vpop (xrf0);
	v8 =	vadd.f32 v58, v8  }
0x47: {  	v15 =	vmax.f32 v15, v57;
	v63 =	vsub.f32 $0.0e+00, v12;
	vm6 =	vgt.f32 v19, v11;
	v61 =	vpop (erf)  }
0x48: {  	vm8 =	vgt.f32 v20, v21;
	v7 =	vbroadcast v7, $0xF;
	v8 =	vadd.f32 v61, v8  }
0x49: {  	v19 =	vsel vm6, v2, v63;
	v17 =	vmin.f32 v56, v60;
	v13 =	vmax.f32 v56, v60  }
0x4a: {  	v62 =	vmin.f32 v10, v17;
	vm7 =	veq.f32 v9, v7;
	(xrf2) =	vadd.scan.msk.f32 $0xffff, v8;
	v8 =	vmin.f32 v21, v20  }
0x4b: {  	v17 =	vmax.f32 v10, v17;
	v18 =	vsel vm7, $0x3F800000, v6;
	v10 =	vmax.f32 v16, v8  }
0x4c: {  	v14 =	vmax.f32 v15, v62;
	v8 =	vmin.f32 v16, v8;
	(xrf2) =	vadd.scan.msk.f32 $0xffff, v18;
	vm6 =	veq.f32 v10, v7  }
0x4d: {  	v20 =	vsel vm8, v5, v19;
	v11 =	vmax.f32 v13, v8;
	v21 =	vsel vm6, $0x3F800000, v6  }
0x4e: {  	v22 =	vnsel vm7, $0xCE6E6B28, v20;
	v8 =	vmin.f32 v13, v8;
	vm6 =	veq.f32 v11, v7;
	(xrf2) =	vadd.scan.msk.f32 $0xffff, v21  }
0x4f: {  	vm7 =	vlt.f32 v9, v7;
	(xrf0) =	vmax.scan.msk.f32 $0xffff, v22;
	v12 =	vmax.f32 v17, v8;
	v23 =	vsel vm6, $0x3F800000, v6  }
0x50: {  	v24 =	vnsel vm7, $0xFF800000, v9;
	v8 =	vmin.f32 v17, v8;
	vm6 =	veq.f32 v12, v7;
	(xrf2) =	vadd.scan.msk.f32 $0xffff, v23  }
0x51: {  	vm7 =	vlt.f32 v10, v7;
	(xrf0) =	vmax.scan.msk.f32 $0xffff, v24;
	v13 =	vmax.f32 v14, v8;
	v8 =	vsel vm6, $0x3F800000, v6  }
0x52: {  	v25 =	vnsel vm7, $0xFF800000, v10;
	vm6 =	veq.f32 v13, v7;
	(xrf2) =	vadd.scan.msk.f32 $0xffff, v8  }
0x53: {  	vm7 =	vlt.f32 v11, v7;
	(xrf0) =	vmax.scan.msk.f32 $0xffff, v25;
	v26 =	vsel vm6, $0x3F800000, v6  }
0x54: {  	v27 =	vnsel vm7, $0xFF800000, v11;
	v8, _, _ =	vpop (xrf2);
	(xrf2) =	vadd.scan.msk.f32 $0xffff, v26  }
0x55: {  	vm6 =	vlt.f32 v12, v7;
	v28, _, _ =	vpop (xrf0);
	(xrf0) =	vmax.scan.msk.f32 $0xffff, v27  }
0x56: {  	v30 =	vnsel vm6, $0xFF800000, v12;
	(v2sf) =	vpush v28, $0xF;
	v29, _, _ =	vpop (xrf2)  }
0x57: {  	vm6 =	vlt.f32 v13, v7;
	v31, _, _ =	vpop (xrf0);
	(xrf0) =	vmax.scan.msk.f32 $0xffff, v30;
	(v2sf) =	vpush v29, $0xF  }
0x58: {  	v33 =	vnsel vm6, $0xFF800000, v13;
	(v2sf) =	vpush v31, $0xF;
	v32, _, _ =	vpop (xrf2)  }
0x59: {  	v34, _, _ =	vpop (xrf0);
	(xrf0) =	vmax.scan.msk.f32 $0xffff, v33;
	(v2sf) =	vpush v32, $0xF  }
0x5a: {  	v35, _, _ =	vpop (xrf2);
	(v2sf) =	vpush v34, $0xF  }
0x5b: {  	v36, _, _ =	vpop (xrf0);
	(v2sf) =	vpush v35, $0xF  }
0x5c: {  	v37, _, _ =	vpop (xrf2);
	(v2sf) =	vpush v36, $0xF  }
0x5d: {  	v38, _, _ =	vpop (xrf0);
	(v2sf) =	vpush v37, $0xF  }
0x5e: {  	(v2sf) =	vpush v38, $0xF;
	v39, _, _ =	vpop (xrf2)  }
0x5f: {  	v40, _, _ =	vpop (xrf0);
	(v2sf) =	vpush v39, $0xF  }
0x60: {  	(v2sf) =	vpush v40, $0xF;
	_ =	sdelay $0x4  }
0x61: {  	s17 =	spop (v2sf)  }
0x62: {  	s23 =	spop (v2sf)  }
0x63: {  	s29 =	spop (v2sf)  }
0x64: {  	s21 =	spop (v2sf)  }
0x65: {  	s30 =	spop (v2sf)  }
0x66: {  	s22 =	spop (v2sf)  }
0x67: {  	s5 =	spop (v2sf)  }
0x68: {  	s19 =	spop (v2sf)  }
0x69: {  	s0 =	smax.f32 s29, s30;
	s31 =	spop (v2sf)  }
0x6a: {  	s0 =	smax.f32 s0, s5;
	s20 =	spop (v2sf)  }
0x6b: {  	s0 =	smax.f32 s0, s31;
	s6 =	spop (v2sf)  }
0x6c: {  	s18 =	smax.f32 s0, s6  }
0x6d: {  	vm6 =	veq.f32 v9, s18  }
0x6e: {  	v41 =	vsel vm6, $0x3F800000, v6  }
0x6f: {  	vm6 =	veq.f32 v10, s18;
	(xrf2) =	vadd.scan.msk.f32 $0xffff, v41  }
0x70: {  	v42 =	vsel vm6, $0x3F800000, v6  }
0x71: {  	vm6 =	veq.f32 v11, s18;
	(xrf2) =	vadd.scan.msk.f32 $0xffff, v42  }
0x72: {  	vm7 =	vlt.f32 v9, s18;
	v43 =	vsel vm6, $0x3F800000, v6  }
0x73: {  	v44 =	vnsel vm7, $0xFF800000, v9;
	vm6 =	veq.f32 v12, s18;
	(xrf2) =	vadd.scan.msk.f32 $0xffff, v43  }
0x74: {  	vm7 =	vlt.f32 v10, s18;
	(xrf0) =	vmax.scan.msk.f32 $0xffff, v44;
	v45 =	vsel vm6, $0x3F800000, v6  }
0x75: {  	v46 =	vnsel vm7, $0xFF800000, v10;
	vm6 =	veq.f32 v13, s18;
	(xrf2) =	vadd.scan.msk.f32 $0xffff, v45  }
0x76: {  	vm7 =	vlt.f32 v11, s18;
	(xrf0) =	vmax.scan.msk.f32 $0xffff, v46;
	v47 =	vsel vm6, $0x3F800000, v6  }
0x77: {  	v48 =	vnsel vm7, $0xFF800000, v11;
	(xrf2) =	vadd.scan.msk.f32 $0xffff, v47  }
0x78: {  	(xrf0) =	vmax.scan.msk.f32 $0xffff, v48;
	vm6 =	vlt.f32 v12, s18  }
0x79: {  	v50 =	vnsel vm6, $0xFF800000, v12;
	v49, _, _ =	vpop (xrf2)  }
0x7a: {  	vm6 =	vlt.f32 v13, s18;
	v51, _, _ =	vpop (xrf0);
	(xrf0) =	vmax.scan.msk.f32 $0xffff, v50;
	(v2sf) =	vpush v49, $0xF  }
0x7b: {  	v53 =	vnsel vm6, $0xFF800000, v13;
	v52, _, _ =	vpop (xrf2);
	(v2sf) =	vpush v51, $0xF  }
0x7c: {  	v54, _, _ =	vpop (xrf0);
	(xrf0) =	vmax.scan.msk.f32 $0xffff, v53;
	(v2sf) =	vpush v52, $0xF  }
0x7d: {  	v55, _, _ =	vpop (xrf2);
	(v2sf) =	vpush v54, $0xF  }
0x7e: {  	v56, _, _ =	vpop (xrf0);
	(v2sf) =	vpush v55, $0xF  }
0x7f: {  	v57, _, _ =	vpop (xrf2);
	(v2sf) =	vpush v56, $0xF  }
0x80: {  	v58, _, _ =	vpop (xrf0);
	(v2sf) =	vpush v57, $0xF  }
0x81: {  	v59, _, _ =	vpop (xrf2);
	(v2sf) =	vpush v58, $0xF  }
0x82: {  	v60, _, _ =	vpop (xrf0);
	(v2sf) =	vpush v59, $0xF  }
0x83: {  	(v2sf) =	vpush v60, $0xF;
	_ =	sdelay $0x5  }
0x84: {  	s30 =	spop (v2sf)  }
0x85: {  	s7 =	spop (v2sf)  }
0x86: {  	s29 =	spop (v2sf)  }
0x87: {  	s8 =	spop (v2sf)  }
0x88: {  	s26 =	spop (v2sf)  }
0x89: {  	s10 =	spop (v2sf)  }
0x8a: {  	s25 =	spop (v2sf)  }
0x8b: {  	s0 =	smax.f32 s7, s8;
	s11 =	spop (v2sf)  }
0x8c: {  	s0 =	smax.f32 s0, s10;
	s28 =	spop (v2sf)  }
0x8d: {  	s0 =	smax.f32 s0, s11;
	s12 =	spop (v2sf)  }
0x8e: {  	s24 =	smax.f32 s0, s12  }
0x8f: {  	vm6 =	veq.f32 v9, s24  }
0x90: {  	v61 =	vsel vm6, $0x3F800000, v6  }
0x91: {  	vm6 =	veq.f32 v10, s24;
	(xrf2) =	vadd.scan.msk.f32 $0xffff, v61  }
0x92: {  	v62 =	vsel vm6, $0x3F800000, v6  }
0x93: {  	vm6 =	veq.f32 v11, s24;
	(xrf2) =	vadd.scan.msk.f32 $0xffff, v62  }
0x94: {  	vm7 =	vlt.f32 v9, s24;
	v63 =	vsel vm6, $0x3F800000, v6  }
0x95: {  	v18 =	vnsel vm7, $0xFF800000, v9;
	vm6 =	veq.f32 v12, s24;
	(xrf2) =	vadd.scan.msk.f32 $0xffff, v63  }
0x96: {  	vm7 =	vlt.f32 v10, s24;
	(xrf0) =	vmax.scan.msk.f32 $0xffff, v18;
	v19 =	vsel vm6, $0x3F800000, v6  }
0x97: {  	v20 =	vnsel vm7, $0xFF800000, v10;
	vm6 =	veq.f32 v13, s24;
	(xrf2) =	vadd.scan.msk.f32 $0xffff, v19  }
0x98: {  	vm7 =	vlt.f32 v11, s24;
	(xrf0) =	vmax.scan.msk.f32 $0xffff, v20;
	v21 =	vsel vm6, $0x3F800000, v6  }
0x99: {  	v22 =	vnsel vm7, $0xFF800000, v11;
	(xrf2) =	vadd.scan.msk.f32 $0xffff, v21  }
0x9a: {  	(xrf0) =	vmax.scan.msk.f32 $0xffff, v22;
	vm6 =	vlt.f32 v12, s24  }
0x9b: {  	v24 =	vnsel vm6, $0xFF800000, v12;
	v23, _, _ =	vpop (xrf2)  }
0x9c: {  	vm6 =	vlt.f32 v13, s24;
	v25, _, _ =	vpop (xrf0);
	(xrf0) =	vmax.scan.msk.f32 $0xffff, v24;
	(v2sf) =	vpush v23, $0xF  }
0x9d: {  	v27 =	vnsel vm6, $0xFF800000, v13;
	v26, _, _ =	vpop (xrf2);
	(v2sf) =	vpush v25, $0xF  }
0x9e: {  	v28, _, _ =	vpop (xrf0);
	(xrf0) =	vmax.scan.msk.f32 $0xffff, v27;
	(v2sf) =	vpush v26, $0xF  }
0x9f: {  	v29, _, _ =	vpop (xrf2);
	(v2sf) =	vpush v28, $0xF  }
0xa0: {  	v30, _, _ =	vpop (xrf0);
	(v2sf) =	vpush v29, $0xF  }
0xa1: {  	v31, _, _ =	vpop (xrf2);
	(v2sf) =	vpush v30, $0xF  }
0xa2: {  	v32, _, _ =	vpop (xrf0);
	(v2sf) =	vpush v31, $0xF  }
0xa3: {  	v33, _, _ =	vpop (xrf2);
	(v2sf) =	vpush v32, $0xF  }
0xa4: {  	v34, _, _ =	vpop (xrf0);
	(v2sf) =	vpush v33, $0xF  }
0xa5: {  	(v2sf) =	vpush v34, $0xF;
	_ =	sdelay $0x5  }
0xa6: {  	s14 =	spop (v2sf)  }
0xa7: {  	s13 =	spop (v2sf)  }
0xa8: {  	s10 =	spop (v2sf)  }
0xa9: {  	s11 =	spop (v2sf)  }
0xaa: {  	s2 =	spop (v2sf)  }
0xab: {  	s31 =	spop (v2sf)  }
0xac: {  	s0 =	spop (v2sf)  }
0xad: {  	s5 =	smax.f32 s13, s11;
	s6 =	spop (v2sf)  }
0xae: {  	s5 =	smax.f32 s5, s31;
	s11 =	spop (v2sf)  }
0xaf: {  	s5 =	smax.f32 s5, s6;
	s15 =	spop (v2sf)  }
0xb0: {  	s31 =	smax.f32 s5, s15  }
0xb1: {  	vm6 =	veq.f32 v9, s31  }
0xb2: {  	v35 =	vsel vm6, $0x3F800000, v6  }
0xb3: {  	vm6 =	veq.f32 v10, s31;
	(xrf2) =	vadd.scan.msk.f32 $0xffff, v35  }
0xb4: {  	v36 =	vsel vm6, $0x3F800000, v6  }
0xb5: {  	vm6 =	veq.f32 v11, s31;
	(xrf2) =	vadd.scan.msk.f32 $0xffff, v36  }
0xb6: {  	vm7 =	vlt.f32 v9, s31;
	v37 =	vsel vm6, $0x3F800000, v6  }
0xb7: {  	v38 =	vnsel vm7, $0xFF800000, v9;
	vm6 =	veq.f32 v12, s31;
	(xrf2) =	vadd.scan.msk.f32 $0xffff, v37  }
0xb8: {  	vm7 =	vlt.f32 v10, s31;
	(xrf0) =	vmax.scan.msk.f32 $0xffff, v38;
	v39 =	vsel vm6, $0x3F800000, v6  }
0xb9: {  	v40 =	vnsel vm7, $0xFF800000, v10;
	vm6 =	veq.f32 v13, s31;
	(xrf2) =	vadd.scan.msk.f32 $0xffff, v39  }
0xba: {  	vm7 =	vlt.f32 v11, s31;
	(xrf0) =	vmax.scan.msk.f32 $0xffff, v40;
	v41 =	vsel vm6, $0x3F800000, v6  }
0xbb: {  	v42 =	vnsel vm7, $0xFF800000, v11;
	(xrf2) =	vadd.scan.msk.f32 $0xffff, v41  }
0xbc: {  	(xrf0) =	vmax.scan.msk.f32 $0xffff, v42;
	vm6 =	vlt.f32 v12, s31  }
0xbd: {  	v44 =	vnsel vm6, $0xFF800000, v12;
	v43, _, _ =	vpop (xrf2)  }
0xbe: {  	vm6 =	vlt.f32 v13, s31;
	v45, _, _ =	vpop (xrf0);
	(xrf0) =	vmax.scan.msk.f32 $0xffff, v44;
	(v2sf) =	vpush v43, $0xF  }
0xbf: {  	v47 =	vnsel vm6, $0xFF800000, v13;
	v46, _, _ =	vpop (xrf2);
	(v2sf) =	vpush v45, $0xF  }
0xc0: {  	v48, _, _ =	vpop (xrf0);
	(xrf0) =	vmax.scan.msk.f32 $0xffff, v47;
	(v2sf) =	vpush v46, $0xF  }
0xc1: {  	v49, _, _ =	vpop (xrf2);
	(v2sf) =	vpush v48, $0xF  }
0xc2: {  	v50, _, _ =	vpop (xrf0);
	(v2sf) =	vpush v49, $0xF  }
0xc3: {  	v51, _, _ =	vpop (xrf2);
	(v2sf) =	vpush v50, $0xF  }
0xc4: {  	v52, _, _ =	vpop (xrf0);
	(v2sf) =	vpush v51, $0xF  }
0xc5: {  	v53, _, _ =	vpop (xrf2);
	(v2sf) =	vpush v52, $0xF  }
0xc6: {  	v54, _, _ =	vpop (xrf0);
	(v2sf) =	vpush v53, $0xF  }
0xc7: {  	(v2sf) =	vpush v54, $0xF;
	_ =	sdelay $0x5  }
0xc8: {  	s6 =	spop (v2sf)  }
0xc9: {  	s5 =	spop (v2sf)  }
0xca: {  	s7 =	spop (v2sf)  }
0xcb: {  	s8 =	spop (v2sf)  }
0xcc: {  	s12 =	spop (v2sf)  }
0xcd: {  	s13 =	spop (v2sf)  }
0xce: {  	s15 =	spop (v2sf)  }
0xcf: {  	s5 =	smax.f32 s5, s8;
	s8 =	spop (v2sf)  }
0xd0: {  	s5 =	smax.f32 s5, s13;
	s13 =	spop (v2sf)  }
0xd1: {  	s5 =	smax.f32 s5, s8;
	s8 =	spop (v2sf)  }
0xd2: {  	s5 =	smax.f32 s5, s8  }
0xd3: {  	vm6 =	veq.f32 v9, s5  }
0xd4: {  	v9 =	vsel vm6, $0x3F800000, v6  }
0xd5: {  	vm6 =	veq.f32 v10, s5;
	(xrf2) =	vadd.scan.msk.f32 $0xffff, v9  }
0xd6: {  	v55 =	vsel vm6, $0x3F800000, v6  }
0xd7: {  	vm6 =	veq.f32 v11, s5;
	(xrf2) =	vadd.scan.msk.f32 $0xffff, v55  }
0xd8: {  	v56 =	vsel vm6, $0x3F800000, v6  }
0xd9: {  	vm6 =	veq.f32 v12, s5;
	(xrf2) =	vadd.scan.msk.f32 $0xffff, v56  }
0xda: {  	v57 =	vsel vm6, $0x3F800000, v6  }
0xdb: {  	vm6 =	veq.f32 v13, s5;
	(xrf2) =	vadd.scan.msk.f32 $0xffff, v57  }
0xdc: {  	v58 =	vsel vm6, $0x3F800000, v6  }
0xdd: {  	s14 =	sadd.f32 $0.0e+00, s14;
	(xrf2) =	vadd.scan.msk.f32 $0xffff, v58;
	_ =	sdelay $0x1  }
0xde: {  	s10 =	sadd.f32 s14, s10;
	v59, _, _ =	vpop (xrf2)  }
0xdf: {  	(v2sf) =	vpush v59, $0xF  }
0xe0: {  	s2 =	sadd.f32 s10, s2;
	v60, _, _ =	vpop (xrf2)  }
0xe1: {  	s23 =	sadd.f32 $0.0e+00, s23;
	(v2sf) =	vpush v60, $0xF  }
0xe2: {  	s0 =	sadd.f32 s2, s0;
	v61, _, _ =	vpop (xrf2)  }
0xe3: {  	s30 =	sadd.f32 $0.0e+00, s30;
	(v2sf) =	vpush v61, $0xF  }
0xe4: {  	s0 =	sadd.f32 s0, s11;
	v62, _, _ =	vpop (xrf2)  }
0xe5: {  	s8 =	sadd.f32 s23, s21;
	(v2sf) =	vpush v62, $0xF  }
0xe6: {  	s21 =	sadd.f32 $0.0e+00, s6;
	v63, _, _ =	vpop (xrf2)  }
0xe7: {  	s8 =	sadd.f32 s8, s22;
	(v2sf) =	vpush v63, $0xF  }
0xe8: {  	s2 =	sadd.f32 s21, s7  }
0xe9: {  	s8 =	sadd.f32 s8, s19  }
0xea: {  	s19 =	sadd.f32 s30, s29  }
0xeb: {  	s2 =	sadd.f32 s2, s12  }
0xec: {  	s19 =	sadd.f32 s19, s26  }
0xed: {  	s8 =	sadd.f32 s8, s20  }
0xee: {  	s19 =	sadd.f32 s19, s25;
	s22 =	spop (v2sf)  }
0xef: {  	s6 =	sadd.f32 $0.0e+00, s22  }
0xf0: {  	v7 =	vnsel vm5, $0x0, v7;
	vm6 =	veq.s32 v0, $0x5;
	s20 =	sadd.f32 s19, s28;
	s23 =	spop (v2sf)  }
0xf1: {  	v7 =	vsel vm6, s8, v7;
	s6 =	sadd.f32 s6, s23  }
0xf2: {  	s2 =	sadd.f32 s2, s15;
	vm6 =	veq.s32 v0, $0x6;
	v7 =	vsel vm0, s18, v7;
	s25 =	spop (v2sf)  }
0xf3: {  	v7 =	vsel vm6, s20, v7;
	s6 =	sadd.f32 s6, s25  }
0xf4: {  	s2 =	sadd.f32 s2, s13;
	vm6 =	veq.s32 v0, $0x7;
	v7 =	vsel vm1, s24, v7;
	s26 =	spop (v2sf)  }
0xf5: {  	v7 =	vsel vm6, s0, v7;
	s28 =	sadd.f32 s6, s26  }
0xf6: {  	vm6 =	veq.s32 v0, $0x8;
	v7 =	vsel vm2, s31, v7;
	s31 =	sshll.u32 s16, $0x4;
	s16 =	sadd.s32 $0x1, s16;
	s29 =	spop (v2sf)  }
0xf7: {  	v7 =	vsel vm6, s2, v7;
	p0 =	sne.s32 s16, $0x20;
	s0 =	sadd.f32 s28, s29  }
.Ltmp1:
0xf8: {  	v8 =	vbroadcast v8, $0xF;
	vm6 =	veq.s32 v0, $0x9;
	v7 =	vsel vm3, s5, v7;
	(pc) =	sbr.rel @p0 .LBB2_2-.Ltmp1, $4  }
0xf9: {  	s30 =	ssub.f32 $0.0e+00, s17;
	v7 =	vsel vm6, s0, v7  }
0xfa: {  	vm6 =	veq.s32 v0, $0xB;
	v7 =	vsel vm4, v8, v7  }
0xfb: {  	s0 =	sand.u32 $0x3FFFFFF0, s31;
	v7 =	vsel vm6, s30, v7  }
0xfc: {  	[tilespmem:s0+$0x2080] =	vst v7  }
0xfd: {  	s0 =	rddreg [dreg:$0x3];
	s2 =	simm.s32 $0x2080  }
0xfe: {  	[hbm4b:s0+s3] =	stream.linear.scatter [tilespmem:s2], [sflag:$0x2], $0x200, $0x38;
	[tilespmem:$0x2380] =	vst v63  }
0xff: {  	_ =	swait.ge [sflag:s9], $0x200  }
0x100: {  	[sflag:s9] =	ssyncset.done $0x0  }
0x101: {  	s24 =	simm.s32 $0x2000;
	s23 =	rddreg [dreg:$0x5];
	[sflag:s9] =	ssyncadd.s32 $0xFFFFFE00  }
0x102: {  	[tilespmem:s24], [sflag:$0x2] =	stream.linear.gather [hbm4b:s23+s3], $0x20, $0x38;
	[tilespmem:$0x2380] =	vst v63  }
0x103: {  	_ =	swait.ge [sflag:s9], $0x20  }
0x104: {  	[sflag:s9] =	ssyncset.done $0x0  }
0x105: {  	[sflag:s9] =	ssyncadd.s32 $0xFFFFFFE0  }
0x106: {  	v7 =	vld [tilespmem:$0x2000];
	_ =	sdelay $0x4  }
0x107: {  	v8 =	vadd.s32 v7, v1;
	_ =	sdelay $0x3  }
0x108: {  	vm6 =	vmmov $0xffff;
	s25 =	simm.s32 $0x2300;
	s26 =	simm.s32 $0x1  }
0x109: {  	[tilespmem:s25], [sflag:$0x1] =	stream.indirect_vreg.gather [hbm4b:s4+s3], $0x1, v8, vm6, $0xb8;
	[tilespmem:$0x2380] =	vst v63  }
0x10a: {  	_ =	swait.ge [sflag:s26], $0x10  }
0x10b: {  	[sflag:s26] =	ssyncset.done $0x0  }
0x10c: {  	[sflag:s26] =	ssyncadd.s32 $0xFFFFFFF0  }
0x10d: {  	v8 =	vld [tilespmem:$0x2010];
	_ =	sdelay $0x2  }
0x10e: {  	v9 =	vld [tilespmem:$0x2300];
	_ =	sdelay $0x1  }
0x10f: {  	v10 =	vadd.s32 v8, v3;
	_ =	sdelay $0x1  }
0x110: {  	vm7 =	vgt.s32 v7, $0x1667F  }
0x111: {  	v7 =	vnsel vm7, $0x0, v9  }
0x112: {  	[tilespmem:$0x2280] =	vst v7  }
0x113: {  	[tilespmem:s25], [sflag:$0x1] =	stream.indirect_vreg.gather [hbm4b:s4+s3], $0x1, v10, vm6, $0xb8;
	[tilespmem:$0x2380] =	vst v63  }
0x114: {  	_ =	swait.ge [sflag:s26], $0x10  }
0x115: {  	[sflag:s26] =	ssyncset.done $0x0  }
0x116: {  	[sflag:s26] =	ssyncadd.s32 $0xFFFFFFF0  }
0x117: {  	v7 =	vld [tilespmem:$0x2300];
	_ =	sdelay $0x3  }
0x118: {  	vm6 =	vgt.s32 v8, $0x1667F  }
0x119: {  	v7 =	vnsel vm6, $0x0, v7  }
0x11a: {  	s29 =	simm.s32 $0x2280;
	s28 =	rddreg [dreg:$0x4];
	[tilespmem:$0x2290] =	vst v7  }
0x11b: {  	[hbm4b:s28+s3] =	stream.linear.scatter [tilespmem:s29], [sflag:$0x2], $0x20, $0x38;
	[tilespmem:$0x2380] =	vst v63  }
0x11c: {  	_ =	swait.ge [sflag:s9], $0x20  }
0x11d: {  	s30 =	rddreg [dreg:$0x7]  }
0x11e: {  	s31 =	rddreg [dreg:$0x6];
	s2 =	sadd.s32 $0x1, s30  }
0x11f: {  	p0 =	sne.s32 s2, s31  }
.Ltmp2:
0x120: {  	_ = 	snop;
	(pc) =	sbr.rel @p0 .LBB2_1-.Ltmp2, $3  }
0x121: {  	_ =	sdelay $0x1  }
0x122: {  	[sflag:s9] =	ssyncset.done $0x0  }
0x123: {  	[sflag:s9] =	ssyncadd.s32 $0xFFFFFFE0  }
0x124: {  	_ =	sfence.sel $0x180000  }
0x125: {  	[bflag:$0x0] =	sbarrier.arrive $0xFFFF  }
0x126: {  	_ =	strace $0x90000047  }
0x127: {  	s0 =	stileid.u32;
	[bflag:$0x2] =	sbarrier.arrive $0xFFFF  }
0x128: {  	p0 =	sne.s32 s0, $0x0;
	s0 =	rddreg [dreg:$0x2]  }
0x129: {  	s0 =	sadd.s32 @!p0 $0x100000, s0  }
0x12a: {  	[sflag:s0] =	ssyncadd.tile.s32 @!p0 $0x1;
	_ =	shalt  }
.Lfunc_end2:
_tile_overlayer_lowered:
.L_overlay_start_2:
0x12b: {  	(tag) =	ssettag $0x2  }
0x12c: {  	s0 =	rddreg [dreg:$0x0];
	s2 =	stileid.u32  }
0x12d: {  	s1 =	rddreg [dreg:$0x1];
	p0 =	sne.s32 s2, $0x0  }
0x12e: {  	s3 =	rddreg [dreg:$0x2];
	[bflag:$0x3] =	sbarrier.arrive $0xFFFF;
	s2 =	simm.s32 @!p0 $0x1C02  }
0x12f: {  	[timem:s3], [sflag:s2] =	dma.local @!p0 [hbm:s0], s1  }
0x130: {  	s0 =	simm.s32 @!p0 $0x2  }
0x131: {  	_ =	swait.ge @!p0 [sflag:s0], s1  }
0x132: {  	s1 =	ssub.s32 @!p0 $0x0, s1;
	[sflag:s0] =	ssyncset.done @!p0 $0x0  }
0x133: {  	[sflag:s0] =	ssyncadd.s32 @!p0 s1  }
0x134: {  	[bflag:$0x3] =	sbarrier.arrive $0xFFFF  }
0x135: {  	_ =	shalt  }

</sc_bundles>
